<compile_context>
chip_gen: v7x
topology: tpu7x:2x2x1
jax: 0.10.2.dev20260603
libtpu: 0.0.44.dev20260713+nightly
codegen_flags: <defaults>
</compile_context>

<pallas_src>
import functools

import jax
import jax.numpy as jnp
from jax import lax
from jax.experimental import pallas as pl
from jax.experimental.pallas import tpu as pltpu
from jax.experimental.pallas import tpu_sc as plsc

B, CH, H, W = 4, 3, 512, 512
HW = H * W
WG = W // 4
P = 256
NW = 32
CPT = B * HW // P // NW
NSEG = 8 * P // 128
GROUPS = P // 16


def _floor_i(v):
    t = v.astype(jnp.int32)
    return jnp.where(t.astype(jnp.float32) > v, t - 1, t)


def _warp_body(img_hbm, kern_hbm, flow_hbm, out_hbm,
               fx_v, fy_v, kb_v, o0_v, idx_v, w_v, g_v, ob_v, flush_s, sem):
    sid = lax.axis_index("s")
    wid = sid * 2 + lax.axis_index("c")
    lanes = lax.iota(jnp.int32, 16)

    def chunk_body(t, carry):
        cid = wid * CPT + t
        b = cid >> 10
        off = (cid & 1023) * P
        pltpu.sync_copy(flow_hbm.at[b, 0, pl.ds(off, P)], fx_v)
        pltpu.sync_copy(flow_hbm.at[b, 1, pl.ds(off, P)], fy_v)
        pltpu.sync_copy(kern_hbm.at[b, :, pl.ds(off, P)], kb_v)
        base4 = b * (HW // 4)

        def grp_a(i, c2):
            p0 = i * 16
            pix = off + p0 + lanes
            xi = pix & (W - 1)
            yi = pix >> 9
            fx = fx_v[pl.ds(p0, 16)]
            fy = fy_v[pl.ds(p0, 16)]
            bx = _floor_i(xi.astype(jnp.float32) + fx)
            by = _floor_i(yi.astype(jnp.float32) + fy)
            tu = fx - _floor_i(fx).astype(jnp.float32)
            tv = fy - _floor_i(fy).astype(jnp.float32)
            u0 = 1.0 - tu
            v0 = 1.0 - tv
            xs = bx - 1
            m0 = xs >> 2
            o0_v[pl.ds(p0, 16)] = xs - (m0 << 2)
            m0c = jnp.minimum(jnp.maximum(m0, 0), WG - 1)
            m1c = jnp.minimum(jnp.maximum(m0 + 1, 0), WG - 1)
            vx = []
            for j in range(4):
                xk = xs + j
                vx.append((xk >= 0) & (xk < W))
            wxy = [u0 * v0, u0 * tv, tu * v0, tu * tv]
            prow = p0 >> 7
            pcol = p0 & 127
            for d in range(4):
                yk = by + (d - 1)
                vy = (yk >= 0) & (yk < H)
                ys = jnp.where(vy, yk, 0)
                basey = base4 + (ys << 7)
                idx_v[2 * (2 * d) + prow, pl.ds(pcol, 16)] = basey + m0c
                idx_v[2 * (2 * d + 1) + prow, pl.ds(pcol, 16)] = basey + m1c
                for j in range(4):
                    k = 4 * j + d
                    wk = kb_v[k, pl.ds(p0, 16)] * wxy[(j // 2) * 2 + (d // 2)]
                    w_v[k, pl.ds(p0, 16)] = jnp.where(vy & vx[j], wk, 0.0)
            return c2

        lax.fori_loop(0, GROUPS, grp_a, 0)
        pltpu.sync_copy(idx_v, flush_s.at[sid])
        copies = [
            pltpu.async_copy(img_hbm.at[idx_v.at[s]],
                             g_v.at[pl.ds(s * 128, 128)], sem)
            for s in range(NSEG)
        ]
        for cp in copies:
            cp.wait()

        def grp_b(i, c2):
            p0 = i * 16
            acc = [jnp.zeros((16,), jnp.float32) for _ in range(CH)]
            o0 = o0_v[pl.ds(p0, 16)]
            pv = p0 + lanes
            for d in range(4):
                for j in range(4):
                    k = 4 * j + d
                    wv = w_v[k, pl.ds(p0, 16)]
                    oj = o0 + j
                    rowv = (2 * d) * P + ((oj >> 2) << 8) + pv
                    colb = (oj & 3) << 2
                    for c in range(CH):
                        gv = plsc.load_gather(g_v, [rowv, colb + c])
                        acc[c] = acc[c] + gv * wv
            for c in range(CH):
                ob_v[c, pl.ds(p0, 16)] = acc[c]
            return c2

        lax.fori_loop(0, GROUPS, grp_b, 0)
        pltpu.sync_copy(ob_v, out_hbm.at[b, :, pl.ds(off, P)])
        return carry

    lax.fori_loop(0, CPT, chunk_body, 0)


def kernel(image, kernel, flow):
    img4 = jnp.pad(jnp.transpose(image, (0, 2, 3, 1)),
                   ((0, 0), (0, 0), (0, 0), (0, 1))).reshape(B * HW // 4, 16)
    kern = kernel.reshape(B, 16, HW)
    fl = flow.reshape(B, 2, HW)
    mesh = plsc.VectorSubcoreMesh(core_axis_name="c", subcore_axis_name="s",
                                  num_cores=2, num_subcores=16)
    out = pl.kernel(
        _warp_body,
        out_type=jax.ShapeDtypeStruct((B, CH, HW), jnp.float32),
        mesh=mesh,
        compiler_params=pltpu.CompilerParams(needs_layout_passes=False,
                                             use_tc_tiling_on_sc=False),
        scratch_types=[
            pltpu.VMEM((P,), jnp.float32),
            pltpu.VMEM((P,), jnp.float32),
            pltpu.VMEM((16, P), jnp.float32),
            pltpu.VMEM((P,), jnp.int32),
            pltpu.VMEM((NSEG, 128), jnp.int32),
            pltpu.VMEM((16, P), jnp.float32),
            pltpu.VMEM((8 * P, 16), jnp.float32),
            pltpu.VMEM((CH, P), jnp.float32),
            pltpu.VMEM_SHARED((16, NSEG, 128), jnp.int32),
            pltpu.SemaphoreType.DMA,
        ],
    )(img4, kern, fl)
    return out.reshape(B, CH, H, W)

# --- scband reference (transcript-rebuilt; emitter-appended) ---
"""Pipeline reference for scband-adaptive-warping-layer-50345606643913 (READ-ONLY COPY).

The authoritative reference and input builder live on the scoring server;
editing this copy changes nothing except your own understanding.
"""

import jax, jax.numpy as jnp
import numpy as np

B, Ch, H, W = 4, 3, 512, 512


def setup_inputs(seed: int = 0) -> dict:
    key = jax.random.key(seed)
    k1, k2, k3 = jax.random.split(key, 3)
    image = jax.random.normal(k1, (B, Ch, H, W), dtype=jnp.float32)
    kernel = jax.random.normal(k2, (B, 16, H, W), dtype=jnp.float32)
    flow = jax.random.normal(k3, (B, 2, H, W), dtype=jnp.float32)
    return {"image": image, "kernel": kernel, "flow": flow}


def reference(image, kernel, flow):
    Bs, Chs, Hs, Ws = image.shape
    y_grid, x_grid = jnp.meshgrid(jnp.arange(Hs), jnp.arange(Ws), indexing='ij')
    mesh_of_tp1 = jnp.stack([x_grid, y_grid], axis=0)[None].astype(flow.dtype)  # [1,2,H,W]
    r = jnp.array([[-1, -1, -1, -1, 0, 0, 0, 0, 1, 1, 1, 1, 2, 2, 2, 2],
                   [-1, 0, 1, 2, -1, 0, 1, 2, -1, 0, 1, 2, -1, 0, 1, 2]], dtype=jnp.int32).T
    r = r[:, None, :, None, None]  # [16,1,2,1,1]
    mesh_of_t = jnp.floor(mesh_of_tp1 + flow).astype(jnp.int32)  # [B,2,H,W]
    theta = flow - jnp.floor(flow)  # [B,2,H,W]
    mesh_of_t_16 = mesh_of_t[None] + r  # [16,B,2,H,W]
    in_range = ((mesh_of_t_16[:, :, 0] >= 0) & (mesh_of_t_16[:, :, 0] < Ws)
                & (mesh_of_t_16[:, :, 1] >= 0) & (mesh_of_t_16[:, :, 1] < Hs))  # [16,B,H,W]
    mesh_of_t_16 = jnp.where(in_range[:, :, None], mesh_of_t_16, 0)
    y_of_t_16 = mesh_of_t_16[:, :, 1][:, :, None]  # [16,B,1,H,W]
    x_of_t_16 = mesh_of_t_16[:, :, 0][:, :, None]  # [16,B,1,H,W]
    b_idx = jnp.arange(Bs)[None, :, None, None, None]
    c_idx = jnp.arange(Chs)[None, None, :, None, None]
    image_picked_16 = image[b_idx, c_idx, y_of_t_16, x_of_t_16]  # gather -> [16,B,Ch,H,W]
    image_picked_16 = image_picked_16 * in_range[:, :, None].astype(image.dtype)
    k16 = jnp.transpose(kernel, (1, 0, 2, 3))[:, :, None]  # [16,B,1,H,W]
    theta_u = theta[:, 0][:, None]  # [B,1,H,W]
    theta_v = theta[:, 1][:, None]  # [B,1,H,W]
    theta_16 = (jnp.stack([1 - theta_u] * 8 + [theta_u] * 8, axis=0)
                * jnp.stack([1 - theta_v, 1 - theta_v, theta_v, theta_v] * 4, axis=0))  # [16,B,1,H,W]
    image_warped_16 = image_picked_16 * k16 * theta_16
    image_warped = jnp.sum(image_warped_16, axis=0)  # [B,Ch,H,W]
    return image_warped

if __name__ == "__main__":
    import jax
    _d = setup_inputs()
    print(jax.jit(kernel)(*tuple(_d.values())))

</pallas_src>

<mosaic_0001>
#map = affine_map<(d0, d1) -> (0, 0)>
#map1 = affine_map<(d0, d1) -> (0, 0, 0)>
module attributes {stable_mosaic.version = 14 : i64} {
  func.func @_warp_body(%arg0: i32, %arg1: i32, %arg2: memref<262144x16xf32, #tpu.memory_space<hbm>>, %arg3: memref<4x16x262144xf32, #tpu.memory_space<hbm>>, %arg4: memref<4x2x262144xf32, #tpu.memory_space<hbm>>, %arg5: memref<4x3x262144xf32, #tpu.memory_space<hbm>>, %arg6: memref<256xf32, #tpu.memory_space<vmem>>, %arg7: memref<256xf32, #tpu.memory_space<vmem>>, %arg8: memref<16x256xf32, #tpu.memory_space<vmem>>, %arg9: memref<256xi32, #tpu.memory_space<vmem>>, %arg10: memref<16x128xi32, #tpu.memory_space<vmem>>, %arg11: memref<16x256xf32, #tpu.memory_space<vmem>>, %arg12: memref<2048x16xf32, #tpu.memory_space<vmem>>, %arg13: memref<3x256xf32, #tpu.memory_space<vmem>>, %arg14: memref<16x16x128xi32, #tpu.memory_space<vmem_shared>>, %arg15: memref<!tpu.dma_semaphore, #tpu.memory_space<semaphore_mem>>) attributes {dimension_semantics = [#tpu.dimension_semantics<core_parallel>, #tpu.dimension_semantics<subcore_parallel>], iteration_bounds = array<i64: 2, 16>, scalar_prefetch = 0 : i64, scratch_operands = 10 : i64, tpu.core_type = #tpu.core_type<sc_vector_subcore>, window_params = [{transform_indices = #map}, {transform_indices = #map1}, {transform_indices = #map1}, {transform_indices = #map1}]} {
    %mul3A = arith.constant 2 : i32
    %mul3A_0 = arith.muli %arg1, %mul3A : i32
    %add3A = arith.addi %mul3A_0, %arg0 : i32
    %iota3A = tpu.iota {dimensions = array<i32: 0>} : vector<16xi32>
    %scan3A = arith.constant 0 : i32
    %scan3A_1 = arith.constant 0 : i32
    %scan3A_2 = arith.constant 128 : i32
    %scan3A_3 = arith.addi %scan3A_1, %scan3A_2 : i32
    %scan3A_4 = arith.constant 1 : i32
    scf.for %scan3A_6 = %scan3A_1 to %scan3A_3 step %scan3A_4  : i32 {
      %mul3A_7 = arith.constant 128 : i32
      %mul3A_8 = arith.muli %add3A, %mul3A_7 : i32
      %add3A_9 = arith.addi %mul3A_8, %scan3A_6 : i32
      %shift_right_arithmetic3A = arith.constant 10 : i32
      %shift_right_arithmetic3A_10 = arith.shrsi %add3A_9, %shift_right_arithmetic3A : i32
      %and3A = arith.constant 1023 : i32
      %and3A_11 = arith.andi %add3A_9, %and3A : i32
      %mul3A_12 = arith.constant 256 : i32
      %mul3A_13 = arith.muli %and3A_11, %mul3A_12 : i32
      %run_scoped3A = arith.constant 0 : i32
      "tpu.region"() ({
        %run_scoped3A_347 = tpu.sem_alloc : memref<!tpu.dma_semaphore, #tpu.memory_space<semaphore_mem>>
        %dma_start3A_348 = tpu.memref_slice %arg4[%shift_right_arithmetic3A_10, %run_scoped3A, %mul3A_13] : memref<4x2x262144xf32, #tpu.memory_space<hbm>> -> memref<1x1x256xf32, #tpu.memory_space<hbm>>
        %dma_start3A_349 = tpu.memref_squeeze %dma_start3A_348 : memref<1x1x256xf32, #tpu.memory_space<hbm>> -> memref<256xf32, #tpu.memory_space<hbm>>
        %dma_start3A_350 = tpu.memref_slice %arg4[%shift_right_arithmetic3A_10, %run_scoped3A, %mul3A_13] : memref<4x2x262144xf32, #tpu.memory_space<hbm>> -> memref<1x1x256xf32, #tpu.memory_space<hbm>>
        %dma_start3A_351 = tpu.memref_squeeze %dma_start3A_350 : memref<1x1x256xf32, #tpu.memory_space<hbm>> -> memref<256xf32, #tpu.memory_space<hbm>>
        tpu.enqueue_dma source(%dma_start3A_351 : memref<256xf32, #tpu.memory_space<hbm>>) target(%arg6 : memref<256xf32, #tpu.memory_space<vmem>>) target_semaphore(%run_scoped3A_347 : memref<!tpu.dma_semaphore, #tpu.memory_space<semaphore_mem>>)
        %dma_wait3A_352 = tpu.memref_slice %arg4[%shift_right_arithmetic3A_10, %run_scoped3A, %mul3A_13] : memref<4x2x262144xf32, #tpu.memory_space<hbm>> -> memref<1x1x256xf32, #tpu.memory_space<hbm>>
        %dma_wait3A_353 = tpu.memref_squeeze %dma_wait3A_352 : memref<1x1x256xf32, #tpu.memory_space<hbm>> -> memref<256xf32, #tpu.memory_space<hbm>>
        %dma_wait3A_354 = tpu.memref_slice %arg4[%shift_right_arithmetic3A_10, %run_scoped3A, %mul3A_13] : memref<4x2x262144xf32, #tpu.memory_space<hbm>> -> memref<1x1x256xf32, #tpu.memory_space<hbm>>
        %dma_wait3A_355 = tpu.memref_squeeze %dma_wait3A_354 : memref<1x1x256xf32, #tpu.memory_space<hbm>> -> memref<256xf32, #tpu.memory_space<hbm>>
        tpu.wait_dma2 semaphore(%run_scoped3A_347 : memref<!tpu.dma_semaphore, #tpu.memory_space<semaphore_mem>>) src(%dma_wait3A_355 : memref<256xf32, #tpu.memory_space<hbm>>) dst(%arg6 : memref<256xf32, #tpu.memory_space<vmem>>)
        tpu.yield
      }) : () -> ()
      %run_scoped3A_14 = arith.constant 1 : i32
      "tpu.region"() ({
        %run_scoped3A_347 = tpu.sem_alloc : memref<!tpu.dma_semaphore, #tpu.memory_space<semaphore_mem>>
        %dma_start3A_348 = tpu.memref_slice %arg4[%shift_right_arithmetic3A_10, %run_scoped3A_14, %mul3A_13] : memref<4x2x262144xf32, #tpu.memory_space<hbm>> -> memref<1x1x256xf32, #tpu.memory_space<hbm>>
        %dma_start3A_349 = tpu.memref_squeeze %dma_start3A_348 : memref<1x1x256xf32, #tpu.memory_space<hbm>> -> memref<256xf32, #tpu.memory_space<hbm>>
        %dma_start3A_350 = tpu.memref_slice %arg4[%shift_right_arithmetic3A_10, %run_scoped3A_14, %mul3A_13] : memref<4x2x262144xf32, #tpu.memory_space<hbm>> -> memref<1x1x256xf32, #tpu.memory_space<hbm>>
        %dma_start3A_351 = tpu.memref_squeeze %dma_start3A_350 : memref<1x1x256xf32, #tpu.memory_space<hbm>> -> memref<256xf32, #tpu.memory_space<hbm>>
        tpu.enqueue_dma source(%dma_start3A_351 : memref<256xf32, #tpu.memory_space<hbm>>) target(%arg7 : memref<256xf32, #tpu.memory_space<vmem>>) target_semaphore(%run_scoped3A_347 : memref<!tpu.dma_semaphore, #tpu.memory_space<semaphore_mem>>)
        %dma_wait3A_352 = tpu.memref_slice %arg4[%shift_right_arithmetic3A_10, %run_scoped3A_14, %mul3A_13] : memref<4x2x262144xf32, #tpu.memory_space<hbm>> -> memref<1x1x256xf32, #tpu.memory_space<hbm>>
        %dma_wait3A_353 = tpu.memref_squeeze %dma_wait3A_352 : memref<1x1x256xf32, #tpu.memory_space<hbm>> -> memref<256xf32, #tpu.memory_space<hbm>>
        %dma_wait3A_354 = tpu.memref_slice %arg4[%shift_right_arithmetic3A_10, %run_scoped3A_14, %mul3A_13] : memref<4x2x262144xf32, #tpu.memory_space<hbm>> -> memref<1x1x256xf32, #tpu.memory_space<hbm>>
        %dma_wait3A_355 = tpu.memref_squeeze %dma_wait3A_354 : memref<1x1x256xf32, #tpu.memory_space<hbm>> -> memref<256xf32, #tpu.memory_space<hbm>>
        tpu.wait_dma2 semaphore(%run_scoped3A_347 : memref<!tpu.dma_semaphore, #tpu.memory_space<semaphore_mem>>) src(%dma_wait3A_355 : memref<256xf32, #tpu.memory_space<hbm>>) dst(%arg7 : memref<256xf32, #tpu.memory_space<vmem>>)
        tpu.yield
      }) : () -> ()
      "tpu.region"() ({
        %run_scoped3A_347 = tpu.sem_alloc : memref<!tpu.dma_semaphore, #tpu.memory_space<semaphore_mem>>
        %dma_start3A_348 = arith.constant 0 : i32
        %dma_start3A_349 = tpu.memref_slice %arg3[%shift_right_arithmetic3A_10, %dma_start3A_348, %mul3A_13] : memref<4x16x262144xf32, #tpu.memory_space<hbm>> -> memref<1x16x256xf32, #tpu.memory_space<hbm>>
        %dma_start3A_350 = tpu.memref_squeeze %dma_start3A_349 : memref<1x16x256xf32, #tpu.memory_space<hbm>> -> memref<16x256xf32, #tpu.memory_space<hbm>>
        %dma_start3A_351 = arith.constant 0 : i32
        %dma_start3A_352 = tpu.memref_slice %arg3[%shift_right_arithmetic3A_10, %dma_start3A_351, %mul3A_13] : memref<4x16x262144xf32, #tpu.memory_space<hbm>> -> memref<1x16x256xf32, #tpu.memory_space<hbm>>
        %dma_start3A_353 = tpu.memref_squeeze %dma_start3A_352 : memref<1x16x256xf32, #tpu.memory_space<hbm>> -> memref<16x256xf32, #tpu.memory_space<hbm>>
        tpu.enqueue_dma source(%dma_start3A_353 : memref<16x256xf32, #tpu.memory_space<hbm>>) target(%arg8 : memref<16x256xf32, #tpu.memory_space<vmem>>) target_semaphore(%run_scoped3A_347 : memref<!tpu.dma_semaphore, #tpu.memory_space<semaphore_mem>>)
        %dma_wait3A_354 = arith.constant 0 : i32
        %dma_wait3A_355 = tpu.memref_slice %arg3[%shift_right_arithmetic3A_10, %dma_wait3A_354, %mul3A_13] : memref<4x16x262144xf32, #tpu.memory_space<hbm>> -> memref<1x16x256xf32, #tpu.memory_space<hbm>>
        %dma_wait3A_356 = tpu.memref_squeeze %dma_wait3A_355 : memref<1x16x256xf32, #tpu.memory_space<hbm>> -> memref<16x256xf32, #tpu.memory_space<hbm>>
        %dma_wait3A_357 = arith.constant 0 : i32
        %dma_wait3A_358 = tpu.memref_slice %arg3[%shift_right_arithmetic3A_10, %dma_wait3A_357, %mul3A_13] : memref<4x16x262144xf32, #tpu.memory_space<hbm>> -> memref<1x16x256xf32, #tpu.memory_space<hbm>>
        %dma_wait3A_359 = tpu.memref_squeeze %dma_wait3A_358 : memref<1x16x256xf32, #tpu.memory_space<hbm>> -> memref<16x256xf32, #tpu.memory_space<hbm>>
        tpu.wait_dma2 semaphore(%run_scoped3A_347 : memref<!tpu.dma_semaphore, #tpu.memory_space<semaphore_mem>>) src(%dma_wait3A_359 : memref<16x256xf32, #tpu.memory_space<hbm>>) dst(%arg8 : memref<16x256xf32, #tpu.memory_space<vmem>>)
        tpu.yield
      }) : () -> ()
      %mul3A_15 = arith.constant 65536 : i32
      %mul3A_16 = arith.muli %shift_right_arithmetic3A_10, %mul3A_15 : i32
      %scan3A_17 = arith.constant 0 : i32
      %scan3A_18 = arith.constant 0 : i32
      %scan3A_19 = arith.constant 16 : i32
      %scan3A_20 = arith.addi %scan3A_18, %scan3A_19 : i32
      %scan3A_21 = arith.constant 1 : i32
      scf.for %scan3A_347 = %scan3A_18 to %scan3A_20 step %scan3A_21  : i32 {
        %mul3A_348 = arith.constant 16 : i32
        %mul3A_349 = arith.muli %scan3A_347, %mul3A_348 : i32
        %add3A_350 = arith.addi %mul3A_13, %mul3A_349 : i32
        %add3A_351 = vector.broadcast %add3A_350 : i32 to vector<16xi32>
        %add3A_352 = arith.addi %add3A_351, %iota3A : vector<16xi32>
        %and3A_353 = arith.constant 511 : i32
        %and3A_354 = vector.broadcast %and3A_353 : i32 to vector<16xi32>
        %and3A_355 = arith.andi %add3A_352, %and3A_354 : vector<16xi32>
        %shift_right_arithmetic3A_356 = arith.constant 9 : i32
        %shift_right_arithmetic3A_357 = vector.broadcast %shift_right_arithmetic3A_356 : i32 to vector<16xi32>
        %shift_right_arithmetic3A_358 = arith.shrsi %add3A_352, %shift_right_arithmetic3A_357 : vector<16xi32>
        %get3A = arith.index_cast %mul3A_349 : i32 to index
        %get3A_359 = tpu.vector_load %arg6[%get3A] {strides = array<i32>} : memref<256xf32, #tpu.memory_space<vmem>>, vector<16xf32>,
        %get3A_360 = arith.index_cast %mul3A_349 : i32 to index
        %get3A_361 = tpu.vector_load %arg7[%get3A_360] {strides = array<i32>} : memref<256xf32, #tpu.memory_space<vmem>>, vector<16xf32>,
        %convert_element_type3A = arith.sitofp %and3A_355 : vector<16xi32> to vector<16xf32>
        %add3A_362 = arith.addf %convert_element_type3A, %get3A_359 : vector<16xf32>
        %convert_element_type3A_363 = arith.fptosi %add3A_362 : vector<16xf32> to vector<16xi32>
        %convert_element_type3A_364 = arith.sitofp %convert_element_type3A_363 : vector<16xi32> to vector<16xf32>
        %gt3A = arith.cmpf ogt, %convert_element_type3A_364, %add3A_362 : vector<16xf32>
        %sub3A = arith.constant 1 : i32
        %sub3A_365 = vector.broadcast %sub3A : i32 to vector<16xi32>
        %sub3A_366 = arith.subi %convert_element_type3A_363, %sub3A_365 : vector<16xi32>
        %select_n3A = arith.select %gt3A, %sub3A_366, %convert_element_type3A_363 : vector<16xi1>, vector<16xi32>
        %convert_element_type3A_367 = arith.sitofp %shift_right_arithmetic3A_358 : vector<16xi32> to vector<16xf32>
        %add3A_368 = arith.addf %convert_element_type3A_367, %get3A_361 : vector<16xf32>
        %convert_element_type3A_369 = arith.fptosi %add3A_368 : vector<16xf32> to vector<16xi32>
        %convert_element_type3A_370 = arith.sitofp %convert_element_type3A_369 : vector<16xi32> to vector<16xf32>
        %gt3A_371 = arith.cmpf ogt, %convert_element_type3A_370, %add3A_368 : vector<16xf32>
        %sub3A_372 = arith.constant 1 : i32
        %sub3A_373 = vector.broadcast %sub3A_372 : i32 to vector<16xi32>
        %sub3A_374 = arith.subi %convert_element_type3A_369, %sub3A_373 : vector<16xi32>
        %select_n3A_375 = arith.select %gt3A_371, %sub3A_374, %convert_element_type3A_369 : vector<16xi1>, vector<16xi32>
        %convert_element_type3A_376 = arith.fptosi %get3A_359 : vector<16xf32> to vector<16xi32>
        %convert_element_type3A_377 = arith.sitofp %convert_element_type3A_376 : vector<16xi32> to vector<16xf32>
        %gt3A_378 = arith.cmpf ogt, %convert_element_type3A_377, %get3A_359 : vector<16xf32>
        %sub3A_379 = arith.constant 1 : i32
        %sub3A_380 = vector.broadcast %sub3A_379 : i32 to vector<16xi32>
        %sub3A_381 = arith.subi %convert_element_type3A_376, %sub3A_380 : vector<16xi32>
        %select_n3A_382 = arith.select %gt3A_378, %sub3A_381, %convert_element_type3A_376 : vector<16xi1>, vector<16xi32>
        %convert_element_type3A_383 = arith.sitofp %select_n3A_382 : vector<16xi32> to vector<16xf32>
        %sub3A_384 = arith.subf %get3A_359, %convert_element_type3A_383 : vector<16xf32>
        %convert_element_type3A_385 = arith.fptosi %get3A_361 : vector<16xf32> to vector<16xi32>
        %convert_element_type3A_386 = arith.sitofp %convert_element_type3A_385 : vector<16xi32> to vector<16xf32>
        %gt3A_387 = arith.cmpf ogt, %convert_element_type3A_386, %get3A_361 : vector<16xf32>
        %sub3A_388 = arith.constant 1 : i32
        %sub3A_389 = vector.broadcast %sub3A_388 : i32 to vector<16xi32>
        %sub3A_390 = arith.subi %convert_element_type3A_385, %sub3A_389 : vector<16xi32>
        %select_n3A_391 = arith.select %gt3A_387, %sub3A_390, %convert_element_type3A_385 : vector<16xi1>, vector<16xi32>
        %convert_element_type3A_392 = arith.sitofp %select_n3A_391 : vector<16xi32> to vector<16xf32>
        %sub3A_393 = arith.subf %get3A_361, %convert_element_type3A_392 : vector<16xf32>
        %sub3A_394 = arith.constant 1.000000e+00 : f32
        %sub3A_395 = vector.broadcast %sub3A_394 : f32 to vector<16xf32>
        %sub3A_396 = arith.subf %sub3A_395, %sub3A_384 : vector<16xf32>
        %sub3A_397 = arith.constant 1.000000e+00 : f32
        %sub3A_398 = vector.broadcast %sub3A_397 : f32 to vector<16xf32>
        %sub3A_399 = arith.subf %sub3A_398, %sub3A_393 : vector<16xf32>
        %sub3A_400 = arith.constant 1 : i32
        %sub3A_401 = vector.broadcast %sub3A_400 : i32 to vector<16xi32>
        %sub3A_402 = arith.subi %select_n3A, %sub3A_401 : vector<16xi32>
        %shift_right_arithmetic3A_403 = arith.constant 2 : i32
        %shift_right_arithmetic3A_404 = vector.broadcast %shift_right_arithmetic3A_403 : i32 to vector<16xi32>
        %shift_right_arithmetic3A_405 = arith.shrsi %sub3A_402, %shift_right_arithmetic3A_404 : vector<16xi32>
        %shift_left3A = arith.constant 2 : i32
        %shift_left3A_406 = vector.broadcast %shift_left3A : i32 to vector<16xi32>
        %shift_left3A_407 = arith.shli %shift_right_arithmetic3A_405, %shift_left3A_406 : vector<16xi32>
        %sub3A_408 = arith.subi %sub3A_402, %shift_left3A_407 : vector<16xi32>
        %swap3A = arith.index_cast %mul3A_349 : i32 to index
        %swap3A_409 = tpu.vector_load %arg9[%swap3A] {strides = array<i32>} : memref<256xi32, #tpu.memory_space<vmem>>, vector<16xi32>,
        tpu.vector_store %arg9[%swap3A], %sub3A_408 {strides = array<i32>} : memref<256xi32, #tpu.memory_space<vmem>>, vector<16xi32>,
        %max3A = arith.constant 0 : i32
        %max3A_410 = vector.broadcast %max3A : i32 to vector<16xi32>
        %max3A_411 = arith.maxsi %shift_right_arithmetic3A_405, %max3A_410 : vector<16xi32>
        %min3A = arith.constant 127 : i32
        %min3A_412 = vector.broadcast %min3A : i32 to vector<16xi32>
        %min3A_413 = arith.minsi %max3A_411, %min3A_412 : vector<16xi32>
        %add3A_414 = arith.constant 1 : i32
        %add3A_415 = vector.broadcast %add3A_414 : i32 to vector<16xi32>
        %add3A_416 = arith.addi %shift_right_arithmetic3A_405, %add3A_415 : vector<16xi32>
        %max3A_417 = arith.constant 0 : i32
        %max3A_418 = vector.broadcast %max3A_417 : i32 to vector<16xi32>
        %max3A_419 = arith.maxsi %add3A_416, %max3A_418 : vector<16xi32>
        %min3A_420 = arith.constant 127 : i32
        %min3A_421 = vector.broadcast %min3A_420 : i32 to vector<16xi32>
        %min3A_422 = arith.minsi %max3A_419, %min3A_421 : vector<16xi32>
        %add3A_423 = arith.constant 0 : i32
        %add3A_424 = vector.broadcast %add3A_423 : i32 to vector<16xi32>
        %add3A_425 = arith.addi %sub3A_402, %add3A_424 : vector<16xi32>
        %ge3A = arith.constant 0 : i32
        %ge3A_426 = vector.broadcast %ge3A : i32 to vector<16xi32>
        %ge3A_427 = arith.cmpi sge, %add3A_425, %ge3A_426 : vector<16xi32>
        %lt3A = arith.constant 512 : i32
        %lt3A_428 = vector.broadcast %lt3A : i32 to vector<16xi32>
        %lt3A_429 = arith.cmpi slt, %add3A_425, %lt3A_428 : vector<16xi32>
        %and3A_430 = arith.andi %ge3A_427, %lt3A_429 : vector<16xi1>
        %add3A_431 = arith.constant 1 : i32
        %add3A_432 = vector.broadcast %add3A_431 : i32 to vector<16xi32>
        %add3A_433 = arith.addi %sub3A_402, %add3A_432 : vector<16xi32>
        %ge3A_434 = arith.constant 0 : i32
        %ge3A_435 = vector.broadcast %ge3A_434 : i32 to vector<16xi32>
        %ge3A_436 = arith.cmpi sge, %add3A_433, %ge3A_435 : vector<16xi32>
        %lt3A_437 = arith.constant 512 : i32
        %lt3A_438 = vector.broadcast %lt3A_437 : i32 to vector<16xi32>
        %lt3A_439 = arith.cmpi slt, %add3A_433, %lt3A_438 : vector<16xi32>
        %and3A_440 = arith.andi %ge3A_436, %lt3A_439 : vector<16xi1>
        %add3A_441 = arith.constant 2 : i32
        %add3A_442 = vector.broadcast %add3A_441 : i32 to vector<16xi32>
        %add3A_443 = arith.addi %sub3A_402, %add3A_442 : vector<16xi32>
        %ge3A_444 = arith.constant 0 : i32
        %ge3A_445 = vector.broadcast %ge3A_444 : i32 to vector<16xi32>
        %ge3A_446 = arith.cmpi sge, %add3A_443, %ge3A_445 : vector<16xi32>
        %lt3A_447 = arith.constant 512 : i32
        %lt3A_448 = vector.broadcast %lt3A_447 : i32 to vector<16xi32>
        %lt3A_449 = arith.cmpi slt, %add3A_443, %lt3A_448 : vector<16xi32>
        %and3A_450 = arith.andi %ge3A_446, %lt3A_449 : vector<16xi1>
        %add3A_451 = arith.constant 3 : i32
        %add3A_452 = vector.broadcast %add3A_451 : i32 to vector<16xi32>
        %add3A_453 = arith.addi %sub3A_402, %add3A_452 : vector<16xi32>
        %ge3A_454 = arith.constant 0 : i32
        %ge3A_455 = vector.broadcast %ge3A_454 : i32 to vector<16xi32>
        %ge3A_456 = arith.cmpi sge, %add3A_453, %ge3A_455 : vector<16xi32>
        %lt3A_457 = arith.constant 512 : i32
        %lt3A_458 = vector.broadcast %lt3A_457 : i32 to vector<16xi32>
        %lt3A_459 = arith.cmpi slt, %add3A_453, %lt3A_458 : vector<16xi32>
        %and3A_460 = arith.andi %ge3A_456, %lt3A_459 : vector<16xi1>
        %mul3A_461 = arith.mulf %sub3A_396, %sub3A_399 : vector<16xf32>
        %mul3A_462 = arith.mulf %sub3A_396, %sub3A_393 : vector<16xf32>
        %mul3A_463 = arith.mulf %sub3A_384, %sub3A_399 : vector<16xf32>
        %mul3A_464 = arith.mulf %sub3A_384, %sub3A_393 : vector<16xf32>
        %shift_right_arithmetic3A_465 = arith.constant 7 : i32
        %shift_right_arithmetic3A_466 = arith.shrsi %mul3A_349, %shift_right_arithmetic3A_465 : i32
        %and3A_467 = arith.constant 127 : i32
        %and3A_468 = arith.andi %mul3A_349, %and3A_467 : i32
        %add3A_469 = arith.constant -1 : i32
        %add3A_470 = vector.broadcast %add3A_469 : i32 to vector<16xi32>
        %add3A_471 = arith.addi %select_n3A_375, %add3A_470 : vector<16xi32>
        %ge3A_472 = arith.constant 0 : i32
        %ge3A_473 = vector.broadcast %ge3A_472 : i32 to vector<16xi32>
        %ge3A_474 = arith.cmpi sge, %add3A_471, %ge3A_473 : vector<16xi32>
        %lt3A_475 = arith.constant 512 : i32
        %lt3A_476 = vector.broadcast %lt3A_475 : i32 to vector<16xi32>
        %lt3A_477 = arith.cmpi slt, %add3A_471, %lt3A_476 : vector<16xi32>
        %and3A_478 = arith.andi %ge3A_474, %lt3A_477 : vector<16xi1>
        %jit3A = arith.constant 0 : i32
        %broadcast_in_dim3A = vector.broadcast %jit3A : i32 to vector<16xi32>
        %select_n3A_479 = arith.select %and3A_478, %add3A_471, %broadcast_in_dim3A : vector<16xi1>, vector<16xi32>
        %shift_left3A_480 = arith.constant 7 : i32
        %shift_left3A_481 = vector.broadcast %shift_left3A_480 : i32 to vector<16xi32>
        %shift_left3A_482 = arith.shli %select_n3A_479, %shift_left3A_481 : vector<16xi32>
        %add3A_483 = vector.broadcast %mul3A_16 : i32 to vector<16xi32>
        %add3A_484 = arith.addi %add3A_483, %shift_left3A_482 : vector<16xi32>
        %add3A_485 = arith.addi %add3A_484, %min3A_413 : vector<16xi32>
        %add3A_486 = arith.constant 0 : i32
        %add3A_487 = arith.addi %add3A_486, %shift_right_arithmetic3A_466 : i32
        %swap3A_488 = arith.index_cast %add3A_487 : i32 to index
        %swap3A_489 = arith.index_cast %and3A_468 : i32 to index
        %swap3A_490 = tpu.vector_load %arg10[%swap3A_488, %swap3A_489] {strides = array<i32>} : memref<16x128xi32, #tpu.memory_space<vmem>>, vector<16xi32>,
        tpu.vector_store %arg10[%swap3A_488, %swap3A_489], %add3A_485 {strides = array<i32>} : memref<16x128xi32, #tpu.memory_space<vmem>>, vector<16xi32>,
        %add3A_491 = arith.addi %add3A_484, %min3A_422 : vector<16xi32>
        %add3A_492 = arith.constant 2 : i32
        %add3A_493 = arith.addi %add3A_492, %shift_right_arithmetic3A_466 : i32
        %swap3A_494 = arith.index_cast %add3A_493 : i32 to index
        %swap3A_495 = arith.index_cast %and3A_468 : i32 to index
        %swap3A_496 = tpu.vector_load %arg10[%swap3A_494, %swap3A_495] {strides = array<i32>} : memref<16x128xi32, #tpu.memory_space<vmem>>, vector<16xi32>,
        tpu.vector_store %arg10[%swap3A_494, %swap3A_495], %add3A_491 {strides = array<i32>} : memref<16x128xi32, #tpu.memory_space<vmem>>, vector<16xi32>,
        %get3A_497 = arith.constant 0 : i32
        %get3A_498 = arith.index_cast %get3A_497 : i32 to index
        %get3A_499 = arith.index_cast %mul3A_349 : i32 to index
        %get3A_500 = tpu.vector_load %arg8[%get3A_498, %get3A_499] {strides = array<i32>} : memref<16x256xf32, #tpu.memory_space<vmem>>, vector<16xf32>,
        %mul3A_501 = arith.mulf %get3A_500, %mul3A_461 : vector<16xf32>
        %and3A_502 = arith.andi %and3A_478, %and3A_430 : vector<16xi1>
        %jit3A_503 = arith.constant 0.000000e+00 : f32
        %broadcast_in_dim3A_504 = vector.broadcast %jit3A_503 : f32 to vector<16xf32>
        %select_n3A_505 = arith.select %and3A_502, %mul3A_501, %broadcast_in_dim3A_504 : vector<16xi1>, vector<16xf32>
        %swap3A_506 = arith.constant 0 : i32
        %swap3A_507 = arith.index_cast %swap3A_506 : i32 to index
        %swap3A_508 = arith.index_cast %mul3A_349 : i32 to index
        %swap3A_509 = tpu.vector_load %arg11[%swap3A_507, %swap3A_508] {strides = array<i32>} : memref<16x256xf32, #tpu.memory_space<vmem>>, vector<16xf32>,
        tpu.vector_store %arg11[%swap3A_507, %swap3A_508], %select_n3A_505 {strides = array<i32>} : memref<16x256xf32, #tpu.memory_space<vmem>>, vector<16xf32>,
        %get3A_510 = arith.constant 4 : i32
        %get3A_511 = arith.index_cast %get3A_510 : i32 to index
        %get3A_512 = arith.index_cast %mul3A_349 : i32 to index
        %get3A_513 = tpu.vector_load %arg8[%get3A_511, %get3A_512] {strides = array<i32>} : memref<16x256xf32, #tpu.memory_space<vmem>>, vector<16xf32>,
        %mul3A_514 = arith.mulf %get3A_513, %mul3A_461 : vector<16xf32>
        %and3A_515 = arith.andi %and3A_478, %and3A_440 : vector<16xi1>
        %jit3A_516 = arith.constant 0.000000e+00 : f32
        %broadcast_in_dim3A_517 = vector.broadcast %jit3A_516 : f32 to vector<16xf32>
        %select_n3A_518 = arith.select %and3A_515, %mul3A_514, %broadcast_in_dim3A_517 : vector<16xi1>, vector<16xf32>
        %swap3A_519 = arith.constant 4 : i32
        %swap3A_520 = arith.index_cast %swap3A_519 : i32 to index
        %swap3A_521 = arith.index_cast %mul3A_349 : i32 to index
        %swap3A_522 = tpu.vector_load %arg11[%swap3A_520, %swap3A_521] {strides = array<i32>} : memref<16x256xf32, #tpu.memory_space<vmem>>, vector<16xf32>,
        tpu.vector_store %arg11[%swap3A_520, %swap3A_521], %select_n3A_518 {strides = array<i32>} : memref<16x256xf32, #tpu.memory_space<vmem>>, vector<16xf32>,
        %get3A_523 = arith.constant 8 : i32
        %get3A_524 = arith.index_cast %get3A_523 : i32 to index
        %get3A_525 = arith.index_cast %mul3A_349 : i32 to index
        %get3A_526 = tpu.vector_load %arg8[%get3A_524, %get3A_525] {strides = array<i32>} : memref<16x256xf32, #tpu.memory_space<vmem>>, vector<16xf32>,
        %mul3A_527 = arith.mulf %get3A_526, %mul3A_463 : vector<16xf32>
        %and3A_528 = arith.andi %and3A_478, %and3A_450 : vector<16xi1>
        %jit3A_529 = arith.constant 0.000000e+00 : f32
        %broadcast_in_dim3A_530 = vector.broadcast %jit3A_529 : f32 to vector<16xf32>
        %select_n3A_531 = arith.select %and3A_528, %mul3A_527, %broadcast_in_dim3A_530 : vector<16xi1>, vector<16xf32>
        %swap3A_532 = arith.constant 8 : i32
        %swap3A_533 = arith.index_cast %swap3A_532 : i32 to index
        %swap3A_534 = arith.index_cast %mul3A_349 : i32 to index
        %swap3A_535 = tpu.vector_load %arg11[%swap3A_533, %swap3A_534] {strides = array<i32>} : memref<16x256xf32, #tpu.memory_space<vmem>>, vector<16xf32>,
        tpu.vector_store %arg11[%swap3A_533, %swap3A_534], %select_n3A_531 {strides = array<i32>} : memref<16x256xf32, #tpu.memory_space<vmem>>, vector<16xf32>,
        %get3A_536 = arith.constant 12 : i32
        %get3A_537 = arith.index_cast %get3A_536 : i32 to index
        %get3A_538 = arith.index_cast %mul3A_349 : i32 to index
        %get3A_539 = tpu.vector_load %arg8[%get3A_537, %get3A_538] {strides = array<i32>} : memref<16x256xf32, #tpu.memory_space<vmem>>, vector<16xf32>,
        %mul3A_540 = arith.mulf %get3A_539, %mul3A_463 : vector<16xf32>
        %and3A_541 = arith.andi %and3A_478, %and3A_460 : vector<16xi1>
        %jit3A_542 = arith.constant 0.000000e+00 : f32
        %broadcast_in_dim3A_543 = vector.broadcast %jit3A_542 : f32 to vector<16xf32>
        %select_n3A_544 = arith.select %and3A_541, %mul3A_540, %broadcast_in_dim3A_543 : vector<16xi1>, vector<16xf32>
        %swap3A_545 = arith.constant 12 : i32
        %swap3A_546 = arith.index_cast %swap3A_545 : i32 to index
        %swap3A_547 = arith.index_cast %mul3A_349 : i32 to index
        %swap3A_548 = tpu.vector_load %arg11[%swap3A_546, %swap3A_547] {strides = array<i32>} : memref<16x256xf32, #tpu.memory_space<vmem>>, vector<16xf32>,
        tpu.vector_store %arg11[%swap3A_546, %swap3A_547], %select_n3A_544 {strides = array<i32>} : memref<16x256xf32, #tpu.memory_space<vmem>>, vector<16xf32>,
        %add3A_549 = arith.constant 0 : i32
        %add3A_550 = vector.broadcast %add3A_549 : i32 to vector<16xi32>
        %add3A_551 = arith.addi %select_n3A_375, %add3A_550 : vector<16xi32>
        %ge3A_552 = arith.constant 0 : i32
        %ge3A_553 = vector.broadcast %ge3A_552 : i32 to vector<16xi32>
        %ge3A_554 = arith.cmpi sge, %add3A_551, %ge3A_553 : vector<16xi32>
        %lt3A_555 = arith.constant 512 : i32
        %lt3A_556 = vector.broadcast %lt3A_555 : i32 to vector<16xi32>
        %lt3A_557 = arith.cmpi slt, %add3A_551, %lt3A_556 : vector<16xi32>
        %and3A_558 = arith.andi %ge3A_554, %lt3A_557 : vector<16xi1>
        %jit3A_559 = arith.constant 0 : i32
        %broadcast_in_dim3A_560 = vector.broadcast %jit3A_559 : i32 to vector<16xi32>
        %select_n3A_561 = arith.select %and3A_558, %add3A_551, %broadcast_in_dim3A_560 : vector<16xi1>, vector<16xi32>
        %shift_left3A_562 = arith.constant 7 : i32
        %shift_left3A_563 = vector.broadcast %shift_left3A_562 : i32 to vector<16xi32>
        %shift_left3A_564 = arith.shli %select_n3A_561, %shift_left3A_563 : vector<16xi32>
        %add3A_565 = vector.broadcast %mul3A_16 : i32 to vector<16xi32>
        %add3A_566 = arith.addi %add3A_565, %shift_left3A_564 : vector<16xi32>
        %add3A_567 = arith.addi %add3A_566, %min3A_413 : vector<16xi32>
        %add3A_568 = arith.constant 4 : i32
        %add3A_569 = arith.addi %add3A_568, %shift_right_arithmetic3A_466 : i32
        %swap3A_570 = arith.index_cast %add3A_569 : i32 to index
        %swap3A_571 = arith.index_cast %and3A_468 : i32 to index
        %swap3A_572 = tpu.vector_load %arg10[%swap3A_570, %swap3A_571] {strides = array<i32>} : memref<16x128xi32, #tpu.memory_space<vmem>>, vector<16xi32>,
        tpu.vector_store %arg10[%swap3A_570, %swap3A_571], %add3A_567 {strides = array<i32>} : memref<16x128xi32, #tpu.memory_space<vmem>>, vector<16xi32>,
        %add3A_573 = arith.addi %add3A_566, %min3A_422 : vector<16xi32>
        %add3A_574 = arith.constant 6 : i32
        %add3A_575 = arith.addi %add3A_574, %shift_right_arithmetic3A_466 : i32
        %swap3A_576 = arith.index_cast %add3A_575 : i32 to index
        %swap3A_577 = arith.index_cast %and3A_468 : i32 to index
        %swap3A_578 = tpu.vector_load %arg10[%swap3A_576, %swap3A_577] {strides = array<i32>} : memref<16x128xi32, #tpu.memory_space<vmem>>, vector<16xi32>,
        tpu.vector_store %arg10[%swap3A_576, %swap3A_577], %add3A_573 {strides = array<i32>} : memref<16x128xi32, #tpu.memory_space<vmem>>, vector<16xi32>,
        %get3A_579 = arith.constant 1 : i32
        %get3A_580 = arith.index_cast %get3A_579 : i32 to index
        %get3A_581 = arith.index_cast %mul3A_349 : i32 to index
        %get3A_582 = tpu.vector_load %arg8[%get3A_580, %get3A_581] {strides = array<i32>} : memref<16x256xf32, #tpu.memory_space<vmem>>, vector<16xf32>,
        %mul3A_583 = arith.mulf %get3A_582, %mul3A_461 : vector<16xf32>
        %and3A_584 = arith.andi %and3A_558, %and3A_430 : vector<16xi1>
        %jit3A_585 = arith.constant 0.000000e+00 : f32
        %broadcast_in_dim3A_586 = vector.broadcast %jit3A_585 : f32 to vector<16xf32>
        %select_n3A_587 = arith.select %and3A_584, %mul3A_583, %broadcast_in_dim3A_586 : vector<16xi1>, vector<16xf32>
        %swap3A_588 = arith.constant 1 : i32
        %swap3A_589 = arith.index_cast %swap3A_588 : i32 to index
        %swap3A_590 = arith.index_cast %mul3A_349 : i32 to index
        %swap3A_591 = tpu.vector_load %arg11[%swap3A_589, %swap3A_590] {strides = array<i32>} : memref<16x256xf32, #tpu.memory_space<vmem>>, vector<16xf32>,
        tpu.vector_store %arg11[%swap3A_589, %swap3A_590], %select_n3A_587 {strides = array<i32>} : memref<16x256xf32, #tpu.memory_space<vmem>>, vector<16xf32>,
        %get3A_592 = arith.constant 5 : i32
        %get3A_593 = arith.index_cast %get3A_592 : i32 to index
        %get3A_594 = arith.index_cast %mul3A_349 : i32 to index
        %get3A_595 = tpu.vector_load %arg8[%get3A_593, %get3A_594] {strides = array<i32>} : memref<16x256xf32, #tpu.memory_space<vmem>>, vector<16xf32>,
        %mul3A_596 = arith.mulf %get3A_595, %mul3A_461 : vector<16xf32>
        %and3A_597 = arith.andi %and3A_558, %and3A_440 : vector<16xi1>
        %jit3A_598 = arith.constant 0.000000e+00 : f32
        %broadcast_in_dim3A_599 = vector.broadcast %jit3A_598 : f32 to vector<16xf32>
        %select_n3A_600 = arith.select %and3A_597, %mul3A_596, %broadcast_in_dim3A_599 : vector<16xi1>, vector<16xf32>
        %swap3A_601 = arith.constant 5 : i32
        %swap3A_602 = arith.index_cast %swap3A_601 : i32 to index
        %swap3A_603 = arith.index_cast %mul3A_349 : i32 to index
        %swap3A_604 = tpu.vector_load %arg11[%swap3A_602, %swap3A_603] {strides = array<i32>} : memref<16x256xf32, #tpu.memory_space<vmem>>, vector<16xf32>,
        tpu.vector_store %arg11[%swap3A_602, %swap3A_603], %select_n3A_600 {strides = array<i32>} : memref<16x256xf32, #tpu.memory_space<vmem>>, vector<16xf32>,
        %get3A_605 = arith.constant 9 : i32
        %get3A_606 = arith.index_cast %get3A_605 : i32 to index
        %get3A_607 = arith.index_cast %mul3A_349 : i32 to index
        %get3A_608 = tpu.vector_load %arg8[%get3A_606, %get3A_607] {strides = array<i32>} : memref<16x256xf32, #tpu.memory_space<vmem>>, vector<16xf32>,
        %mul3A_609 = arith.mulf %get3A_608, %mul3A_463 : vector<16xf32>
        %and3A_610 = arith.andi %and3A_558, %and3A_450 : vector<16xi1>
        %jit3A_611 = arith.constant 0.000000e+00 : f32
        %broadcast_in_dim3A_612 = vector.broadcast %jit3A_611 : f32 to vector<16xf32>
        %select_n3A_613 = arith.select %and3A_610, %mul3A_609, %broadcast_in_dim3A_612 : vector<16xi1>, vector<16xf32>
        %swap3A_614 = arith.constant 9 : i32
        %swap3A_615 = arith.index_cast %swap3A_614 : i32 to index
        %swap3A_616 = arith.index_cast %mul3A_349 : i32 to index
        %swap3A_617 = tpu.vector_load %arg11[%swap3A_615, %swap3A_616] {strides = array<i32>} : memref<16x256xf32, #tpu.memory_space<vmem>>, vector<16xf32>,
        tpu.vector_store %arg11[%swap3A_615, %swap3A_616], %select_n3A_613 {strides = array<i32>} : memref<16x256xf32, #tpu.memory_space<vmem>>, vector<16xf32>,
        %get3A_618 = arith.constant 13 : i32
        %get3A_619 = arith.index_cast %get3A_618 : i32 to index
        %get3A_620 = arith.index_cast %mul3A_349 : i32 to index
        %get3A_621 = tpu.vector_load %arg8[%get3A_619, %get3A_620] {strides = array<i32>} : memref<16x256xf32, #tpu.memory_space<vmem>>, vector<16xf32>,
        %mul3A_622 = arith.mulf %get3A_621, %mul3A_463 : vector<16xf32>
        %and3A_623 = arith.andi %and3A_558, %and3A_460 : vector<16xi1>
        %jit3A_624 = arith.constant 0.000000e+00 : f32
        %broadcast_in_dim3A_625 = vector.broadcast %jit3A_624 : f32 to vector<16xf32>
        %select_n3A_626 = arith.select %and3A_623, %mul3A_622, %broadcast_in_dim3A_625 : vector<16xi1>, vector<16xf32>
        %swap3A_627 = arith.constant 13 : i32
        %swap3A_628 = arith.index_cast %swap3A_627 : i32 to index
        %swap3A_629 = arith.index_cast %mul3A_349 : i32 to index
        %swap3A_630 = tpu.vector_load %arg11[%swap3A_628, %swap3A_629] {strides = array<i32>} : memref<16x256xf32, #tpu.memory_space<vmem>>, vector<16xf32>,
        tpu.vector_store %arg11[%swap3A_628, %swap3A_629], %select_n3A_626 {strides = array<i32>} : memref<16x256xf32, #tpu.memory_space<vmem>>, vector<16xf32>,
        %add3A_631 = arith.constant 1 : i32
        %add3A_632 = vector.broadcast %add3A_631 : i32 to vector<16xi32>
        %add3A_633 = arith.addi %select_n3A_375, %add3A_632 : vector<16xi32>
        %ge3A_634 = arith.constant 0 : i32
        %ge3A_635 = vector.broadcast %ge3A_634 : i32 to vector<16xi32>
        %ge3A_636 = arith.cmpi sge, %add3A_633, %ge3A_635 : vector<16xi32>
        %lt3A_637 = arith.constant 512 : i32
        %lt3A_638 = vector.broadcast %lt3A_637 : i32 to vector<16xi32>
        %lt3A_639 = arith.cmpi slt, %add3A_633, %lt3A_638 : vector<16xi32>
        %and3A_640 = arith.andi %ge3A_636, %lt3A_639 : vector<16xi1>
        %jit3A_641 = arith.constant 0 : i32
        %broadcast_in_dim3A_642 = vector.broadcast %jit3A_641 : i32 to vector<16xi32>
        %select_n3A_643 = arith.select %and3A_640, %add3A_633, %broadcast_in_dim3A_642 : vector<16xi1>, vector<16xi32>
        %shift_left3A_644 = arith.constant 7 : i32
        %shift_left3A_645 = vector.broadcast %shift_left3A_644 : i32 to vector<16xi32>
        %shift_left3A_646 = arith.shli %select_n3A_643, %shift_left3A_645 : vector<16xi32>
        %add3A_647 = vector.broadcast %mul3A_16 : i32 to vector<16xi32>
        %add3A_648 = arith.addi %add3A_647, %shift_left3A_646 : vector<16xi32>
        %add3A_649 = arith.addi %add3A_648, %min3A_413 : vector<16xi32>
        %add3A_650 = arith.constant 8 : i32
        %add3A_651 = arith.addi %add3A_650, %shift_right_arithmetic3A_466 : i32
        %swap3A_652 = arith.index_cast %add3A_651 : i32 to index
        %swap3A_653 = arith.index_cast %and3A_468 : i32 to index
        %swap3A_654 = tpu.vector_load %arg10[%swap3A_652, %swap3A_653] {strides = array<i32>} : memref<16x128xi32, #tpu.memory_space<vmem>>, vector<16xi32>,
        tpu.vector_store %arg10[%swap3A_652, %swap3A_653], %add3A_649 {strides = array<i32>} : memref<16x128xi32, #tpu.memory_space<vmem>>, vector<16xi32>,
        %add3A_655 = arith.addi %add3A_648, %min3A_422 : vector<16xi32>
        %add3A_656 = arith.constant 10 : i32
        %add3A_657 = arith.addi %add3A_656, %shift_right_arithmetic3A_466 : i32
        %swap3A_658 = arith.index_cast %add3A_657 : i32 to index
        %swap3A_659 = arith.index_cast %and3A_468 : i32 to index
        %swap3A_660 = tpu.vector_load %arg10[%swap3A_658, %swap3A_659] {strides = array<i32>} : memref<16x128xi32, #tpu.memory_space<vmem>>, vector<16xi32>,
        tpu.vector_store %arg10[%swap3A_658, %swap3A_659], %add3A_655 {strides = array<i32>} : memref<16x128xi32, #tpu.memory_space<vmem>>, vector<16xi32>,
        %get3A_661 = arith.constant 2 : i32
        %get3A_662 = arith.index_cast %get3A_661 : i32 to index
        %get3A_663 = arith.index_cast %mul3A_349 : i32 to index
        %get3A_664 = tpu.vector_load %arg8[%get3A_662, %get3A_663] {strides = array<i32>} : memref<16x256xf32, #tpu.memory_space<vmem>>, vector<16xf32>,
        %mul3A_665 = arith.mulf %get3A_664, %mul3A_462 : vector<16xf32>
        %and3A_666 = arith.andi %and3A_640, %and3A_430 : vector<16xi1>
        %jit3A_667 = arith.constant 0.000000e+00 : f32
        %broadcast_in_dim3A_668 = vector.broadcast %jit3A_667 : f32 to vector<16xf32>
        %select_n3A_669 = arith.select %and3A_666, %mul3A_665, %broadcast_in_dim3A_668 : vector<16xi1>, vector<16xf32>
        %swap3A_670 = arith.constant 2 : i32
        %swap3A_671 = arith.index_cast %swap3A_670 : i32 to index
        %swap3A_672 = arith.index_cast %mul3A_349 : i32 to index
        %swap3A_673 = tpu.vector_load %arg11[%swap3A_671, %swap3A_672] {strides = array<i32>} : memref<16x256xf32, #tpu.memory_space<vmem>>, vector<16xf32>,
        tpu.vector_store %arg11[%swap3A_671, %swap3A_672], %select_n3A_669 {strides = array<i32>} : memref<16x256xf32, #tpu.memory_space<vmem>>, vector<16xf32>,
        %get3A_674 = arith.constant 6 : i32
        %get3A_675 = arith.index_cast %get3A_674 : i32 to index
        %get3A_676 = arith.index_cast %mul3A_349 : i32 to index
        %get3A_677 = tpu.vector_load %arg8[%get3A_675, %get3A_676] {strides = array<i32>} : memref<16x256xf32, #tpu.memory_space<vmem>>, vector<16xf32>,
        %mul3A_678 = arith.mulf %get3A_677, %mul3A_462 : vector<16xf32>
        %and3A_679 = arith.andi %and3A_640, %and3A_440 : vector<16xi1>
        %jit3A_680 = arith.constant 0.000000e+00 : f32
        %broadcast_in_dim3A_681 = vector.broadcast %jit3A_680 : f32 to vector<16xf32>
        %select_n3A_682 = arith.select %and3A_679, %mul3A_678, %broadcast_in_dim3A_681 : vector<16xi1>, vector<16xf32>
        %swap3A_683 = arith.constant 6 : i32
        %swap3A_684 = arith.index_cast %swap3A_683 : i32 to index
        %swap3A_685 = arith.index_cast %mul3A_349 : i32 to index
        %swap3A_686 = tpu.vector_load %arg11[%swap3A_684, %swap3A_685] {strides = array<i32>} : memref<16x256xf32, #tpu.memory_space<vmem>>, vector<16xf32>,
        tpu.vector_store %arg11[%swap3A_684, %swap3A_685], %select_n3A_682 {strides = array<i32>} : memref<16x256xf32, #tpu.memory_space<vmem>>, vector<16xf32>,
        %get3A_687 = arith.constant 10 : i32
        %get3A_688 = arith.index_cast %get3A_687 : i32 to index
        %get3A_689 = arith.index_cast %mul3A_349 : i32 to index
        %get3A_690 = tpu.vector_load %arg8[%get3A_688, %get3A_689] {strides = array<i32>} : memref<16x256xf32, #tpu.memory_space<vmem>>, vector<16xf32>,
        %mul3A_691 = arith.mulf %get3A_690, %mul3A_464 : vector<16xf32>
        %and3A_692 = arith.andi %and3A_640, %and3A_450 : vector<16xi1>
        %jit3A_693 = arith.constant 0.000000e+00 : f32
        %broadcast_in_dim3A_694 = vector.broadcast %jit3A_693 : f32 to vector<16xf32>
        %select_n3A_695 = arith.select %and3A_692, %mul3A_691, %broadcast_in_dim3A_694 : vector<16xi1>, vector<16xf32>
        %swap3A_696 = arith.constant 10 : i32
        %swap3A_697 = arith.index_cast %swap3A_696 : i32 to index
        %swap3A_698 = arith.index_cast %mul3A_349 : i32 to index
        %swap3A_699 = tpu.vector_load %arg11[%swap3A_697, %swap3A_698] {strides = array<i32>} : memref<16x256xf32, #tpu.memory_space<vmem>>, vector<16xf32>,
        tpu.vector_store %arg11[%swap3A_697, %swap3A_698], %select_n3A_695 {strides = array<i32>} : memref<16x256xf32, #tpu.memory_space<vmem>>, vector<16xf32>,
        %get3A_700 = arith.constant 14 : i32
        %get3A_701 = arith.index_cast %get3A_700 : i32 to index
        %get3A_702 = arith.index_cast %mul3A_349 : i32 to index
        %get3A_703 = tpu.vector_load %arg8[%get3A_701, %get3A_702] {strides = array<i32>} : memref<16x256xf32, #tpu.memory_space<vmem>>, vector<16xf32>,
        %mul3A_704 = arith.mulf %get3A_703, %mul3A_464 : vector<16xf32>
        %and3A_705 = arith.andi %and3A_640, %and3A_460 : vector<16xi1>
        %jit3A_706 = arith.constant 0.000000e+00 : f32
        %broadcast_in_dim3A_707 = vector.broadcast %jit3A_706 : f32 to vector<16xf32>
        %select_n3A_708 = arith.select %and3A_705, %mul3A_704, %broadcast_in_dim3A_707 : vector<16xi1>, vector<16xf32>
        %swap3A_709 = arith.constant 14 : i32
        %swap3A_710 = arith.index_cast %swap3A_709 : i32 to index
        %swap3A_711 = arith.index_cast %mul3A_349 : i32 to index
        %swap3A_712 = tpu.vector_load %arg11[%swap3A_710, %swap3A_711] {strides = array<i32>} : memref<16x256xf32, #tpu.memory_space<vmem>>, vector<16xf32>,
        tpu.vector_store %arg11[%swap3A_710, %swap3A_711], %select_n3A_708 {strides = array<i32>} : memref<16x256xf32, #tpu.memory_space<vmem>>, vector<16xf32>,
        %add3A_713 = arith.constant 2 : i32
        %add3A_714 = vector.broadcast %add3A_713 : i32 to vector<16xi32>
        %add3A_715 = arith.addi %select_n3A_375, %add3A_714 : vector<16xi32>
        %ge3A_716 = arith.constant 0 : i32
        %ge3A_717 = vector.broadcast %ge3A_716 : i32 to vector<16xi32>
        %ge3A_718 = arith.cmpi sge, %add3A_715, %ge3A_717 : vector<16xi32>
        %lt3A_719 = arith.constant 512 : i32
        %lt3A_720 = vector.broadcast %lt3A_719 : i32 to vector<16xi32>
        %lt3A_721 = arith.cmpi slt, %add3A_715, %lt3A_720 : vector<16xi32>
        %and3A_722 = arith.andi %ge3A_718, %lt3A_721 : vector<16xi1>
        %jit3A_723 = arith.constant 0 : i32
        %broadcast_in_dim3A_724 = vector.broadcast %jit3A_723 : i32 to vector<16xi32>
        %select_n3A_725 = arith.select %and3A_722, %add3A_715, %broadcast_in_dim3A_724 : vector<16xi1>, vector<16xi32>
        %shift_left3A_726 = arith.constant 7 : i32
        %shift_left3A_727 = vector.broadcast %shift_left3A_726 : i32 to vector<16xi32>
        %shift_left3A_728 = arith.shli %select_n3A_725, %shift_left3A_727 : vector<16xi32>
        %add3A_729 = vector.broadcast %mul3A_16 : i32 to vector<16xi32>
        %add3A_730 = arith.addi %add3A_729, %shift_left3A_728 : vector<16xi32>
        %add3A_731 = arith.addi %add3A_730, %min3A_413 : vector<16xi32>
        %add3A_732 = arith.constant 12 : i32
        %add3A_733 = arith.addi %add3A_732, %shift_right_arithmetic3A_466 : i32
        %swap3A_734 = arith.index_cast %add3A_733 : i32 to index
        %swap3A_735 = arith.index_cast %and3A_468 : i32 to index
        %swap3A_736 = tpu.vector_load %arg10[%swap3A_734, %swap3A_735] {strides = array<i32>} : memref<16x128xi32, #tpu.memory_space<vmem>>, vector<16xi32>,
        tpu.vector_store %arg10[%swap3A_734, %swap3A_735], %add3A_731 {strides = array<i32>} : memref<16x128xi32, #tpu.memory_space<vmem>>, vector<16xi32>,
        %add3A_737 = arith.addi %add3A_730, %min3A_422 : vector<16xi32>
        %add3A_738 = arith.constant 14 : i32
        %add3A_739 = arith.addi %add3A_738, %shift_right_arithmetic3A_466 : i32
        %swap3A_740 = arith.index_cast %add3A_739 : i32 to index
        %swap3A_741 = arith.index_cast %and3A_468 : i32 to index
        %swap3A_742 = tpu.vector_load %arg10[%swap3A_740, %swap3A_741] {strides = array<i32>} : memref<16x128xi32, #tpu.memory_space<vmem>>, vector<16xi32>,
        tpu.vector_store %arg10[%swap3A_740, %swap3A_741], %add3A_737 {strides = array<i32>} : memref<16x128xi32, #tpu.memory_space<vmem>>, vector<16xi32>,
        %get3A_743 = arith.constant 3 : i32
        %get3A_744 = arith.index_cast %get3A_743 : i32 to index
        %get3A_745 = arith.index_cast %mul3A_349 : i32 to index
        %get3A_746 = tpu.vector_load %arg8[%get3A_744, %get3A_745] {strides = array<i32>} : memref<16x256xf32, #tpu.memory_space<vmem>>, vector<16xf32>,
        %mul3A_747 = arith.mulf %get3A_746, %mul3A_462 : vector<16xf32>
        %and3A_748 = arith.andi %and3A_722, %and3A_430 : vector<16xi1>
        %jit3A_749 = arith.constant 0.000000e+00 : f32
        %broadcast_in_dim3A_750 = vector.broadcast %jit3A_749 : f32 to vector<16xf32>
        %select_n3A_751 = arith.select %and3A_748, %mul3A_747, %broadcast_in_dim3A_750 : vector<16xi1>, vector<16xf32>
        %swap3A_752 = arith.constant 3 : i32
        %swap3A_753 = arith.index_cast %swap3A_752 : i32 to index
        %swap3A_754 = arith.index_cast %mul3A_349 : i32 to index
        %swap3A_755 = tpu.vector_load %arg11[%swap3A_753, %swap3A_754] {strides = array<i32>} : memref<16x256xf32, #tpu.memory_space<vmem>>, vector<16xf32>,
        tpu.vector_store %arg11[%swap3A_753, %swap3A_754], %select_n3A_751 {strides = array<i32>} : memref<16x256xf32, #tpu.memory_space<vmem>>, vector<16xf32>,
        %get3A_756 = arith.constant 7 : i32
        %get3A_757 = arith.index_cast %get3A_756 : i32 to index
        %get3A_758 = arith.index_cast %mul3A_349 : i32 to index
        %get3A_759 = tpu.vector_load %arg8[%get3A_757, %get3A_758] {strides = array<i32>} : memref<16x256xf32, #tpu.memory_space<vmem>>, vector<16xf32>,
        %mul3A_760 = arith.mulf %get3A_759, %mul3A_462 : vector<16xf32>
        %and3A_761 = arith.andi %and3A_722, %and3A_440 : vector<16xi1>
        %jit3A_762 = arith.constant 0.000000e+00 : f32
        %broadcast_in_dim3A_763 = vector.broadcast %jit3A_762 : f32 to vector<16xf32>
        %select_n3A_764 = arith.select %and3A_761, %mul3A_760, %broadcast_in_dim3A_763 : vector<16xi1>, vector<16xf32>
        %swap3A_765 = arith.constant 7 : i32
        %swap3A_766 = arith.index_cast %swap3A_765 : i32 to index
        %swap3A_767 = arith.index_cast %mul3A_349 : i32 to index
        %swap3A_768 = tpu.vector_load %arg11[%swap3A_766, %swap3A_767] {strides = array<i32>} : memref<16x256xf32, #tpu.memory_space<vmem>>, vector<16xf32>,
        tpu.vector_store %arg11[%swap3A_766, %swap3A_767], %select_n3A_764 {strides = array<i32>} : memref<16x256xf32, #tpu.memory_space<vmem>>, vector<16xf32>,
        %get3A_769 = arith.constant 11 : i32
        %get3A_770 = arith.index_cast %get3A_769 : i32 to index
        %get3A_771 = arith.index_cast %mul3A_349 : i32 to index
        %get3A_772 = tpu.vector_load %arg8[%get3A_770, %get3A_771] {strides = array<i32>} : memref<16x256xf32, #tpu.memory_space<vmem>>, vector<16xf32>,
        %mul3A_773 = arith.mulf %get3A_772, %mul3A_464 : vector<16xf32>
        %and3A_774 = arith.andi %and3A_722, %and3A_450 : vector<16xi1>
        %jit3A_775 = arith.constant 0.000000e+00 : f32
        %broadcast_in_dim3A_776 = vector.broadcast %jit3A_775 : f32 to vector<16xf32>
        %select_n3A_777 = arith.select %and3A_774, %mul3A_773, %broadcast_in_dim3A_776 : vector<16xi1>, vector<16xf32>
        %swap3A_778 = arith.constant 11 : i32
        %swap3A_779 = arith.index_cast %swap3A_778 : i32 to index
        %swap3A_780 = arith.index_cast %mul3A_349 : i32 to index
        %swap3A_781 = tpu.vector_load %arg11[%swap3A_779, %swap3A_780] {strides = array<i32>} : memref<16x256xf32, #tpu.memory_space<vmem>>, vector<16xf32>,
        tpu.vector_store %arg11[%swap3A_779, %swap3A_780], %select_n3A_777 {strides = array<i32>} : memref<16x256xf32, #tpu.memory_space<vmem>>, vector<16xf32>,
        %get3A_782 = arith.constant 15 : i32
        %get3A_783 = arith.index_cast %get3A_782 : i32 to index
        %get3A_784 = arith.index_cast %mul3A_349 : i32 to index
        %get3A_785 = tpu.vector_load %arg8[%get3A_783, %get3A_784] {strides = array<i32>} : memref<16x256xf32, #tpu.memory_space<vmem>>, vector<16xf32>,
        %mul3A_786 = arith.mulf %get3A_785, %mul3A_464 : vector<16xf32>
        %and3A_787 = arith.andi %and3A_722, %and3A_460 : vector<16xi1>
        %jit3A_788 = arith.constant 0.000000e+00 : f32
        %broadcast_in_dim3A_789 = vector.broadcast %jit3A_788 : f32 to vector<16xf32>
        %select_n3A_790 = arith.select %and3A_787, %mul3A_786, %broadcast_in_dim3A_789 : vector<16xi1>, vector<16xf32>
        %swap3A_791 = arith.constant 15 : i32
        %swap3A_792 = arith.index_cast %swap3A_791 : i32 to index
        %swap3A_793 = arith.index_cast %mul3A_349 : i32 to index
        %swap3A_794 = tpu.vector_load %arg11[%swap3A_792, %swap3A_793] {strides = array<i32>} : memref<16x256xf32, #tpu.memory_space<vmem>>, vector<16xf32>,
        tpu.vector_store %arg11[%swap3A_792, %swap3A_793], %select_n3A_790 {strides = array<i32>} : memref<16x256xf32, #tpu.memory_space<vmem>>, vector<16xf32>,
      }
      %scan3A_22 = arith.constant 16 : i32
      "tpu.region"() ({
        %run_scoped3A_347 = tpu.sem_alloc : memref<!tpu.dma_semaphore, #tpu.memory_space<semaphore_mem>>
        %dma_start3A_348 = arith.constant 0 : i32
        %dma_start3A_349 = arith.constant 0 : i32
        %dma_start3A_350 = tpu.memref_slice %arg14[%arg1, %dma_start3A_348, %dma_start3A_349] : memref<16x16x128xi32, #tpu.memory_space<vmem_shared>> -> memref<1x16x128xi32, #tpu.memory_space<vmem_shared>>
        %dma_start3A_351 = tpu.memref_squeeze %dma_start3A_350 : memref<1x16x128xi32, #tpu.memory_space<vmem_shared>> -> memref<16x128xi32, #tpu.memory_space<vmem_shared>>
        %dma_start3A_352 = arith.constant 0 : i32
        %dma_start3A_353 = arith.constant 0 : i32
        %dma_start3A_354 = tpu.memref_slice %arg14[%arg1, %dma_start3A_352, %dma_start3A_353] : memref<16x16x128xi32, #tpu.memory_space<vmem_shared>> -> memref<1x16x128xi32, #tpu.memory_space<vmem_shared>>
        %dma_start3A_355 = tpu.memref_squeeze %dma_start3A_354 : memref<1x16x128xi32, #tpu.memory_space<vmem_shared>> -> memref<16x128xi32, #tpu.memory_space<vmem_shared>>
        tpu.enqueue_dma source(%arg10 : memref<16x128xi32, #tpu.memory_space<vmem>>) target(%dma_start3A_355 : memref<16x128xi32, #tpu.memory_space<vmem_shared>>) target_semaphore(%run_scoped3A_347 : memref<!tpu.dma_semaphore, #tpu.memory_space<semaphore_mem>>)
        %dma_wait3A_356 = arith.constant 0 : i32
        %dma_wait3A_357 = arith.constant 0 : i32
        %dma_wait3A_358 = tpu.memref_slice %arg14[%arg1, %dma_wait3A_356, %dma_wait3A_357] : memref<16x16x128xi32, #tpu.memory_space<vmem_shared>> -> memref<1x16x128xi32, #tpu.memory_space<vmem_shared>>
        %dma_wait3A_359 = tpu.memref_squeeze %dma_wait3A_358 : memref<1x16x128xi32, #tpu.memory_space<vmem_shared>> -> memref<16x128xi32, #tpu.memory_space<vmem_shared>>
        %dma_wait3A_360 = arith.constant 0 : i32
        %dma_wait3A_361 = arith.constant 0 : i32
        %dma_wait3A_362 = tpu.memref_slice %arg14[%arg1, %dma_wait3A_360, %dma_wait3A_361] : memref<16x16x128xi32, #tpu.memory_space<vmem_shared>> -> memref<1x16x128xi32, #tpu.memory_space<vmem_shared>>
        %dma_wait3A_363 = tpu.memref_squeeze %dma_wait3A_362 : memref<1x16x128xi32, #tpu.memory_space<vmem_shared>> -> memref<16x128xi32, #tpu.memory_space<vmem_shared>>
        tpu.wait_dma2 semaphore(%run_scoped3A_347 : memref<!tpu.dma_semaphore, #tpu.memory_space<semaphore_mem>>) src(%arg10 : memref<16x128xi32, #tpu.memory_space<vmem>>) dst(%dma_wait3A_363 : memref<16x128xi32, #tpu.memory_space<vmem_shared>>)
        tpu.yield
      }) : () -> ()
      %dma_start3A = arith.constant 0 : i32
      %dma_start3A_23 = arith.constant 0 : i32
      %dma_start3A_24 = arith.constant 0 : i32
      %dma_start3A_25 = tpu.memref_slice %arg12[%dma_start3A_23, %dma_start3A_24] : memref<2048x16xf32, #tpu.memory_space<vmem>> -> memref<128x16xf32, #tpu.memory_space<vmem>>
      %dma_start3A_26 = arith.constant 0 : i32
      %dma_start3A_27 = tpu.memref_slice %arg10[%dma_start3A, %dma_start3A_26] : memref<16x128xi32, #tpu.memory_space<vmem>> -> memref<1x128xi32, #tpu.memory_space<vmem>>
      %dma_start3A_28 = tpu.memref_squeeze %dma_start3A_27 : memref<1x128xi32, #tpu.memory_space<vmem>> -> memref<128xi32, #tpu.memory_space<vmem>>
      %dma_start3A_29 = arith.constant 0 : i32
      %dma_start3A_30 = arith.constant 0 : i32
      %dma_start3A_31 = tpu.memref_slice %arg2[%dma_start3A_29, %dma_start3A_30] : memref<262144x16xf32, #tpu.memory_space<hbm>> -> memref<262144x16xf32, #tpu.memory_space<hbm>>
      tpu.enqueue_indirect_dma source(%dma_start3A_31 : memref<262144x16xf32, #tpu.memory_space<hbm>>) target(%dma_start3A_25 : memref<128x16xf32, #tpu.memory_space<vmem>>) offsets(%dma_start3A_28 : memref<128xi32, #tpu.memory_space<vmem>>) semaphore(%arg15 : memref<!tpu.dma_semaphore, #tpu.memory_space<semaphore_mem>>)
      %dma_start3A_32 = arith.constant 1 : i32
      %dma_start3A_33 = arith.constant 128 : i32
      %dma_start3A_34 = arith.constant 0 : i32
      %dma_start3A_35 = tpu.memref_slice %arg12[%dma_start3A_33, %dma_start3A_34] : memref<2048x16xf32, #tpu.memory_space<vmem>> -> memref<128x16xf32, #tpu.memory_space<vmem>>
      %dma_start3A_36 = arith.constant 0 : i32
      %dma_start3A_37 = tpu.memref_slice %arg10[%dma_start3A_32, %dma_start3A_36] : memref<16x128xi32, #tpu.memory_space<vmem>> -> memref<1x128xi32, #tpu.memory_space<vmem>>
      %dma_start3A_38 = tpu.memref_squeeze %dma_start3A_37 : memref<1x128xi32, #tpu.memory_space<vmem>> -> memref<128xi32, #tpu.memory_space<vmem>>
      %dma_start3A_39 = arith.constant 0 : i32
      %dma_start3A_40 = arith.constant 0 : i32
      %dma_start3A_41 = tpu.memref_slice %arg2[%dma_start3A_39, %dma_start3A_40] : memref<262144x16xf32, #tpu.memory_space<hbm>> -> memref<262144x16xf32, #tpu.memory_space<hbm>>
      tpu.enqueue_indirect_dma source(%dma_start3A_41 : memref<262144x16xf32, #tpu.memory_space<hbm>>) target(%dma_start3A_35 : memref<128x16xf32, #tpu.memory_space<vmem>>) offsets(%dma_start3A_38 : memref<128xi32, #tpu.memory_space<vmem>>) semaphore(%arg15 : memref<!tpu.dma_semaphore, #tpu.memory_space<semaphore_mem>>)
      %dma_start3A_42 = arith.constant 2 : i32
      %dma_start3A_43 = arith.constant 256 : i32
      %dma_start3A_44 = arith.constant 0 : i32
      %dma_start3A_45 = tpu.memref_slice %arg12[%dma_start3A_43, %dma_start3A_44] : memref<2048x16xf32, #tpu.memory_space<vmem>> -> memref<128x16xf32, #tpu.memory_space<vmem>>
      %dma_start3A_46 = arith.constant 0 : i32
      %dma_start3A_47 = tpu.memref_slice %arg10[%dma_start3A_42, %dma_start3A_46] : memref<16x128xi32, #tpu.memory_space<vmem>> -> memref<1x128xi32, #tpu.memory_space<vmem>>
      %dma_start3A_48 = tpu.memref_squeeze %dma_start3A_47 : memref<1x128xi32, #tpu.memory_space<vmem>> -> memref<128xi32, #tpu.memory_space<vmem>>
      %dma_start3A_49 = arith.constant 0 : i32
      %dma_start3A_50 = arith.constant 0 : i32
      %dma_start3A_51 = tpu.memref_slice %arg2[%dma_start3A_49, %dma_start3A_50] : memref<262144x16xf32, #tpu.memory_space<hbm>> -> memref<262144x16xf32, #tpu.memory_space<hbm>>
      tpu.enqueue_indirect_dma source(%dma_start3A_51 : memref<262144x16xf32, #tpu.memory_space<hbm>>) target(%dma_start3A_45 : memref<128x16xf32, #tpu.memory_space<vmem>>) offsets(%dma_start3A_48 : memref<128xi32, #tpu.memory_space<vmem>>) semaphore(%arg15 : memref<!tpu.dma_semaphore, #tpu.memory_space<semaphore_mem>>)
      %dma_start3A_52 = arith.constant 3 : i32
      %dma_start3A_53 = arith.constant 384 : i32
      %dma_start3A_54 = arith.constant 0 : i32
      %dma_start3A_55 = tpu.memref_slice %arg12[%dma_start3A_53, %dma_start3A_54] : memref<2048x16xf32, #tpu.memory_space<vmem>> -> memref<128x16xf32, #tpu.memory_space<vmem>>
      %dma_start3A_56 = arith.constant 0 : i32
      %dma_start3A_57 = tpu.memref_slice %arg10[%dma_start3A_52, %dma_start3A_56] : memref<16x128xi32, #tpu.memory_space<vmem>> -> memref<1x128xi32, #tpu.memory_space<vmem>>
      %dma_start3A_58 = tpu.memref_squeeze %dma_start3A_57 : memref<1x128xi32, #tpu.memory_space<vmem>> -> memref<128xi32, #tpu.memory_space<vmem>>
      %dma_start3A_59 = arith.constant 0 : i32
      %dma_start3A_60 = arith.constant 0 : i32
      %dma_start3A_61 = tpu.memref_slice %arg2[%dma_start3A_59, %dma_start3A_60] : memref<262144x16xf32, #tpu.memory_space<hbm>> -> memref<262144x16xf32, #tpu.memory_space<hbm>>
      tpu.enqueue_indirect_dma source(%dma_start3A_61 : memref<262144x16xf32, #tpu.memory_space<hbm>>) target(%dma_start3A_55 : memref<128x16xf32, #tpu.memory_space<vmem>>) offsets(%dma_start3A_58 : memref<128xi32, #tpu.memory_space<vmem>>) semaphore(%arg15 : memref<!tpu.dma_semaphore, #tpu.memory_space<semaphore_mem>>)
      %dma_start3A_62 = arith.constant 4 : i32
      %dma_start3A_63 = arith.constant 512 : i32
      %dma_start3A_64 = arith.constant 0 : i32
      %dma_start3A_65 = tpu.memref_slice %arg12[%dma_start3A_63, %dma_start3A_64] : memref<2048x16xf32, #tpu.memory_space<vmem>> -> memref<128x16xf32, #tpu.memory_space<vmem>>
      %dma_start3A_66 = arith.constant 0 : i32
      %dma_start3A_67 = tpu.memref_slice %arg10[%dma_start3A_62, %dma_start3A_66] : memref<16x128xi32, #tpu.memory_space<vmem>> -> memref<1x128xi32, #tpu.memory_space<vmem>>
      %dma_start3A_68 = tpu.memref_squeeze %dma_start3A_67 : memref<1x128xi32, #tpu.memory_space<vmem>> -> memref<128xi32, #tpu.memory_space<vmem>>
      %dma_start3A_69 = arith.constant 0 : i32
      %dma_start3A_70 = arith.constant 0 : i32
      %dma_start3A_71 = tpu.memref_slice %arg2[%dma_start3A_69, %dma_start3A_70] : memref<262144x16xf32, #tpu.memory_space<hbm>> -> memref<262144x16xf32, #tpu.memory_space<hbm>>
      tpu.enqueue_indirect_dma source(%dma_start3A_71 : memref<262144x16xf32, #tpu.memory_space<hbm>>) target(%dma_start3A_65 : memref<128x16xf32, #tpu.memory_space<vmem>>) offsets(%dma_start3A_68 : memref<128xi32, #tpu.memory_space<vmem>>) semaphore(%arg15 : memref<!tpu.dma_semaphore, #tpu.memory_space<semaphore_mem>>)
      %dma_start3A_72 = arith.constant 5 : i32
      %dma_start3A_73 = arith.constant 640 : i32
      %dma_start3A_74 = arith.constant 0 : i32
      %dma_start3A_75 = tpu.memref_slice %arg12[%dma_start3A_73, %dma_start3A_74] : memref<2048x16xf32, #tpu.memory_space<vmem>> -> memref<128x16xf32, #tpu.memory_space<vmem>>
      %dma_start3A_76 = arith.constant 0 : i32
      %dma_start3A_77 = tpu.memref_slice %arg10[%dma_start3A_72, %dma_start3A_76] : memref<16x128xi32, #tpu.memory_space<vmem>> -> memref<1x128xi32, #tpu.memory_space<vmem>>
      %dma_start3A_78 = tpu.memref_squeeze %dma_start3A_77 : memref<1x128xi32, #tpu.memory_space<vmem>> -> memref<128xi32, #tpu.memory_space<vmem>>
      %dma_start3A_79 = arith.constant 0 : i32
      %dma_start3A_80 = arith.constant 0 : i32
      %dma_start3A_81 = tpu.memref_slice %arg2[%dma_start3A_79, %dma_start3A_80] : memref<262144x16xf32, #tpu.memory_space<hbm>> -> memref<262144x16xf32, #tpu.memory_space<hbm>>
      tpu.enqueue_indirect_dma source(%dma_start3A_81 : memref<262144x16xf32, #tpu.memory_space<hbm>>) target(%dma_start3A_75 : memref<128x16xf32, #tpu.memory_space<vmem>>) offsets(%dma_start3A_78 : memref<128xi32, #tpu.memory_space<vmem>>) semaphore(%arg15 : memref<!tpu.dma_semaphore, #tpu.memory_space<semaphore_mem>>)
      %dma_start3A_82 = arith.constant 6 : i32
      %dma_start3A_83 = arith.constant 768 : i32
      %dma_start3A_84 = arith.constant 0 : i32
      %dma_start3A_85 = tpu.memref_slice %arg12[%dma_start3A_83, %dma_start3A_84] : memref<2048x16xf32, #tpu.memory_space<vmem>> -> memref<128x16xf32, #tpu.memory_space<vmem>>
      %dma_start3A_86 = arith.constant 0 : i32
      %dma_start3A_87 = tpu.memref_slice %arg10[%dma_start3A_82, %dma_start3A_86] : memref<16x128xi32, #tpu.memory_space<vmem>> -> memref<1x128xi32, #tpu.memory_space<vmem>>
      %dma_start3A_88 = tpu.memref_squeeze %dma_start3A_87 : memref<1x128xi32, #tpu.memory_space<vmem>> -> memref<128xi32, #tpu.memory_space<vmem>>
      %dma_start3A_89 = arith.constant 0 : i32
      %dma_start3A_90 = arith.constant 0 : i32
      %dma_start3A_91 = tpu.memref_slice %arg2[%dma_start3A_89, %dma_start3A_90] : memref<262144x16xf32, #tpu.memory_space<hbm>> -> memref<262144x16xf32, #tpu.memory_space<hbm>>
      tpu.enqueue_indirect_dma source(%dma_start3A_91 : memref<262144x16xf32, #tpu.memory_space<hbm>>) target(%dma_start3A_85 : memref<128x16xf32, #tpu.memory_space<vmem>>) offsets(%dma_start3A_88 : memref<128xi32, #tpu.memory_space<vmem>>) semaphore(%arg15 : memref<!tpu.dma_semaphore, #tpu.memory_space<semaphore_mem>>)
      %dma_start3A_92 = arith.constant 7 : i32
      %dma_start3A_93 = arith.constant 896 : i32
      %dma_start3A_94 = arith.constant 0 : i32
      %dma_start3A_95 = tpu.memref_slice %arg12[%dma_start3A_93, %dma_start3A_94] : memref<2048x16xf32, #tpu.memory_space<vmem>> -> memref<128x16xf32, #tpu.memory_space<vmem>>
      %dma_start3A_96 = arith.constant 0 : i32
      %dma_start3A_97 = tpu.memref_slice %arg10[%dma_start3A_92, %dma_start3A_96] : memref<16x128xi32, #tpu.memory_space<vmem>> -> memref<1x128xi32, #tpu.memory_space<vmem>>
      %dma_start3A_98 = tpu.memref_squeeze %dma_start3A_97 : memref<1x128xi32, #tpu.memory_space<vmem>> -> memref<128xi32, #tpu.memory_space<vmem>>
      %dma_start3A_99 = arith.constant 0 : i32
      %dma_start3A_100 = arith.constant 0 : i32
      %dma_start3A_101 = tpu.memref_slice %arg2[%dma_start3A_99, %dma_start3A_100] : memref<262144x16xf32, #tpu.memory_space<hbm>> -> memref<262144x16xf32, #tpu.memory_space<hbm>>
      tpu.enqueue_indirect_dma source(%dma_start3A_101 : memref<262144x16xf32, #tpu.memory_space<hbm>>) target(%dma_start3A_95 : memref<128x16xf32, #tpu.memory_space<vmem>>) offsets(%dma_start3A_98 : memref<128xi32, #tpu.memory_space<vmem>>) semaphore(%arg15 : memref<!tpu.dma_semaphore, #tpu.memory_space<semaphore_mem>>)
      %dma_start3A_102 = arith.constant 8 : i32
      %dma_start3A_103 = arith.constant 1024 : i32
      %dma_start3A_104 = arith.constant 0 : i32
      %dma_start3A_105 = tpu.memref_slice %arg12[%dma_start3A_103, %dma_start3A_104] : memref<2048x16xf32, #tpu.memory_space<vmem>> -> memref<128x16xf32, #tpu.memory_space<vmem>>
      %dma_start3A_106 = arith.constant 0 : i32
      %dma_start3A_107 = tpu.memref_slice %arg10[%dma_start3A_102, %dma_start3A_106] : memref<16x128xi32, #tpu.memory_space<vmem>> -> memref<1x128xi32, #tpu.memory_space<vmem>>
      %dma_start3A_108 = tpu.memref_squeeze %dma_start3A_107 : memref<1x128xi32, #tpu.memory_space<vmem>> -> memref<128xi32, #tpu.memory_space<vmem>>
      %dma_start3A_109 = arith.constant 0 : i32
      %dma_start3A_110 = arith.constant 0 : i32
      %dma_start3A_111 = tpu.memref_slice %arg2[%dma_start3A_109, %dma_start3A_110] : memref<262144x16xf32, #tpu.memory_space<hbm>> -> memref<262144x16xf32, #tpu.memory_space<hbm>>
      tpu.enqueue_indirect_dma source(%dma_start3A_111 : memref<262144x16xf32, #tpu.memory_space<hbm>>) target(%dma_start3A_105 : memref<128x16xf32, #tpu.memory_space<vmem>>) offsets(%dma_start3A_108 : memref<128xi32, #tpu.memory_space<vmem>>) semaphore(%arg15 : memref<!tpu.dma_semaphore, #tpu.memory_space<semaphore_mem>>)
      %dma_start3A_112 = arith.constant 9 : i32
      %dma_start3A_113 = arith.constant 1152 : i32
      %dma_start3A_114 = arith.constant 0 : i32
      %dma_start3A_115 = tpu.memref_slice %arg12[%dma_start3A_113, %dma_start3A_114] : memref<2048x16xf32, #tpu.memory_space<vmem>> -> memref<128x16xf32, #tpu.memory_space<vmem>>
      %dma_start3A_116 = arith.constant 0 : i32
      %dma_start3A_117 = tpu.memref_slice %arg10[%dma_start3A_112, %dma_start3A_116] : memref<16x128xi32, #tpu.memory_space<vmem>> -> memref<1x128xi32, #tpu.memory_space<vmem>>
      %dma_start3A_118 = tpu.memref_squeeze %dma_start3A_117 : memref<1x128xi32, #tpu.memory_space<vmem>> -> memref<128xi32, #tpu.memory_space<vmem>>
      %dma_start3A_119 = arith.constant 0 : i32
      %dma_start3A_120 = arith.constant 0 : i32
      %dma_start3A_121 = tpu.memref_slice %arg2[%dma_start3A_119, %dma_start3A_120] : memref<262144x16xf32, #tpu.memory_space<hbm>> -> memref<262144x16xf32, #tpu.memory_space<hbm>>
      tpu.enqueue_indirect_dma source(%dma_start3A_121 : memref<262144x16xf32, #tpu.memory_space<hbm>>) target(%dma_start3A_115 : memref<128x16xf32, #tpu.memory_space<vmem>>) offsets(%dma_start3A_118 : memref<128xi32, #tpu.memory_space<vmem>>) semaphore(%arg15 : memref<!tpu.dma_semaphore, #tpu.memory_space<semaphore_mem>>)
      %dma_start3A_122 = arith.constant 10 : i32
      %dma_start3A_123 = arith.constant 1280 : i32
      %dma_start3A_124 = arith.constant 0 : i32
      %dma_start3A_125 = tpu.memref_slice %arg12[%dma_start3A_123, %dma_start3A_124] : memref<2048x16xf32, #tpu.memory_space<vmem>> -> memref<128x16xf32, #tpu.memory_space<vmem>>
      %dma_start3A_126 = arith.constant 0 : i32
      %dma_start3A_127 = tpu.memref_slice %arg10[%dma_start3A_122, %dma_start3A_126] : memref<16x128xi32, #tpu.memory_space<vmem>> -> memref<1x128xi32, #tpu.memory_space<vmem>>
      %dma_start3A_128 = tpu.memref_squeeze %dma_start3A_127 : memref<1x128xi32, #tpu.memory_space<vmem>> -> memref<128xi32, #tpu.memory_space<vmem>>
      %dma_start3A_129 = arith.constant 0 : i32
      %dma_start3A_130 = arith.constant 0 : i32
      %dma_start3A_131 = tpu.memref_slice %arg2[%dma_start3A_129, %dma_start3A_130] : memref<262144x16xf32, #tpu.memory_space<hbm>> -> memref<262144x16xf32, #tpu.memory_space<hbm>>
      tpu.enqueue_indirect_dma source(%dma_start3A_131 : memref<262144x16xf32, #tpu.memory_space<hbm>>) target(%dma_start3A_125 : memref<128x16xf32, #tpu.memory_space<vmem>>) offsets(%dma_start3A_128 : memref<128xi32, #tpu.memory_space<vmem>>) semaphore(%arg15 : memref<!tpu.dma_semaphore, #tpu.memory_space<semaphore_mem>>)
      %dma_start3A_132 = arith.constant 11 : i32
      %dma_start3A_133 = arith.constant 1408 : i32
      %dma_start3A_134 = arith.constant 0 : i32
      %dma_start3A_135 = tpu.memref_slice %arg12[%dma_start3A_133, %dma_start3A_134] : memref<2048x16xf32, #tpu.memory_space<vmem>> -> memref<128x16xf32, #tpu.memory_space<vmem>>
      %dma_start3A_136 = arith.constant 0 : i32
      %dma_start3A_137 = tpu.memref_slice %arg10[%dma_start3A_132, %dma_start3A_136] : memref<16x128xi32, #tpu.memory_space<vmem>> -> memref<1x128xi32, #tpu.memory_space<vmem>>
      %dma_start3A_138 = tpu.memref_squeeze %dma_start3A_137 : memref<1x128xi32, #tpu.memory_space<vmem>> -> memref<128xi32, #tpu.memory_space<vmem>>
      %dma_start3A_139 = arith.constant 0 : i32
      %dma_start3A_140 = arith.constant 0 : i32
      %dma_start3A_141 = tpu.memref_slice %arg2[%dma_start3A_139, %dma_start3A_140] : memref<262144x16xf32, #tpu.memory_space<hbm>> -> memref<262144x16xf32, #tpu.memory_space<hbm>>
      tpu.enqueue_indirect_dma source(%dma_start3A_141 : memref<262144x16xf32, #tpu.memory_space<hbm>>) target(%dma_start3A_135 : memref<128x16xf32, #tpu.memory_space<vmem>>) offsets(%dma_start3A_138 : memref<128xi32, #tpu.memory_space<vmem>>) semaphore(%arg15 : memref<!tpu.dma_semaphore, #tpu.memory_space<semaphore_mem>>)
      %dma_start3A_142 = arith.constant 12 : i32
      %dma_start3A_143 = arith.constant 1536 : i32
      %dma_start3A_144 = arith.constant 0 : i32
      %dma_start3A_145 = tpu.memref_slice %arg12[%dma_start3A_143, %dma_start3A_144] : memref<2048x16xf32, #tpu.memory_space<vmem>> -> memref<128x16xf32, #tpu.memory_space<vmem>>
      %dma_start3A_146 = arith.constant 0 : i32
      %dma_start3A_147 = tpu.memref_slice %arg10[%dma_start3A_142, %dma_start3A_146] : memref<16x128xi32, #tpu.memory_space<vmem>> -> memref<1x128xi32, #tpu.memory_space<vmem>>
      %dma_start3A_148 = tpu.memref_squeeze %dma_start3A_147 : memref<1x128xi32, #tpu.memory_space<vmem>> -> memref<128xi32, #tpu.memory_space<vmem>>
      %dma_start3A_149 = arith.constant 0 : i32
      %dma_start3A_150 = arith.constant 0 : i32
      %dma_start3A_151 = tpu.memref_slice %arg2[%dma_start3A_149, %dma_start3A_150] : memref<262144x16xf32, #tpu.memory_space<hbm>> -> memref<262144x16xf32, #tpu.memory_space<hbm>>
      tpu.enqueue_indirect_dma source(%dma_start3A_151 : memref<262144x16xf32, #tpu.memory_space<hbm>>) target(%dma_start3A_145 : memref<128x16xf32, #tpu.memory_space<vmem>>) offsets(%dma_start3A_148 : memref<128xi32, #tpu.memory_space<vmem>>) semaphore(%arg15 : memref<!tpu.dma_semaphore, #tpu.memory_space<semaphore_mem>>)
      %dma_start3A_152 = arith.constant 13 : i32
      %dma_start3A_153 = arith.constant 1664 : i32
      %dma_start3A_154 = arith.constant 0 : i32
      %dma_start3A_155 = tpu.memref_slice %arg12[%dma_start3A_153, %dma_start3A_154] : memref<2048x16xf32, #tpu.memory_space<vmem>> -> memref<128x16xf32, #tpu.memory_space<vmem>>
      %dma_start3A_156 = arith.constant 0 : i32
      %dma_start3A_157 = tpu.memref_slice %arg10[%dma_start3A_152, %dma_start3A_156] : memref<16x128xi32, #tpu.memory_space<vmem>> -> memref<1x128xi32, #tpu.memory_space<vmem>>
      %dma_start3A_158 = tpu.memref_squeeze %dma_start3A_157 : memref<1x128xi32, #tpu.memory_space<vmem>> -> memref<128xi32, #tpu.memory_space<vmem>>
      %dma_start3A_159 = arith.constant 0 : i32
      %dma_start3A_160 = arith.constant 0 : i32
      %dma_start3A_161 = tpu.memref_slice %arg2[%dma_start3A_159, %dma_start3A_160] : memref<262144x16xf32, #tpu.memory_space<hbm>> -> memref<262144x16xf32, #tpu.memory_space<hbm>>
      tpu.enqueue_indirect_dma source(%dma_start3A_161 : memref<262144x16xf32, #tpu.memory_space<hbm>>) target(%dma_start3A_155 : memref<128x16xf32, #tpu.memory_space<vmem>>) offsets(%dma_start3A_158 : memref<128xi32, #tpu.memory_space<vmem>>) semaphore(%arg15 : memref<!tpu.dma_semaphore, #tpu.memory_space<semaphore_mem>>)
      %dma_start3A_162 = arith.constant 14 : i32
      %dma_start3A_163 = arith.constant 1792 : i32
      %dma_start3A_164 = arith.constant 0 : i32
      %dma_start3A_165 = tpu.memref_slice %arg12[%dma_start3A_163, %dma_start3A_164] : memref<2048x16xf32, #tpu.memory_space<vmem>> -> memref<128x16xf32, #tpu.memory_space<vmem>>
      %dma_start3A_166 = arith.constant 0 : i32
      %dma_start3A_167 = tpu.memref_slice %arg10[%dma_start3A_162, %dma_start3A_166] : memref<16x128xi32, #tpu.memory_space<vmem>> -> memref<1x128xi32, #tpu.memory_space<vmem>>
      %dma_start3A_168 = tpu.memref_squeeze %dma_start3A_167 : memref<1x128xi32, #tpu.memory_space<vmem>> -> memref<128xi32, #tpu.memory_space<vmem>>
      %dma_start3A_169 = arith.constant 0 : i32
      %dma_start3A_170 = arith.constant 0 : i32
      %dma_start3A_171 = tpu.memref_slice %arg2[%dma_start3A_169, %dma_start3A_170] : memref<262144x16xf32, #tpu.memory_space<hbm>> -> memref<262144x16xf32, #tpu.memory_space<hbm>>
      tpu.enqueue_indirect_dma source(%dma_start3A_171 : memref<262144x16xf32, #tpu.memory_space<hbm>>) target(%dma_start3A_165 : memref<128x16xf32, #tpu.memory_space<vmem>>) offsets(%dma_start3A_168 : memref<128xi32, #tpu.memory_space<vmem>>) semaphore(%arg15 : memref<!tpu.dma_semaphore, #tpu.memory_space<semaphore_mem>>)
      %dma_start3A_172 = arith.constant 15 : i32
      %dma_start3A_173 = arith.constant 1920 : i32
      %dma_start3A_174 = arith.constant 0 : i32
      %dma_start3A_175 = tpu.memref_slice %arg12[%dma_start3A_173, %dma_start3A_174] : memref<2048x16xf32, #tpu.memory_space<vmem>> -> memref<128x16xf32, #tpu.memory_space<vmem>>
      %dma_start3A_176 = arith.constant 0 : i32
      %dma_start3A_177 = tpu.memref_slice %arg10[%dma_start3A_172, %dma_start3A_176] : memref<16x128xi32, #tpu.memory_space<vmem>> -> memref<1x128xi32, #tpu.memory_space<vmem>>
      %dma_start3A_178 = tpu.memref_squeeze %dma_start3A_177 : memref<1x128xi32, #tpu.memory_space<vmem>> -> memref<128xi32, #tpu.memory_space<vmem>>
      %dma_start3A_179 = arith.constant 0 : i32
      %dma_start3A_180 = arith.constant 0 : i32
      %dma_start3A_181 = tpu.memref_slice %arg2[%dma_start3A_179, %dma_start3A_180] : memref<262144x16xf32, #tpu.memory_space<hbm>> -> memref<262144x16xf32, #tpu.memory_space<hbm>>
      tpu.enqueue_indirect_dma source(%dma_start3A_181 : memref<262144x16xf32, #tpu.memory_space<hbm>>) target(%dma_start3A_175 : memref<128x16xf32, #tpu.memory_space<vmem>>) offsets(%dma_start3A_178 : memref<128xi32, #tpu.memory_space<vmem>>) semaphore(%arg15 : memref<!tpu.dma_semaphore, #tpu.memory_space<semaphore_mem>>)
      %dma_wait3A = arith.constant 0 : i32
      %dma_wait3A_182 = arith.constant 0 : i32
      %dma_wait3A_183 = arith.constant 0 : i32
      %dma_wait3A_184 = tpu.memref_slice %arg12[%dma_wait3A_182, %dma_wait3A_183] : memref<2048x16xf32, #tpu.memory_space<vmem>> -> memref<128x16xf32, #tpu.memory_space<vmem>>
      %dma_wait3A_185 = arith.constant 0 : i32
      %dma_wait3A_186 = tpu.memref_slice %arg10[%dma_wait3A, %dma_wait3A_185] : memref<16x128xi32, #tpu.memory_space<vmem>> -> memref<1x128xi32, #tpu.memory_space<vmem>>
      %dma_wait3A_187 = tpu.memref_squeeze %dma_wait3A_186 : memref<1x128xi32, #tpu.memory_space<vmem>> -> memref<128xi32, #tpu.memory_space<vmem>>
      %dma_wait3A_188 = arith.constant 0 : i32
      %dma_wait3A_189 = arith.constant 0 : i32
      %dma_wait3A_190 = tpu.memref_slice %arg2[%dma_wait3A_188, %dma_wait3A_189] : memref<262144x16xf32, #tpu.memory_space<hbm>> -> memref<262144x16xf32, #tpu.memory_space<hbm>>
      tpu.wait_indirect_dma semaphore(%arg15 : memref<!tpu.dma_semaphore, #tpu.memory_space<semaphore_mem>>) src(%dma_wait3A_190 : memref<262144x16xf32, #tpu.memory_space<hbm>>) dst(%dma_wait3A_184 : memref<128x16xf32, #tpu.memory_space<vmem>>)
      %dma_wait3A_191 = arith.constant 1 : i32
      %dma_wait3A_192 = arith.constant 128 : i32
      %dma_wait3A_193 = arith.constant 0 : i32
      %dma_wait3A_194 = tpu.memref_slice %arg12[%dma_wait3A_192, %dma_wait3A_193] : memref<2048x16xf32, #tpu.memory_space<vmem>> -> memref<128x16xf32, #tpu.memory_space<vmem>>
      %dma_wait3A_195 = arith.constant 0 : i32
      %dma_wait3A_196 = tpu.memref_slice %arg10[%dma_wait3A_191, %dma_wait3A_195] : memref<16x128xi32, #tpu.memory_space<vmem>> -> memref<1x128xi32, #tpu.memory_space<vmem>>
      %dma_wait3A_197 = tpu.memref_squeeze %dma_wait3A_196 : memref<1x128xi32, #tpu.memory_space<vmem>> -> memref<128xi32, #tpu.memory_space<vmem>>
      %dma_wait3A_198 = arith.constant 0 : i32
      %dma_wait3A_199 = arith.constant 0 : i32
      %dma_wait3A_200 = tpu.memref_slice %arg2[%dma_wait3A_198, %dma_wait3A_199] : memref<262144x16xf32, #tpu.memory_space<hbm>> -> memref<262144x16xf32, #tpu.memory_space<hbm>>
      tpu.wait_indirect_dma semaphore(%arg15 : memref<!tpu.dma_semaphore, #tpu.memory_space<semaphore_mem>>) src(%dma_wait3A_200 : memref<262144x16xf32, #tpu.memory_space<hbm>>) dst(%dma_wait3A_194 : memref<128x16xf32, #tpu.memory_space<vmem>>)
      %dma_wait3A_201 = arith.constant 2 : i32
      %dma_wait3A_202 = arith.constant 256 : i32
      %dma_wait3A_203 = arith.constant 0 : i32
      %dma_wait3A_204 = tpu.memref_slice %arg12[%dma_wait3A_202, %dma_wait3A_203] : memref<2048x16xf32, #tpu.memory_space<vmem>> -> memref<128x16xf32, #tpu.memory_space<vmem>>
      %dma_wait3A_205 = arith.constant 0 : i32
      %dma_wait3A_206 = tpu.memref_slice %arg10[%dma_wait3A_201, %dma_wait3A_205] : memref<16x128xi32, #tpu.memory_space<vmem>> -> memref<1x128xi32, #tpu.memory_space<vmem>>
      %dma_wait3A_207 = tpu.memref_squeeze %dma_wait3A_206 : memref<1x128xi32, #tpu.memory_space<vmem>> -> memref<128xi32, #tpu.memory_space<vmem>>
      %dma_wait3A_208 = arith.constant 0 : i32
      %dma_wait3A_209 = arith.constant 0 : i32
      %dma_wait3A_210 = tpu.memref_slice %arg2[%dma_wait3A_208, %dma_wait3A_209] : memref<262144x16xf32, #tpu.memory_space<hbm>> -> memref<262144x16xf32, #tpu.memory_space<hbm>>
      tpu.wait_indirect_dma semaphore(%arg15 : memref<!tpu.dma_semaphore, #tpu.memory_space<semaphore_mem>>) src(%dma_wait3A_210 : memref<262144x16xf32, #tpu.memory_space<hbm>>) dst(%dma_wait3A_204 : memref<128x16xf32, #tpu.memory_space<vmem>>)
      %dma_wait3A_211 = arith.constant 3 : i32
      %dma_wait3A_212 = arith.constant 384 : i32
      %dma_wait3A_213 = arith.constant 0 : i32
      %dma_wait3A_214 = tpu.memref_slice %arg12[%dma_wait3A_212, %dma_wait3A_213] : memref<2048x16xf32, #tpu.memory_space<vmem>> -> memref<128x16xf32, #tpu.memory_space<vmem>>
      %dma_wait3A_215 = arith.constant 0 : i32
      %dma_wait3A_216 = tpu.memref_slice %arg10[%dma_wait3A_211, %dma_wait3A_215] : memref<16x128xi32, #tpu.memory_space<vmem>> -> memref<1x128xi32, #tpu.memory_space<vmem>>
      %dma_wait3A_217 = tpu.memref_squeeze %dma_wait3A_216 : memref<1x128xi32, #tpu.memory_space<vmem>> -> memref<128xi32, #tpu.memory_space<vmem>>
      %dma_wait3A_218 = arith.constant 0 : i32
      %dma_wait3A_219 = arith.constant 0 : i32
      %dma_wait3A_220 = tpu.memref_slice %arg2[%dma_wait3A_218, %dma_wait3A_219] : memref<262144x16xf32, #tpu.memory_space<hbm>> -> memref<262144x16xf32, #tpu.memory_space<hbm>>
      tpu.wait_indirect_dma semaphore(%arg15 : memref<!tpu.dma_semaphore, #tpu.memory_space<semaphore_mem>>) src(%dma_wait3A_220 : memref<262144x16xf32, #tpu.memory_space<hbm>>) dst(%dma_wait3A_214 : memref<128x16xf32, #tpu.memory_space<vmem>>)
      %dma_wait3A_221 = arith.constant 4 : i32
      %dma_wait3A_222 = arith.constant 512 : i32
      %dma_wait3A_223 = arith.constant 0 : i32
      %dma_wait3A_224 = tpu.memref_slice %arg12[%dma_wait3A_222, %dma_wait3A_223] : memref<2048x16xf32, #tpu.memory_space<vmem>> -> memref<128x16xf32, #tpu.memory_space<vmem>>
      %dma_wait3A_225 = arith.constant 0 : i32
      %dma_wait3A_226 = tpu.memref_slice %arg10[%dma_wait3A_221, %dma_wait3A_225] : memref<16x128xi32, #tpu.memory_space<vmem>> -> memref<1x128xi32, #tpu.memory_space<vmem>>
      %dma_wait3A_227 = tpu.memref_squeeze %dma_wait3A_226 : memref<1x128xi32, #tpu.memory_space<vmem>> -> memref<128xi32, #tpu.memory_space<vmem>>
      %dma_wait3A_228 = arith.constant 0 : i32
      %dma_wait3A_229 = arith.constant 0 : i32
      %dma_wait3A_230 = tpu.memref_slice %arg2[%dma_wait3A_228, %dma_wait3A_229] : memref<262144x16xf32, #tpu.memory_space<hbm>> -> memref<262144x16xf32, #tpu.memory_space<hbm>>
      tpu.wait_indirect_dma semaphore(%arg15 : memref<!tpu.dma_semaphore, #tpu.memory_space<semaphore_mem>>) src(%dma_wait3A_230 : memref<262144x16xf32, #tpu.memory_space<hbm>>) dst(%dma_wait3A_224 : memref<128x16xf32, #tpu.memory_space<vmem>>)
      %dma_wait3A_231 = arith.constant 5 : i32
      %dma_wait3A_232 = arith.constant 640 : i32
      %dma_wait3A_233 = arith.constant 0 : i32
      %dma_wait3A_234 = tpu.memref_slice %arg12[%dma_wait3A_232, %dma_wait3A_233] : memref<2048x16xf32, #tpu.memory_space<vmem>> -> memref<128x16xf32, #tpu.memory_space<vmem>>
      %dma_wait3A_235 = arith.constant 0 : i32
      %dma_wait3A_236 = tpu.memref_slice %arg10[%dma_wait3A_231, %dma_wait3A_235] : memref<16x128xi32, #tpu.memory_space<vmem>> -> memref<1x128xi32, #tpu.memory_space<vmem>>
      %dma_wait3A_237 = tpu.memref_squeeze %dma_wait3A_236 : memref<1x128xi32, #tpu.memory_space<vmem>> -> memref<128xi32, #tpu.memory_space<vmem>>
      %dma_wait3A_238 = arith.constant 0 : i32
      %dma_wait3A_239 = arith.constant 0 : i32
      %dma_wait3A_240 = tpu.memref_slice %arg2[%dma_wait3A_238, %dma_wait3A_239] : memref<262144x16xf32, #tpu.memory_space<hbm>> -> memref<262144x16xf32, #tpu.memory_space<hbm>>
      tpu.wait_indirect_dma semaphore(%arg15 : memref<!tpu.dma_semaphore, #tpu.memory_space<semaphore_mem>>) src(%dma_wait3A_240 : memref<262144x16xf32, #tpu.memory_space<hbm>>) dst(%dma_wait3A_234 : memref<128x16xf32, #tpu.memory_space<vmem>>)
      %dma_wait3A_241 = arith.constant 6 : i32
      %dma_wait3A_242 = arith.constant 768 : i32
      %dma_wait3A_243 = arith.constant 0 : i32
      %dma_wait3A_244 = tpu.memref_slice %arg12[%dma_wait3A_242, %dma_wait3A_243] : memref<2048x16xf32, #tpu.memory_space<vmem>> -> memref<128x16xf32, #tpu.memory_space<vmem>>
      %dma_wait3A_245 = arith.constant 0 : i32
      %dma_wait3A_246 = tpu.memref_slice %arg10[%dma_wait3A_241, %dma_wait3A_245] : memref<16x128xi32, #tpu.memory_space<vmem>> -> memref<1x128xi32, #tpu.memory_space<vmem>>
      %dma_wait3A_247 = tpu.memref_squeeze %dma_wait3A_246 : memref<1x128xi32, #tpu.memory_space<vmem>> -> memref<128xi32, #tpu.memory_space<vmem>>
      %dma_wait3A_248 = arith.constant 0 : i32
      %dma_wait3A_249 = arith.constant 0 : i32
      %dma_wait3A_250 = tpu.memref_slice %arg2[%dma_wait3A_248, %dma_wait3A_249] : memref<262144x16xf32, #tpu.memory_space<hbm>> -> memref<262144x16xf32, #tpu.memory_space<hbm>>
      tpu.wait_indirect_dma semaphore(%arg15 : memref<!tpu.dma_semaphore, #tpu.memory_space<semaphore_mem>>) src(%dma_wait3A_250 : memref<262144x16xf32, #tpu.memory_space<hbm>>) dst(%dma_wait3A_244 : memref<128x16xf32, #tpu.memory_space<vmem>>)
      %dma_wait3A_251 = arith.constant 7 : i32
      %dma_wait3A_252 = arith.constant 896 : i32
      %dma_wait3A_253 = arith.constant 0 : i32
      %dma_wait3A_254 = tpu.memref_slice %arg12[%dma_wait3A_252, %dma_wait3A_253] : memref<2048x16xf32, #tpu.memory_space<vmem>> -> memref<128x16xf32, #tpu.memory_space<vmem>>
      %dma_wait3A_255 = arith.constant 0 : i32
      %dma_wait3A_256 = tpu.memref_slice %arg10[%dma_wait3A_251, %dma_wait3A_255] : memref<16x128xi32, #tpu.memory_space<vmem>> -> memref<1x128xi32, #tpu.memory_space<vmem>>
      %dma_wait3A_257 = tpu.memref_squeeze %dma_wait3A_256 : memref<1x128xi32, #tpu.memory_space<vmem>> -> memref<128xi32, #tpu.memory_space<vmem>>
      %dma_wait3A_258 = arith.constant 0 : i32
      %dma_wait3A_259 = arith.constant 0 : i32
      %dma_wait3A_260 = tpu.memref_slice %arg2[%dma_wait3A_258, %dma_wait3A_259] : memref<262144x16xf32, #tpu.memory_space<hbm>> -> memref<262144x16xf32, #tpu.memory_space<hbm>>
      tpu.wait_indirect_dma semaphore(%arg15 : memref<!tpu.dma_semaphore, #tpu.memory_space<semaphore_mem>>) src(%dma_wait3A_260 : memref<262144x16xf32, #tpu.memory_space<hbm>>) dst(%dma_wait3A_254 : memref<128x16xf32, #tpu.memory_space<vmem>>)
      %dma_wait3A_261 = arith.constant 8 : i32
      %dma_wait3A_262 = arith.constant 1024 : i32
      %dma_wait3A_263 = arith.constant 0 : i32
      %dma_wait3A_264 = tpu.memref_slice %arg12[%dma_wait3A_262, %dma_wait3A_263] : memref<2048x16xf32, #tpu.memory_space<vmem>> -> memref<128x16xf32, #tpu.memory_space<vmem>>
      %dma_wait3A_265 = arith.constant 0 : i32
      %dma_wait3A_266 = tpu.memref_slice %arg10[%dma_wait3A_261, %dma_wait3A_265] : memref<16x128xi32, #tpu.memory_space<vmem>> -> memref<1x128xi32, #tpu.memory_space<vmem>>
      %dma_wait3A_267 = tpu.memref_squeeze %dma_wait3A_266 : memref<1x128xi32, #tpu.memory_space<vmem>> -> memref<128xi32, #tpu.memory_space<vmem>>
      %dma_wait3A_268 = arith.constant 0 : i32
      %dma_wait3A_269 = arith.constant 0 : i32
      %dma_wait3A_270 = tpu.memref_slice %arg2[%dma_wait3A_268, %dma_wait3A_269] : memref<262144x16xf32, #tpu.memory_space<hbm>> -> memref<262144x16xf32, #tpu.memory_space<hbm>>
      tpu.wait_indirect_dma semaphore(%arg15 : memref<!tpu.dma_semaphore, #tpu.memory_space<semaphore_mem>>) src(%dma_wait3A_270 : memref<262144x16xf32, #tpu.memory_space<hbm>>) dst(%dma_wait3A_264 : memref<128x16xf32, #tpu.memory_space<vmem>>)
      %dma_wait3A_271 = arith.constant 9 : i32
      %dma_wait3A_272 = arith.constant 1152 : i32
      %dma_wait3A_273 = arith.constant 0 : i32
      %dma_wait3A_274 = tpu.memref_slice %arg12[%dma_wait3A_272, %dma_wait3A_273] : memref<2048x16xf32, #tpu.memory_space<vmem>> -> memref<128x16xf32, #tpu.memory_space<vmem>>
      %dma_wait3A_275 = arith.constant 0 : i32
      %dma_wait3A_276 = tpu.memref_slice %arg10[%dma_wait3A_271, %dma_wait3A_275] : memref<16x128xi32, #tpu.memory_space<vmem>> -> memref<1x128xi32, #tpu.memory_space<vmem>>
      %dma_wait3A_277 = tpu.memref_squeeze %dma_wait3A_276 : memref<1x128xi32, #tpu.memory_space<vmem>> -> memref<128xi32, #tpu.memory_space<vmem>>
      %dma_wait3A_278 = arith.constant 0 : i32
      %dma_wait3A_279 = arith.constant 0 : i32
      %dma_wait3A_280 = tpu.memref_slice %arg2[%dma_wait3A_278, %dma_wait3A_279] : memref<262144x16xf32, #tpu.memory_space<hbm>> -> memref<262144x16xf32, #tpu.memory_space<hbm>>
      tpu.wait_indirect_dma semaphore(%arg15 : memref<!tpu.dma_semaphore, #tpu.memory_space<semaphore_mem>>) src(%dma_wait3A_280 : memref<262144x16xf32, #tpu.memory_space<hbm>>) dst(%dma_wait3A_274 : memref<128x16xf32, #tpu.memory_space<vmem>>)
      %dma_wait3A_281 = arith.constant 10 : i32
      %dma_wait3A_282 = arith.constant 1280 : i32
      %dma_wait3A_283 = arith.constant 0 : i32
      %dma_wait3A_284 = tpu.memref_slice %arg12[%dma_wait3A_282, %dma_wait3A_283] : memref<2048x16xf32, #tpu.memory_space<vmem>> -> memref<128x16xf32, #tpu.memory_space<vmem>>
      %dma_wait3A_285 = arith.constant 0 : i32
      %dma_wait3A_286 = tpu.memref_slice %arg10[%dma_wait3A_281, %dma_wait3A_285] : memref<16x128xi32, #tpu.memory_space<vmem>> -> memref<1x128xi32, #tpu.memory_space<vmem>>
      %dma_wait3A_287 = tpu.memref_squeeze %dma_wait3A_286 : memref<1x128xi32, #tpu.memory_space<vmem>> -> memref<128xi32, #tpu.memory_space<vmem>>
      %dma_wait3A_288 = arith.constant 0 : i32
      %dma_wait3A_289 = arith.constant 0 : i32
      %dma_wait3A_290 = tpu.memref_slice %arg2[%dma_wait3A_288, %dma_wait3A_289] : memref<262144x16xf32, #tpu.memory_space<hbm>> -> memref<262144x16xf32, #tpu.memory_space<hbm>>
      tpu.wait_indirect_dma semaphore(%arg15 : memref<!tpu.dma_semaphore, #tpu.memory_space<semaphore_mem>>) src(%dma_wait3A_290 : memref<262144x16xf32, #tpu.memory_space<hbm>>) dst(%dma_wait3A_284 : memref<128x16xf32, #tpu.memory_space<vmem>>)
      %dma_wait3A_291 = arith.constant 11 : i32
      %dma_wait3A_292 = arith.constant 1408 : i32
      %dma_wait3A_293 = arith.constant 0 : i32
      %dma_wait3A_294 = tpu.memref_slice %arg12[%dma_wait3A_292, %dma_wait3A_293] : memref<2048x16xf32, #tpu.memory_space<vmem>> -> memref<128x16xf32, #tpu.memory_space<vmem>>
      %dma_wait3A_295 = arith.constant 0 : i32
      %dma_wait3A_296 = tpu.memref_slice %arg10[%dma_wait3A_291, %dma_wait3A_295] : memref<16x128xi32, #tpu.memory_space<vmem>> -> memref<1x128xi32, #tpu.memory_space<vmem>>
      %dma_wait3A_297 = tpu.memref_squeeze %dma_wait3A_296 : memref<1x128xi32, #tpu.memory_space<vmem>> -> memref<128xi32, #tpu.memory_space<vmem>>
      %dma_wait3A_298 = arith.constant 0 : i32
      %dma_wait3A_299 = arith.constant 0 : i32
      %dma_wait3A_300 = tpu.memref_slice %arg2[%dma_wait3A_298, %dma_wait3A_299] : memref<262144x16xf32, #tpu.memory_space<hbm>> -> memref<262144x16xf32, #tpu.memory_space<hbm>>
      tpu.wait_indirect_dma semaphore(%arg15 : memref<!tpu.dma_semaphore, #tpu.memory_space<semaphore_mem>>) src(%dma_wait3A_300 : memref<262144x16xf32, #tpu.memory_space<hbm>>) dst(%dma_wait3A_294 : memref<128x16xf32, #tpu.memory_space<vmem>>)
      %dma_wait3A_301 = arith.constant 12 : i32
      %dma_wait3A_302 = arith.constant 1536 : i32
      %dma_wait3A_303 = arith.constant 0 : i32
      %dma_wait3A_304 = tpu.memref_slice %arg12[%dma_wait3A_302, %dma_wait3A_303] : memref<2048x16xf32, #tpu.memory_space<vmem>> -> memref<128x16xf32, #tpu.memory_space<vmem>>
      %dma_wait3A_305 = arith.constant 0 : i32
      %dma_wait3A_306 = tpu.memref_slice %arg10[%dma_wait3A_301, %dma_wait3A_305] : memref<16x128xi32, #tpu.memory_space<vmem>> -> memref<1x128xi32, #tpu.memory_space<vmem>>
      %dma_wait3A_307 = tpu.memref_squeeze %dma_wait3A_306 : memref<1x128xi32, #tpu.memory_space<vmem>> -> memref<128xi32, #tpu.memory_space<vmem>>
      %dma_wait3A_308 = arith.constant 0 : i32
      %dma_wait3A_309 = arith.constant 0 : i32
      %dma_wait3A_310 = tpu.memref_slice %arg2[%dma_wait3A_308, %dma_wait3A_309] : memref<262144x16xf32, #tpu.memory_space<hbm>> -> memref<262144x16xf32, #tpu.memory_space<hbm>>
      tpu.wait_indirect_dma semaphore(%arg15 : memref<!tpu.dma_semaphore, #tpu.memory_space<semaphore_mem>>) src(%dma_wait3A_310 : memref<262144x16xf32, #tpu.memory_space<hbm>>) dst(%dma_wait3A_304 : memref<128x16xf32, #tpu.memory_space<vmem>>)
      %dma_wait3A_311 = arith.constant 13 : i32
      %dma_wait3A_312 = arith.constant 1664 : i32
      %dma_wait3A_313 = arith.constant 0 : i32
      %dma_wait3A_314 = tpu.memref_slice %arg12[%dma_wait3A_312, %dma_wait3A_313] : memref<2048x16xf32, #tpu.memory_space<vmem>> -> memref<128x16xf32, #tpu.memory_space<vmem>>
      %dma_wait3A_315 = arith.constant 0 : i32
      %dma_wait3A_316 = tpu.memref_slice %arg10[%dma_wait3A_311, %dma_wait3A_315] : memref<16x128xi32, #tpu.memory_space<vmem>> -> memref<1x128xi32, #tpu.memory_space<vmem>>
      %dma_wait3A_317 = tpu.memref_squeeze %dma_wait3A_316 : memref<1x128xi32, #tpu.memory_space<vmem>> -> memref<128xi32, #tpu.memory_space<vmem>>
      %dma_wait3A_318 = arith.constant 0 : i32
      %dma_wait3A_319 = arith.constant 0 : i32
      %dma_wait3A_320 = tpu.memref_slice %arg2[%dma_wait3A_318, %dma_wait3A_319] : memref<262144x16xf32, #tpu.memory_space<hbm>> -> memref<262144x16xf32, #tpu.memory_space<hbm>>
      tpu.wait_indirect_dma semaphore(%arg15 : memref<!tpu.dma_semaphore, #tpu.memory_space<semaphore_mem>>) src(%dma_wait3A_320 : memref<262144x16xf32, #tpu.memory_space<hbm>>) dst(%dma_wait3A_314 : memref<128x16xf32, #tpu.memory_space<vmem>>)
      %dma_wait3A_321 = arith.constant 14 : i32
      %dma_wait3A_322 = arith.constant 1792 : i32
      %dma_wait3A_323 = arith.constant 0 : i32
      %dma_wait3A_324 = tpu.memref_slice %arg12[%dma_wait3A_322, %dma_wait3A_323] : memref<2048x16xf32, #tpu.memory_space<vmem>> -> memref<128x16xf32, #tpu.memory_space<vmem>>
      %dma_wait3A_325 = arith.constant 0 : i32
      %dma_wait3A_326 = tpu.memref_slice %arg10[%dma_wait3A_321, %dma_wait3A_325] : memref<16x128xi32, #tpu.memory_space<vmem>> -> memref<1x128xi32, #tpu.memory_space<vmem>>
      %dma_wait3A_327 = tpu.memref_squeeze %dma_wait3A_326 : memref<1x128xi32, #tpu.memory_space<vmem>> -> memref<128xi32, #tpu.memory_space<vmem>>
      %dma_wait3A_328 = arith.constant 0 : i32
      %dma_wait3A_329 = arith.constant 0 : i32
      %dma_wait3A_330 = tpu.memref_slice %arg2[%dma_wait3A_328, %dma_wait3A_329] : memref<262144x16xf32, #tpu.memory_space<hbm>> -> memref<262144x16xf32, #tpu.memory_space<hbm>>
      tpu.wait_indirect_dma semaphore(%arg15 : memref<!tpu.dma_semaphore, #tpu.memory_space<semaphore_mem>>) src(%dma_wait3A_330 : memref<262144x16xf32, #tpu.memory_space<hbm>>) dst(%dma_wait3A_324 : memref<128x16xf32, #tpu.memory_space<vmem>>)
      %dma_wait3A_331 = arith.constant 15 : i32
      %dma_wait3A_332 = arith.constant 1920 : i32
      %dma_wait3A_333 = arith.constant 0 : i32
      %dma_wait3A_334 = tpu.memref_slice %arg12[%dma_wait3A_332, %dma_wait3A_333] : memref<2048x16xf32, #tpu.memory_space<vmem>> -> memref<128x16xf32, #tpu.memory_space<vmem>>
      %dma_wait3A_335 = arith.constant 0 : i32
      %dma_wait3A_336 = tpu.memref_slice %arg10[%dma_wait3A_331, %dma_wait3A_335] : memref<16x128xi32, #tpu.memory_space<vmem>> -> memref<1x128xi32, #tpu.memory_space<vmem>>
      %dma_wait3A_337 = tpu.memref_squeeze %dma_wait3A_336 : memref<1x128xi32, #tpu.memory_space<vmem>> -> memref<128xi32, #tpu.memory_space<vmem>>
      %dma_wait3A_338 = arith.constant 0 : i32
      %dma_wait3A_339 = arith.constant 0 : i32
      %dma_wait3A_340 = tpu.memref_slice %arg2[%dma_wait3A_338, %dma_wait3A_339] : memref<262144x16xf32, #tpu.memory_space<hbm>> -> memref<262144x16xf32, #tpu.memory_space<hbm>>
      tpu.wait_indirect_dma semaphore(%arg15 : memref<!tpu.dma_semaphore, #tpu.memory_space<semaphore_mem>>) src(%dma_wait3A_340 : memref<262144x16xf32, #tpu.memory_space<hbm>>) dst(%dma_wait3A_334 : memref<128x16xf32, #tpu.memory_space<vmem>>)
      %scan3A_341 = arith.constant 0 : i32
      %scan3A_342 = arith.constant 0 : i32
      %scan3A_343 = arith.constant 16 : i32
      %scan3A_344 = arith.addi %scan3A_342, %scan3A_343 : i32
      %scan3A_345 = arith.constant 1 : i32
      scf.for %scan3A_347 = %scan3A_342 to %scan3A_344 step %scan3A_345  : i32 {
        %mul3A_348 = arith.constant 16 : i32
        %mul3A_349 = arith.muli %scan3A_347, %mul3A_348 : i32
        %broadcast_in_dim3A = arith.constant 0.000000e+00 : f32
        %broadcast_in_dim3A_350 = vector.broadcast %broadcast_in_dim3A : f32 to vector<16xf32>
        %broadcast_in_dim3A_351 = arith.constant 0.000000e+00 : f32
        %broadcast_in_dim3A_352 = vector.broadcast %broadcast_in_dim3A_351 : f32 to vector<16xf32>
        %broadcast_in_dim3A_353 = arith.constant 0.000000e+00 : f32
        %broadcast_in_dim3A_354 = vector.broadcast %broadcast_in_dim3A_353 : f32 to vector<16xf32>
        %get3A = arith.index_cast %mul3A_349 : i32 to index
        %get3A_355 = tpu.vector_load %arg9[%get3A] {strides = array<i32>} : memref<256xi32, #tpu.memory_space<vmem>>, vector<16xi32>,
        %add3A_356 = vector.broadcast %mul3A_349 : i32 to vector<16xi32>
        %add3A_357 = arith.addi %add3A_356, %iota3A : vector<16xi32>
        %get3A_358 = arith.constant 0 : i32
        %get3A_359 = arith.index_cast %get3A_358 : i32 to index
        %get3A_360 = arith.index_cast %mul3A_349 : i32 to index
        %get3A_361 = tpu.vector_load %arg11[%get3A_359, %get3A_360] {strides = array<i32>} : memref<16x256xf32, #tpu.memory_space<vmem>>, vector<16xf32>,
        %add3A_362 = arith.constant 0 : i32
        %add3A_363 = vector.broadcast %add3A_362 : i32 to vector<16xi32>
        %add3A_364 = arith.addi %get3A_355, %add3A_363 : vector<16xi32>
        %shift_right_arithmetic3A_365 = arith.constant 2 : i32
        %shift_right_arithmetic3A_366 = vector.broadcast %shift_right_arithmetic3A_365 : i32 to vector<16xi32>
        %shift_right_arithmetic3A_367 = arith.shrsi %add3A_364, %shift_right_arithmetic3A_366 : vector<16xi32>
        %shift_left3A = arith.constant 8 : i32
        %shift_left3A_368 = vector.broadcast %shift_left3A : i32 to vector<16xi32>
        %shift_left3A_369 = arith.shli %shift_right_arithmetic3A_367, %shift_left3A_368 : vector<16xi32>
        %add3A_370 = arith.constant 0 : i32
        %add3A_371 = vector.broadcast %add3A_370 : i32 to vector<16xi32>
        %add3A_372 = arith.addi %add3A_371, %shift_left3A_369 : vector<16xi32>
        %add3A_373 = arith.addi %add3A_372, %add3A_357 : vector<16xi32>
        %and3A_374 = arith.constant 3 : i32
        %and3A_375 = vector.broadcast %and3A_374 : i32 to vector<16xi32>
        %and3A_376 = arith.andi %add3A_364, %and3A_375 : vector<16xi32>
        %shift_left3A_377 = arith.constant 2 : i32
        %shift_left3A_378 = vector.broadcast %shift_left3A_377 : i32 to vector<16xi32>
        %shift_left3A_379 = arith.shli %and3A_376, %shift_left3A_378 : vector<16xi32>
        %add3A_380 = arith.constant 0 : i32
        %add3A_381 = vector.broadcast %add3A_380 : i32 to vector<16xi32>
        %add3A_382 = arith.addi %shift_left3A_379, %add3A_381 : vector<16xi32>
        %gather3A = tpu.vector_load_idx %arg12[%add3A_373, %add3A_382] : memref<2048x16xf32, #tpu.memory_space<vmem>>[vector<16xi32>, vector<16xi32>], vector<16xf32>,
        %mul3A_383 = arith.mulf %gather3A, %get3A_361 : vector<16xf32>
        %add3A_384 = arith.addf %broadcast_in_dim3A_350, %mul3A_383 : vector<16xf32>
        %add3A_385 = arith.constant 1 : i32
        %add3A_386 = vector.broadcast %add3A_385 : i32 to vector<16xi32>
        %add3A_387 = arith.addi %shift_left3A_379, %add3A_386 : vector<16xi32>
        %gather3A_388 = tpu.vector_load_idx %arg12[%add3A_373, %add3A_387] : memref<2048x16xf32, #tpu.memory_space<vmem>>[vector<16xi32>, vector<16xi32>], vector<16xf32>,
        %mul3A_389 = arith.mulf %gather3A_388, %get3A_361 : vector<16xf32>
        %add3A_390 = arith.addf %broadcast_in_dim3A_352, %mul3A_389 : vector<16xf32>
        %add3A_391 = arith.constant 2 : i32
        %add3A_392 = vector.broadcast %add3A_391 : i32 to vector<16xi32>
        %add3A_393 = arith.addi %shift_left3A_379, %add3A_392 : vector<16xi32>
        %gather3A_394 = tpu.vector_load_idx %arg12[%add3A_373, %add3A_393] : memref<2048x16xf32, #tpu.memory_space<vmem>>[vector<16xi32>, vector<16xi32>], vector<16xf32>,
        %mul3A_395 = arith.mulf %gather3A_394, %get3A_361 : vector<16xf32>
        %add3A_396 = arith.addf %broadcast_in_dim3A_354, %mul3A_395 : vector<16xf32>
        %get3A_397 = arith.constant 4 : i32
        %get3A_398 = arith.index_cast %get3A_397 : i32 to index
        %get3A_399 = arith.index_cast %mul3A_349 : i32 to index
        %get3A_400 = tpu.vector_load %arg11[%get3A_398, %get3A_399] {strides = array<i32>} : memref<16x256xf32, #tpu.memory_space<vmem>>, vector<16xf32>,
        %add3A_401 = arith.constant 1 : i32
        %add3A_402 = vector.broadcast %add3A_401 : i32 to vector<16xi32>
        %add3A_403 = arith.addi %get3A_355, %add3A_402 : vector<16xi32>
        %shift_right_arithmetic3A_404 = arith.constant 2 : i32
        %shift_right_arithmetic3A_405 = vector.broadcast %shift_right_arithmetic3A_404 : i32 to vector<16xi32>
        %shift_right_arithmetic3A_406 = arith.shrsi %add3A_403, %shift_right_arithmetic3A_405 : vector<16xi32>
        %shift_left3A_407 = arith.constant 8 : i32
        %shift_left3A_408 = vector.broadcast %shift_left3A_407 : i32 to vector<16xi32>
        %shift_left3A_409 = arith.shli %shift_right_arithmetic3A_406, %shift_left3A_408 : vector<16xi32>
        %add3A_410 = arith.constant 0 : i32
        %add3A_411 = vector.broadcast %add3A_410 : i32 to vector<16xi32>
        %add3A_412 = arith.addi %add3A_411, %shift_left3A_409 : vector<16xi32>
        %add3A_413 = arith.addi %add3A_412, %add3A_357 : vector<16xi32>
        %and3A_414 = arith.constant 3 : i32
        %and3A_415 = vector.broadcast %and3A_414 : i32 to vector<16xi32>
        %and3A_416 = arith.andi %add3A_403, %and3A_415 : vector<16xi32>
        %shift_left3A_417 = arith.constant 2 : i32
        %shift_left3A_418 = vector.broadcast %shift_left3A_417 : i32 to vector<16xi32>
        %shift_left3A_419 = arith.shli %and3A_416, %shift_left3A_418 : vector<16xi32>
        %add3A_420 = arith.constant 0 : i32
        %add3A_421 = vector.broadcast %add3A_420 : i32 to vector<16xi32>
        %add3A_422 = arith.addi %shift_left3A_419, %add3A_421 : vector<16xi32>
        %gather3A_423 = tpu.vector_load_idx %arg12[%add3A_413, %add3A_422] : memref<2048x16xf32, #tpu.memory_space<vmem>>[vector<16xi32>, vector<16xi32>], vector<16xf32>,
        %mul3A_424 = arith.mulf %gather3A_423, %get3A_400 : vector<16xf32>
        %add3A_425 = arith.addf %add3A_384, %mul3A_424 : vector<16xf32>
        %add3A_426 = arith.constant 1 : i32
        %add3A_427 = vector.broadcast %add3A_426 : i32 to vector<16xi32>
        %add3A_428 = arith.addi %shift_left3A_419, %add3A_427 : vector<16xi32>
        %gather3A_429 = tpu.vector_load_idx %arg12[%add3A_413, %add3A_428] : memref<2048x16xf32, #tpu.memory_space<vmem>>[vector<16xi32>, vector<16xi32>], vector<16xf32>,
        %mul3A_430 = arith.mulf %gather3A_429, %get3A_400 : vector<16xf32>
        %add3A_431 = arith.addf %add3A_390, %mul3A_430 : vector<16xf32>
        %add3A_432 = arith.constant 2 : i32
        %add3A_433 = vector.broadcast %add3A_432 : i32 to vector<16xi32>
        %add3A_434 = arith.addi %shift_left3A_419, %add3A_433 : vector<16xi32>
        %gather3A_435 = tpu.vector_load_idx %arg12[%add3A_413, %add3A_434] : memref<2048x16xf32, #tpu.memory_space<vmem>>[vector<16xi32>, vector<16xi32>], vector<16xf32>,
        %mul3A_436 = arith.mulf %gather3A_435, %get3A_400 : vector<16xf32>
        %add3A_437 = arith.addf %add3A_396, %mul3A_436 : vector<16xf32>
        %get3A_438 = arith.constant 8 : i32
        %get3A_439 = arith.index_cast %get3A_438 : i32 to index
        %get3A_440 = arith.index_cast %mul3A_349 : i32 to index
        %get3A_441 = tpu.vector_load %arg11[%get3A_439, %get3A_440] {strides = array<i32>} : memref<16x256xf32, #tpu.memory_space<vmem>>, vector<16xf32>,
        %add3A_442 = arith.constant 2 : i32
        %add3A_443 = vector.broadcast %add3A_442 : i32 to vector<16xi32>
        %add3A_444 = arith.addi %get3A_355, %add3A_443 : vector<16xi32>
        %shift_right_arithmetic3A_445 = arith.constant 2 : i32
        %shift_right_arithmetic3A_446 = vector.broadcast %shift_right_arithmetic3A_445 : i32 to vector<16xi32>
        %shift_right_arithmetic3A_447 = arith.shrsi %add3A_444, %shift_right_arithmetic3A_446 : vector<16xi32>
        %shift_left3A_448 = arith.constant 8 : i32
        %shift_left3A_449 = vector.broadcast %shift_left3A_448 : i32 to vector<16xi32>
        %shift_left3A_450 = arith.shli %shift_right_arithmetic3A_447, %shift_left3A_449 : vector<16xi32>
        %add3A_451 = arith.constant 0 : i32
        %add3A_452 = vector.broadcast %add3A_451 : i32 to vector<16xi32>
        %add3A_453 = arith.addi %add3A_452, %shift_left3A_450 : vector<16xi32>
        %add3A_454 = arith.addi %add3A_453, %add3A_357 : vector<16xi32>
        %and3A_455 = arith.constant 3 : i32
        %and3A_456 = vector.broadcast %and3A_455 : i32 to vector<16xi32>
        %and3A_457 = arith.andi %add3A_444, %and3A_456 : vector<16xi32>
        %shift_left3A_458 = arith.constant 2 : i32
        %shift_left3A_459 = vector.broadcast %shift_left3A_458 : i32 to vector<16xi32>
        %shift_left3A_460 = arith.shli %and3A_457, %shift_left3A_459 : vector<16xi32>
        %add3A_461 = arith.constant 0 : i32
        %add3A_462 = vector.broadcast %add3A_461 : i32 to vector<16xi32>
        %add3A_463 = arith.addi %shift_left3A_460, %add3A_462 : vector<16xi32>
        %gather3A_464 = tpu.vector_load_idx %arg12[%add3A_454, %add3A_463] : memref<2048x16xf32, #tpu.memory_space<vmem>>[vector<16xi32>, vector<16xi32>], vector<16xf32>,
        %mul3A_465 = arith.mulf %gather3A_464, %get3A_441 : vector<16xf32>
        %add3A_466 = arith.addf %add3A_425, %mul3A_465 : vector<16xf32>
        %add3A_467 = arith.constant 1 : i32
        %add3A_468 = vector.broadcast %add3A_467 : i32 to vector<16xi32>
        %add3A_469 = arith.addi %shift_left3A_460, %add3A_468 : vector<16xi32>
        %gather3A_470 = tpu.vector_load_idx %arg12[%add3A_454, %add3A_469] : memref<2048x16xf32, #tpu.memory_space<vmem>>[vector<16xi32>, vector<16xi32>], vector<16xf32>,
        %mul3A_471 = arith.mulf %gather3A_470, %get3A_441 : vector<16xf32>
        %add3A_472 = arith.addf %add3A_431, %mul3A_471 : vector<16xf32>
        %add3A_473 = arith.constant 2 : i32
        %add3A_474 = vector.broadcast %add3A_473 : i32 to vector<16xi32>
        %add3A_475 = arith.addi %shift_left3A_460, %add3A_474 : vector<16xi32>
        %gather3A_476 = tpu.vector_load_idx %arg12[%add3A_454, %add3A_475] : memref<2048x16xf32, #tpu.memory_space<vmem>>[vector<16xi32>, vector<16xi32>], vector<16xf32>,
        %mul3A_477 = arith.mulf %gather3A_476, %get3A_441 : vector<16xf32>
        %add3A_478 = arith.addf %add3A_437, %mul3A_477 : vector<16xf32>
        %get3A_479 = arith.constant 12 : i32
        %get3A_480 = arith.index_cast %get3A_479 : i32 to index
        %get3A_481 = arith.index_cast %mul3A_349 : i32 to index
        %get3A_482 = tpu.vector_load %arg11[%get3A_480, %get3A_481] {strides = array<i32>} : memref<16x256xf32, #tpu.memory_space<vmem>>, vector<16xf32>,
        %add3A_483 = arith.constant 3 : i32
        %add3A_484 = vector.broadcast %add3A_483 : i32 to vector<16xi32>
        %add3A_485 = arith.addi %get3A_355, %add3A_484 : vector<16xi32>
        %shift_right_arithmetic3A_486 = arith.constant 2 : i32
        %shift_right_arithmetic3A_487 = vector.broadcast %shift_right_arithmetic3A_486 : i32 to vector<16xi32>
        %shift_right_arithmetic3A_488 = arith.shrsi %add3A_485, %shift_right_arithmetic3A_487 : vector<16xi32>
        %shift_left3A_489 = arith.constant 8 : i32
        %shift_left3A_490 = vector.broadcast %shift_left3A_489 : i32 to vector<16xi32>
        %shift_left3A_491 = arith.shli %shift_right_arithmetic3A_488, %shift_left3A_490 : vector<16xi32>
        %add3A_492 = arith.constant 0 : i32
        %add3A_493 = vector.broadcast %add3A_492 : i32 to vector<16xi32>
        %add3A_494 = arith.addi %add3A_493, %shift_left3A_491 : vector<16xi32>
        %add3A_495 = arith.addi %add3A_494, %add3A_357 : vector<16xi32>
        %and3A_496 = arith.constant 3 : i32
        %and3A_497 = vector.broadcast %and3A_496 : i32 to vector<16xi32>
        %and3A_498 = arith.andi %add3A_485, %and3A_497 : vector<16xi32>
        %shift_left3A_499 = arith.constant 2 : i32
        %shift_left3A_500 = vector.broadcast %shift_left3A_499 : i32 to vector<16xi32>
        %shift_left3A_501 = arith.shli %and3A_498, %shift_left3A_500 : vector<16xi32>
        %add3A_502 = arith.constant 0 : i32
        %add3A_503 = vector.broadcast %add3A_502 : i32 to vector<16xi32>
        %add3A_504 = arith.addi %shift_left3A_501, %add3A_503 : vector<16xi32>
        %gather3A_505 = tpu.vector_load_idx %arg12[%add3A_495, %add3A_504] : memref<2048x16xf32, #tpu.memory_space<vmem>>[vector<16xi32>, vector<16xi32>], vector<16xf32>,
        %mul3A_506 = arith.mulf %gather3A_505, %get3A_482 : vector<16xf32>
        %add3A_507 = arith.addf %add3A_466, %mul3A_506 : vector<16xf32>
        %add3A_508 = arith.constant 1 : i32
        %add3A_509 = vector.broadcast %add3A_508 : i32 to vector<16xi32>
        %add3A_510 = arith.addi %shift_left3A_501, %add3A_509 : vector<16xi32>
        %gather3A_511 = tpu.vector_load_idx %arg12[%add3A_495, %add3A_510] : memref<2048x16xf32, #tpu.memory_space<vmem>>[vector<16xi32>, vector<16xi32>], vector<16xf32>,
        %mul3A_512 = arith.mulf %gather3A_511, %get3A_482 : vector<16xf32>
        %add3A_513 = arith.addf %add3A_472, %mul3A_512 : vector<16xf32>
        %add3A_514 = arith.constant 2 : i32
        %add3A_515 = vector.broadcast %add3A_514 : i32 to vector<16xi32>
        %add3A_516 = arith.addi %shift_left3A_501, %add3A_515 : vector<16xi32>
        %gather3A_517 = tpu.vector_load_idx %arg12[%add3A_495, %add3A_516] : memref<2048x16xf32, #tpu.memory_space<vmem>>[vector<16xi32>, vector<16xi32>], vector<16xf32>,
        %mul3A_518 = arith.mulf %gather3A_517, %get3A_482 : vector<16xf32>
        %add3A_519 = arith.addf %add3A_478, %mul3A_518 : vector<16xf32>
        %get3A_520 = arith.constant 1 : i32
        %get3A_521 = arith.index_cast %get3A_520 : i32 to index
        %get3A_522 = arith.index_cast %mul3A_349 : i32 to index
        %get3A_523 = tpu.vector_load %arg11[%get3A_521, %get3A_522] {strides = array<i32>} : memref<16x256xf32, #tpu.memory_space<vmem>>, vector<16xf32>,
        %add3A_524 = arith.constant 0 : i32
        %add3A_525 = vector.broadcast %add3A_524 : i32 to vector<16xi32>
        %add3A_526 = arith.addi %get3A_355, %add3A_525 : vector<16xi32>
        %shift_right_arithmetic3A_527 = arith.constant 2 : i32
        %shift_right_arithmetic3A_528 = vector.broadcast %shift_right_arithmetic3A_527 : i32 to vector<16xi32>
        %shift_right_arithmetic3A_529 = arith.shrsi %add3A_526, %shift_right_arithmetic3A_528 : vector<16xi32>
        %shift_left3A_530 = arith.constant 8 : i32
        %shift_left3A_531 = vector.broadcast %shift_left3A_530 : i32 to vector<16xi32>
        %shift_left3A_532 = arith.shli %shift_right_arithmetic3A_529, %shift_left3A_531 : vector<16xi32>
        %add3A_533 = arith.constant 512 : i32
        %add3A_534 = vector.broadcast %add3A_533 : i32 to vector<16xi32>
        %add3A_535 = arith.addi %add3A_534, %shift_left3A_532 : vector<16xi32>
        %add3A_536 = arith.addi %add3A_535, %add3A_357 : vector<16xi32>
        %and3A_537 = arith.constant 3 : i32
        %and3A_538 = vector.broadcast %and3A_537 : i32 to vector<16xi32>
        %and3A_539 = arith.andi %add3A_526, %and3A_538 : vector<16xi32>
        %shift_left3A_540 = arith.constant 2 : i32
        %shift_left3A_541 = vector.broadcast %shift_left3A_540 : i32 to vector<16xi32>
        %shift_left3A_542 = arith.shli %and3A_539, %shift_left3A_541 : vector<16xi32>
        %add3A_543 = arith.constant 0 : i32
        %add3A_544 = vector.broadcast %add3A_543 : i32 to vector<16xi32>
        %add3A_545 = arith.addi %shift_left3A_542, %add3A_544 : vector<16xi32>
        %gather3A_546 = tpu.vector_load_idx %arg12[%add3A_536, %add3A_545] : memref<2048x16xf32, #tpu.memory_space<vmem>>[vector<16xi32>, vector<16xi32>], vector<16xf32>,
        %mul3A_547 = arith.mulf %gather3A_546, %get3A_523 : vector<16xf32>
        %add3A_548 = arith.addf %add3A_507, %mul3A_547 : vector<16xf32>
        %add3A_549 = arith.constant 1 : i32
        %add3A_550 = vector.broadcast %add3A_549 : i32 to vector<16xi32>
        %add3A_551 = arith.addi %shift_left3A_542, %add3A_550 : vector<16xi32>
        %gather3A_552 = tpu.vector_load_idx %arg12[%add3A_536, %add3A_551] : memref<2048x16xf32, #tpu.memory_space<vmem>>[vector<16xi32>, vector<16xi32>], vector<16xf32>,
        %mul3A_553 = arith.mulf %gather3A_552, %get3A_523 : vector<16xf32>
        %add3A_554 = arith.addf %add3A_513, %mul3A_553 : vector<16xf32>
        %add3A_555 = arith.constant 2 : i32
        %add3A_556 = vector.broadcast %add3A_555 : i32 to vector<16xi32>
        %add3A_557 = arith.addi %shift_left3A_542, %add3A_556 : vector<16xi32>
        %gather3A_558 = tpu.vector_load_idx %arg12[%add3A_536, %add3A_557] : memref<2048x16xf32, #tpu.memory_space<vmem>>[vector<16xi32>, vector<16xi32>], vector<16xf32>,
        %mul3A_559 = arith.mulf %gather3A_558, %get3A_523 : vector<16xf32>
        %add3A_560 = arith.addf %add3A_519, %mul3A_559 : vector<16xf32>
        %get3A_561 = arith.constant 5 : i32
        %get3A_562 = arith.index_cast %get3A_561 : i32 to index
        %get3A_563 = arith.index_cast %mul3A_349 : i32 to index
        %get3A_564 = tpu.vector_load %arg11[%get3A_562, %get3A_563] {strides = array<i32>} : memref<16x256xf32, #tpu.memory_space<vmem>>, vector<16xf32>,
        %add3A_565 = arith.constant 1 : i32
        %add3A_566 = vector.broadcast %add3A_565 : i32 to vector<16xi32>
        %add3A_567 = arith.addi %get3A_355, %add3A_566 : vector<16xi32>
        %shift_right_arithmetic3A_568 = arith.constant 2 : i32
        %shift_right_arithmetic3A_569 = vector.broadcast %shift_right_arithmetic3A_568 : i32 to vector<16xi32>
        %shift_right_arithmetic3A_570 = arith.shrsi %add3A_567, %shift_right_arithmetic3A_569 : vector<16xi32>
        %shift_left3A_571 = arith.constant 8 : i32
        %shift_left3A_572 = vector.broadcast %shift_left3A_571 : i32 to vector<16xi32>
        %shift_left3A_573 = arith.shli %shift_right_arithmetic3A_570, %shift_left3A_572 : vector<16xi32>
        %add3A_574 = arith.constant 512 : i32
        %add3A_575 = vector.broadcast %add3A_574 : i32 to vector<16xi32>
        %add3A_576 = arith.addi %add3A_575, %shift_left3A_573 : vector<16xi32>
        %add3A_577 = arith.addi %add3A_576, %add3A_357 : vector<16xi32>
        %and3A_578 = arith.constant 3 : i32
        %and3A_579 = vector.broadcast %and3A_578 : i32 to vector<16xi32>
        %and3A_580 = arith.andi %add3A_567, %and3A_579 : vector<16xi32>
        %shift_left3A_581 = arith.constant 2 : i32
        %shift_left3A_582 = vector.broadcast %shift_left3A_581 : i32 to vector<16xi32>
        %shift_left3A_583 = arith.shli %and3A_580, %shift_left3A_582 : vector<16xi32>
        %add3A_584 = arith.constant 0 : i32
        %add3A_585 = vector.broadcast %add3A_584 : i32 to vector<16xi32>
        %add3A_586 = arith.addi %shift_left3A_583, %add3A_585 : vector<16xi32>
        %gather3A_587 = tpu.vector_load_idx %arg12[%add3A_577, %add3A_586] : memref<2048x16xf32, #tpu.memory_space<vmem>>[vector<16xi32>, vector<16xi32>], vector<16xf32>,
        %mul3A_588 = arith.mulf %gather3A_587, %get3A_564 : vector<16xf32>
        %add3A_589 = arith.addf %add3A_548, %mul3A_588 : vector<16xf32>
        %add3A_590 = arith.constant 1 : i32
        %add3A_591 = vector.broadcast %add3A_590 : i32 to vector<16xi32>
        %add3A_592 = arith.addi %shift_left3A_583, %add3A_591 : vector<16xi32>
        %gather3A_593 = tpu.vector_load_idx %arg12[%add3A_577, %add3A_592] : memref<2048x16xf32, #tpu.memory_space<vmem>>[vector<16xi32>, vector<16xi32>], vector<16xf32>,
        %mul3A_594 = arith.mulf %gather3A_593, %get3A_564 : vector<16xf32>
        %add3A_595 = arith.addf %add3A_554, %mul3A_594 : vector<16xf32>
        %add3A_596 = arith.constant 2 : i32
        %add3A_597 = vector.broadcast %add3A_596 : i32 to vector<16xi32>
        %add3A_598 = arith.addi %shift_left3A_583, %add3A_597 : vector<16xi32>
        %gather3A_599 = tpu.vector_load_idx %arg12[%add3A_577, %add3A_598] : memref<2048x16xf32, #tpu.memory_space<vmem>>[vector<16xi32>, vector<16xi32>], vector<16xf32>,
        %mul3A_600 = arith.mulf %gather3A_599, %get3A_564 : vector<16xf32>
        %add3A_601 = arith.addf %add3A_560, %mul3A_600 : vector<16xf32>
        %get3A_602 = arith.constant 9 : i32
        %get3A_603 = arith.index_cast %get3A_602 : i32 to index
        %get3A_604 = arith.index_cast %mul3A_349 : i32 to index
        %get3A_605 = tpu.vector_load %arg11[%get3A_603, %get3A_604] {strides = array<i32>} : memref<16x256xf32, #tpu.memory_space<vmem>>, vector<16xf32>,
        %add3A_606 = arith.constant 2 : i32
        %add3A_607 = vector.broadcast %add3A_606 : i32 to vector<16xi32>
        %add3A_608 = arith.addi %get3A_355, %add3A_607 : vector<16xi32>
        %shift_right_arithmetic3A_609 = arith.constant 2 : i32
        %shift_right_arithmetic3A_610 = vector.broadcast %shift_right_arithmetic3A_609 : i32 to vector<16xi32>
        %shift_right_arithmetic3A_611 = arith.shrsi %add3A_608, %shift_right_arithmetic3A_610 : vector<16xi32>
        %shift_left3A_612 = arith.constant 8 : i32
        %shift_left3A_613 = vector.broadcast %shift_left3A_612 : i32 to vector<16xi32>
        %shift_left3A_614 = arith.shli %shift_right_arithmetic3A_611, %shift_left3A_613 : vector<16xi32>
        %add3A_615 = arith.constant 512 : i32
        %add3A_616 = vector.broadcast %add3A_615 : i32 to vector<16xi32>
        %add3A_617 = arith.addi %add3A_616, %shift_left3A_614 : vector<16xi32>
        %add3A_618 = arith.addi %add3A_617, %add3A_357 : vector<16xi32>
        %and3A_619 = arith.constant 3 : i32
        %and3A_620 = vector.broadcast %and3A_619 : i32 to vector<16xi32>
        %and3A_621 = arith.andi %add3A_608, %and3A_620 : vector<16xi32>
        %shift_left3A_622 = arith.constant 2 : i32
        %shift_left3A_623 = vector.broadcast %shift_left3A_622 : i32 to vector<16xi32>
        %shift_left3A_624 = arith.shli %and3A_621, %shift_left3A_623 : vector<16xi32>
        %add3A_625 = arith.constant 0 : i32
        %add3A_626 = vector.broadcast %add3A_625 : i32 to vector<16xi32>
        %add3A_627 = arith.addi %shift_left3A_624, %add3A_626 : vector<16xi32>
        %gather3A_628 = tpu.vector_load_idx %arg12[%add3A_618, %add3A_627] : memref<2048x16xf32, #tpu.memory_space<vmem>>[vector<16xi32>, vector<16xi32>], vector<16xf32>,
        %mul3A_629 = arith.mulf %gather3A_628, %get3A_605 : vector<16xf32>
        %add3A_630 = arith.addf %add3A_589, %mul3A_629 : vector<16xf32>
        %add3A_631 = arith.constant 1 : i32
        %add3A_632 = vector.broadcast %add3A_631 : i32 to vector<16xi32>
        %add3A_633 = arith.addi %shift_left3A_624, %add3A_632 : vector<16xi32>
        %gather3A_634 = tpu.vector_load_idx %arg12[%add3A_618, %add3A_633] : memref<2048x16xf32, #tpu.memory_space<vmem>>[vector<16xi32>, vector<16xi32>], vector<16xf32>,
        %mul3A_635 = arith.mulf %gather3A_634, %get3A_605 : vector<16xf32>
        %add3A_636 = arith.addf %add3A_595, %mul3A_635 : vector<16xf32>
        %add3A_637 = arith.constant 2 : i32
        %add3A_638 = vector.broadcast %add3A_637 : i32 to vector<16xi32>
        %add3A_639 = arith.addi %shift_left3A_624, %add3A_638 : vector<16xi32>
        %gather3A_640 = tpu.vector_load_idx %arg12[%add3A_618, %add3A_639] : memref<2048x16xf32, #tpu.memory_space<vmem>>[vector<16xi32>, vector<16xi32>], vector<16xf32>,
        %mul3A_641 = arith.mulf %gather3A_640, %get3A_605 : vector<16xf32>
        %add3A_642 = arith.addf %add3A_601, %mul3A_641 : vector<16xf32>
        %get3A_643 = arith.constant 13 : i32
        %get3A_644 = arith.index_cast %get3A_643 : i32 to index
        %get3A_645 = arith.index_cast %mul3A_349 : i32 to index
        %get3A_646 = tpu.vector_load %arg11[%get3A_644, %get3A_645] {strides = array<i32>} : memref<16x256xf32, #tpu.memory_space<vmem>>, vector<16xf32>,
        %add3A_647 = arith.constant 3 : i32
        %add3A_648 = vector.broadcast %add3A_647 : i32 to vector<16xi32>
        %add3A_649 = arith.addi %get3A_355, %add3A_648 : vector<16xi32>
        %shift_right_arithmetic3A_650 = arith.constant 2 : i32
        %shift_right_arithmetic3A_651 = vector.broadcast %shift_right_arithmetic3A_650 : i32 to vector<16xi32>
        %shift_right_arithmetic3A_652 = arith.shrsi %add3A_649, %shift_right_arithmetic3A_651 : vector<16xi32>
        %shift_left3A_653 = arith.constant 8 : i32
        %shift_left3A_654 = vector.broadcast %shift_left3A_653 : i32 to vector<16xi32>
        %shift_left3A_655 = arith.shli %shift_right_arithmetic3A_652, %shift_left3A_654 : vector<16xi32>
        %add3A_656 = arith.constant 512 : i32
        %add3A_657 = vector.broadcast %add3A_656 : i32 to vector<16xi32>
        %add3A_658 = arith.addi %add3A_657, %shift_left3A_655 : vector<16xi32>
        %add3A_659 = arith.addi %add3A_658, %add3A_357 : vector<16xi32>
        %and3A_660 = arith.constant 3 : i32
        %and3A_661 = vector.broadcast %and3A_660 : i32 to vector<16xi32>
        %and3A_662 = arith.andi %add3A_649, %and3A_661 : vector<16xi32>
        %shift_left3A_663 = arith.constant 2 : i32
        %shift_left3A_664 = vector.broadcast %shift_left3A_663 : i32 to vector<16xi32>
        %shift_left3A_665 = arith.shli %and3A_662, %shift_left3A_664 : vector<16xi32>
        %add3A_666 = arith.constant 0 : i32
        %add3A_667 = vector.broadcast %add3A_666 : i32 to vector<16xi32>
        %add3A_668 = arith.addi %shift_left3A_665, %add3A_667 : vector<16xi32>
        %gather3A_669 = tpu.vector_load_idx %arg12[%add3A_659, %add3A_668] : memref<2048x16xf32, #tpu.memory_space<vmem>>[vector<16xi32>, vector<16xi32>], vector<16xf32>,
        %mul3A_670 = arith.mulf %gather3A_669, %get3A_646 : vector<16xf32>
        %add3A_671 = arith.addf %add3A_630, %mul3A_670 : vector<16xf32>
        %add3A_672 = arith.constant 1 : i32
        %add3A_673 = vector.broadcast %add3A_672 : i32 to vector<16xi32>
        %add3A_674 = arith.addi %shift_left3A_665, %add3A_673 : vector<16xi32>
        %gather3A_675 = tpu.vector_load_idx %arg12[%add3A_659, %add3A_674] : memref<2048x16xf32, #tpu.memory_space<vmem>>[vector<16xi32>, vector<16xi32>], vector<16xf32>,
        %mul3A_676 = arith.mulf %gather3A_675, %get3A_646 : vector<16xf32>
        %add3A_677 = arith.addf %add3A_636, %mul3A_676 : vector<16xf32>
        %add3A_678 = arith.constant 2 : i32
        %add3A_679 = vector.broadcast %add3A_678 : i32 to vector<16xi32>
        %add3A_680 = arith.addi %shift_left3A_665, %add3A_679 : vector<16xi32>
        %gather3A_681 = tpu.vector_load_idx %arg12[%add3A_659, %add3A_680] : memref<2048x16xf32, #tpu.memory_space<vmem>>[vector<16xi32>, vector<16xi32>], vector<16xf32>,
        %mul3A_682 = arith.mulf %gather3A_681, %get3A_646 : vector<16xf32>
        %add3A_683 = arith.addf %add3A_642, %mul3A_682 : vector<16xf32>
        %get3A_684 = arith.constant 2 : i32
        %get3A_685 = arith.index_cast %get3A_684 : i32 to index
        %get3A_686 = arith.index_cast %mul3A_349 : i32 to index
        %get3A_687 = tpu.vector_load %arg11[%get3A_685, %get3A_686] {strides = array<i32>} : memref<16x256xf32, #tpu.memory_space<vmem>>, vector<16xf32>,
        %add3A_688 = arith.constant 0 : i32
        %add3A_689 = vector.broadcast %add3A_688 : i32 to vector<16xi32>
        %add3A_690 = arith.addi %get3A_355, %add3A_689 : vector<16xi32>
        %shift_right_arithmetic3A_691 = arith.constant 2 : i32
        %shift_right_arithmetic3A_692 = vector.broadcast %shift_right_arithmetic3A_691 : i32 to vector<16xi32>
        %shift_right_arithmetic3A_693 = arith.shrsi %add3A_690, %shift_right_arithmetic3A_692 : vector<16xi32>
        %shift_left3A_694 = arith.constant 8 : i32
        %shift_left3A_695 = vector.broadcast %shift_left3A_694 : i32 to vector<16xi32>
        %shift_left3A_696 = arith.shli %shift_right_arithmetic3A_693, %shift_left3A_695 : vector<16xi32>
        %add3A_697 = arith.constant 1024 : i32
        %add3A_698 = vector.broadcast %add3A_697 : i32 to vector<16xi32>
        %add3A_699 = arith.addi %add3A_698, %shift_left3A_696 : vector<16xi32>
        %add3A_700 = arith.addi %add3A_699, %add3A_357 : vector<16xi32>
        %and3A_701 = arith.constant 3 : i32
        %and3A_702 = vector.broadcast %and3A_701 : i32 to vector<16xi32>
        %and3A_703 = arith.andi %add3A_690, %and3A_702 : vector<16xi32>
        %shift_left3A_704 = arith.constant 2 : i32
        %shift_left3A_705 = vector.broadcast %shift_left3A_704 : i32 to vector<16xi32>
        %shift_left3A_706 = arith.shli %and3A_703, %shift_left3A_705 : vector<16xi32>
        %add3A_707 = arith.constant 0 : i32
        %add3A_708 = vector.broadcast %add3A_707 : i32 to vector<16xi32>
        %add3A_709 = arith.addi %shift_left3A_706, %add3A_708 : vector<16xi32>
        %gather3A_710 = tpu.vector_load_idx %arg12[%add3A_700, %add3A_709] : memref<2048x16xf32, #tpu.memory_space<vmem>>[vector<16xi32>, vector<16xi32>], vector<16xf32>,
        %mul3A_711 = arith.mulf %gather3A_710, %get3A_687 : vector<16xf32>
        %add3A_712 = arith.addf %add3A_671, %mul3A_711 : vector<16xf32>
        %add3A_713 = arith.constant 1 : i32
        %add3A_714 = vector.broadcast %add3A_713 : i32 to vector<16xi32>
        %add3A_715 = arith.addi %shift_left3A_706, %add3A_714 : vector<16xi32>
        %gather3A_716 = tpu.vector_load_idx %arg12[%add3A_700, %add3A_715] : memref<2048x16xf32, #tpu.memory_space<vmem>>[vector<16xi32>, vector<16xi32>], vector<16xf32>,
        %mul3A_717 = arith.mulf %gather3A_716, %get3A_687 : vector<16xf32>
        %add3A_718 = arith.addf %add3A_677, %mul3A_717 : vector<16xf32>
        %add3A_719 = arith.constant 2 : i32
        %add3A_720 = vector.broadcast %add3A_719 : i32 to vector<16xi32>
        %add3A_721 = arith.addi %shift_left3A_706, %add3A_720 : vector<16xi32>
        %gather3A_722 = tpu.vector_load_idx %arg12[%add3A_700, %add3A_721] : memref<2048x16xf32, #tpu.memory_space<vmem>>[vector<16xi32>, vector<16xi32>], vector<16xf32>,
        %mul3A_723 = arith.mulf %gather3A_722, %get3A_687 : vector<16xf32>
        %add3A_724 = arith.addf %add3A_683, %mul3A_723 : vector<16xf32>
        %get3A_725 = arith.constant 6 : i32
        %get3A_726 = arith.index_cast %get3A_725 : i32 to index
        %get3A_727 = arith.index_cast %mul3A_349 : i32 to index
        %get3A_728 = tpu.vector_load %arg11[%get3A_726, %get3A_727] {strides = array<i32>} : memref<16x256xf32, #tpu.memory_space<vmem>>, vector<16xf32>,
        %add3A_729 = arith.constant 1 : i32
        %add3A_730 = vector.broadcast %add3A_729 : i32 to vector<16xi32>
        %add3A_731 = arith.addi %get3A_355, %add3A_730 : vector<16xi32>
        %shift_right_arithmetic3A_732 = arith.constant 2 : i32
        %shift_right_arithmetic3A_733 = vector.broadcast %shift_right_arithmetic3A_732 : i32 to vector<16xi32>
        %shift_right_arithmetic3A_734 = arith.shrsi %add3A_731, %shift_right_arithmetic3A_733 : vector<16xi32>
        %shift_left3A_735 = arith.constant 8 : i32
        %shift_left3A_736 = vector.broadcast %shift_left3A_735 : i32 to vector<16xi32>
        %shift_left3A_737 = arith.shli %shift_right_arithmetic3A_734, %shift_left3A_736 : vector<16xi32>
        %add3A_738 = arith.constant 1024 : i32
        %add3A_739 = vector.broadcast %add3A_738 : i32 to vector<16xi32>
        %add3A_740 = arith.addi %add3A_739, %shift_left3A_737 : vector<16xi32>
        %add3A_741 = arith.addi %add3A_740, %add3A_357 : vector<16xi32>
        %and3A_742 = arith.constant 3 : i32
        %and3A_743 = vector.broadcast %and3A_742 : i32 to vector<16xi32>
        %and3A_744 = arith.andi %add3A_731, %and3A_743 : vector<16xi32>
        %shift_left3A_745 = arith.constant 2 : i32
        %shift_left3A_746 = vector.broadcast %shift_left3A_745 : i32 to vector<16xi32>
        %shift_left3A_747 = arith.shli %and3A_744, %shift_left3A_746 : vector<16xi32>
        %add3A_748 = arith.constant 0 : i32
        %add3A_749 = vector.broadcast %add3A_748 : i32 to vector<16xi32>
        %add3A_750 = arith.addi %shift_left3A_747, %add3A_749 : vector<16xi32>
        %gather3A_751 = tpu.vector_load_idx %arg12[%add3A_741, %add3A_750] : memref<2048x16xf32, #tpu.memory_space<vmem>>[vector<16xi32>, vector<16xi32>], vector<16xf32>,
        %mul3A_752 = arith.mulf %gather3A_751, %get3A_728 : vector<16xf32>
        %add3A_753 = arith.addf %add3A_712, %mul3A_752 : vector<16xf32>
        %add3A_754 = arith.constant 1 : i32
        %add3A_755 = vector.broadcast %add3A_754 : i32 to vector<16xi32>
        %add3A_756 = arith.addi %shift_left3A_747, %add3A_755 : vector<16xi32>
        %gather3A_757 = tpu.vector_load_idx %arg12[%add3A_741, %add3A_756] : memref<2048x16xf32, #tpu.memory_space<vmem>>[vector<16xi32>, vector<16xi32>], vector<16xf32>,
        %mul3A_758 = arith.mulf %gather3A_757, %get3A_728 : vector<16xf32>
        %add3A_759 = arith.addf %add3A_718, %mul3A_758 : vector<16xf32>
        %add3A_760 = arith.constant 2 : i32
        %add3A_761 = vector.broadcast %add3A_760 : i32 to vector<16xi32>
        %add3A_762 = arith.addi %shift_left3A_747, %add3A_761 : vector<16xi32>
        %gather3A_763 = tpu.vector_load_idx %arg12[%add3A_741, %add3A_762] : memref<2048x16xf32, #tpu.memory_space<vmem>>[vector<16xi32>, vector<16xi32>], vector<16xf32>,
        %mul3A_764 = arith.mulf %gather3A_763, %get3A_728 : vector<16xf32>
        %add3A_765 = arith.addf %add3A_724, %mul3A_764 : vector<16xf32>
        %get3A_766 = arith.constant 10 : i32
        %get3A_767 = arith.index_cast %get3A_766 : i32 to index
        %get3A_768 = arith.index_cast %mul3A_349 : i32 to index
        %get3A_769 = tpu.vector_load %arg11[%get3A_767, %get3A_768] {strides = array<i32>} : memref<16x256xf32, #tpu.memory_space<vmem>>, vector<16xf32>,
        %add3A_770 = arith.constant 2 : i32
        %add3A_771 = vector.broadcast %add3A_770 : i32 to vector<16xi32>
        %add3A_772 = arith.addi %get3A_355, %add3A_771 : vector<16xi32>
        %shift_right_arithmetic3A_773 = arith.constant 2 : i32
        %shift_right_arithmetic3A_774 = vector.broadcast %shift_right_arithmetic3A_773 : i32 to vector<16xi32>
        %shift_right_arithmetic3A_775 = arith.shrsi %add3A_772, %shift_right_arithmetic3A_774 : vector<16xi32>
        %shift_left3A_776 = arith.constant 8 : i32
        %shift_left3A_777 = vector.broadcast %shift_left3A_776 : i32 to vector<16xi32>
        %shift_left3A_778 = arith.shli %shift_right_arithmetic3A_775, %shift_left3A_777 : vector<16xi32>
        %add3A_779 = arith.constant 1024 : i32
        %add3A_780 = vector.broadcast %add3A_779 : i32 to vector<16xi32>
        %add3A_781 = arith.addi %add3A_780, %shift_left3A_778 : vector<16xi32>
        %add3A_782 = arith.addi %add3A_781, %add3A_357 : vector<16xi32>
        %and3A_783 = arith.constant 3 : i32
        %and3A_784 = vector.broadcast %and3A_783 : i32 to vector<16xi32>
        %and3A_785 = arith.andi %add3A_772, %and3A_784 : vector<16xi32>
        %shift_left3A_786 = arith.constant 2 : i32
        %shift_left3A_787 = vector.broadcast %shift_left3A_786 : i32 to vector<16xi32>
        %shift_left3A_788 = arith.shli %and3A_785, %shift_left3A_787 : vector<16xi32>
        %add3A_789 = arith.constant 0 : i32
        %add3A_790 = vector.broadcast %add3A_789 : i32 to vector<16xi32>
        %add3A_791 = arith.addi %shift_left3A_788, %add3A_790 : vector<16xi32>
        %gather3A_792 = tpu.vector_load_idx %arg12[%add3A_782, %add3A_791] : memref<2048x16xf32, #tpu.memory_space<vmem>>[vector<16xi32>, vector<16xi32>], vector<16xf32>,
        %mul3A_793 = arith.mulf %gather3A_792, %get3A_769 : vector<16xf32>
        %add3A_794 = arith.addf %add3A_753, %mul3A_793 : vector<16xf32>
        %add3A_795 = arith.constant 1 : i32
        %add3A_796 = vector.broadcast %add3A_795 : i32 to vector<16xi32>
        %add3A_797 = arith.addi %shift_left3A_788, %add3A_796 : vector<16xi32>
        %gather3A_798 = tpu.vector_load_idx %arg12[%add3A_782, %add3A_797] : memref<2048x16xf32, #tpu.memory_space<vmem>>[vector<16xi32>, vector<16xi32>], vector<16xf32>,
        %mul3A_799 = arith.mulf %gather3A_798, %get3A_769 : vector<16xf32>
        %add3A_800 = arith.addf %add3A_759, %mul3A_799 : vector<16xf32>
        %add3A_801 = arith.constant 2 : i32
        %add3A_802 = vector.broadcast %add3A_801 : i32 to vector<16xi32>
        %add3A_803 = arith.addi %shift_left3A_788, %add3A_802 : vector<16xi32>
        %gather3A_804 = tpu.vector_load_idx %arg12[%add3A_782, %add3A_803] : memref<2048x16xf32, #tpu.memory_space<vmem>>[vector<16xi32>, vector<16xi32>], vector<16xf32>,
        %mul3A_805 = arith.mulf %gather3A_804, %get3A_769 : vector<16xf32>
        %add3A_806 = arith.addf %add3A_765, %mul3A_805 : vector<16xf32>
        %get3A_807 = arith.constant 14 : i32
        %get3A_808 = arith.index_cast %get3A_807 : i32 to index
        %get3A_809 = arith.index_cast %mul3A_349 : i32 to index
        %get3A_810 = tpu.vector_load %arg11[%get3A_808, %get3A_809] {strides = array<i32>} : memref<16x256xf32, #tpu.memory_space<vmem>>, vector<16xf32>,
        %add3A_811 = arith.constant 3 : i32
        %add3A_812 = vector.broadcast %add3A_811 : i32 to vector<16xi32>
        %add3A_813 = arith.addi %get3A_355, %add3A_812 : vector<16xi32>
        %shift_right_arithmetic3A_814 = arith.constant 2 : i32
        %shift_right_arithmetic3A_815 = vector.broadcast %shift_right_arithmetic3A_814 : i32 to vector<16xi32>
        %shift_right_arithmetic3A_816 = arith.shrsi %add3A_813, %shift_right_arithmetic3A_815 : vector<16xi32>
        %shift_left3A_817 = arith.constant 8 : i32
        %shift_left3A_818 = vector.broadcast %shift_left3A_817 : i32 to vector<16xi32>
        %shift_left3A_819 = arith.shli %shift_right_arithmetic3A_816, %shift_left3A_818 : vector<16xi32>
        %add3A_820 = arith.constant 1024 : i32
        %add3A_821 = vector.broadcast %add3A_820 : i32 to vector<16xi32>
        %add3A_822 = arith.addi %add3A_821, %shift_left3A_819 : vector<16xi32>
        %add3A_823 = arith.addi %add3A_822, %add3A_357 : vector<16xi32>
        %and3A_824 = arith.constant 3 : i32
        %and3A_825 = vector.broadcast %and3A_824 : i32 to vector<16xi32>
        %and3A_826 = arith.andi %add3A_813, %and3A_825 : vector<16xi32>
        %shift_left3A_827 = arith.constant 2 : i32
        %shift_left3A_828 = vector.broadcast %shift_left3A_827 : i32 to vector<16xi32>
        %shift_left3A_829 = arith.shli %and3A_826, %shift_left3A_828 : vector<16xi32>
        %add3A_830 = arith.constant 0 : i32
        %add3A_831 = vector.broadcast %add3A_830 : i32 to vector<16xi32>
        %add3A_832 = arith.addi %shift_left3A_829, %add3A_831 : vector<16xi32>
        %gather3A_833 = tpu.vector_load_idx %arg12[%add3A_823, %add3A_832] : memref<2048x16xf32, #tpu.memory_space<vmem>>[vector<16xi32>, vector<16xi32>], vector<16xf32>,
        %mul3A_834 = arith.mulf %gather3A_833, %get3A_810 : vector<16xf32>
        %add3A_835 = arith.addf %add3A_794, %mul3A_834 : vector<16xf32>
        %add3A_836 = arith.constant 1 : i32
        %add3A_837 = vector.broadcast %add3A_836 : i32 to vector<16xi32>
        %add3A_838 = arith.addi %shift_left3A_829, %add3A_837 : vector<16xi32>
        %gather3A_839 = tpu.vector_load_idx %arg12[%add3A_823, %add3A_838] : memref<2048x16xf32, #tpu.memory_space<vmem>>[vector<16xi32>, vector<16xi32>], vector<16xf32>,
        %mul3A_840 = arith.mulf %gather3A_839, %get3A_810 : vector<16xf32>
        %add3A_841 = arith.addf %add3A_800, %mul3A_840 : vector<16xf32>
        %add3A_842 = arith.constant 2 : i32
        %add3A_843 = vector.broadcast %add3A_842 : i32 to vector<16xi32>
        %add3A_844 = arith.addi %shift_left3A_829, %add3A_843 : vector<16xi32>
        %gather3A_845 = tpu.vector_load_idx %arg12[%add3A_823, %add3A_844] : memref<2048x16xf32, #tpu.memory_space<vmem>>[vector<16xi32>, vector<16xi32>], vector<16xf32>,
        %mul3A_846 = arith.mulf %gather3A_845, %get3A_810 : vector<16xf32>
        %add3A_847 = arith.addf %add3A_806, %mul3A_846 : vector<16xf32>
        %get3A_848 = arith.constant 3 : i32
        %get3A_849 = arith.index_cast %get3A_848 : i32 to index
        %get3A_850 = arith.index_cast %mul3A_349 : i32 to index
        %get3A_851 = tpu.vector_load %arg11[%get3A_849, %get3A_850] {strides = array<i32>} : memref<16x256xf32, #tpu.memory_space<vmem>>, vector<16xf32>,
        %add3A_852 = arith.constant 0 : i32
        %add3A_853 = vector.broadcast %add3A_852 : i32 to vector<16xi32>
        %add3A_854 = arith.addi %get3A_355, %add3A_853 : vector<16xi32>
        %shift_right_arithmetic3A_855 = arith.constant 2 : i32
        %shift_right_arithmetic3A_856 = vector.broadcast %shift_right_arithmetic3A_855 : i32 to vector<16xi32>
        %shift_right_arithmetic3A_857 = arith.shrsi %add3A_854, %shift_right_arithmetic3A_856 : vector<16xi32>
        %shift_left3A_858 = arith.constant 8 : i32
        %shift_left3A_859 = vector.broadcast %shift_left3A_858 : i32 to vector<16xi32>
        %shift_left3A_860 = arith.shli %shift_right_arithmetic3A_857, %shift_left3A_859 : vector<16xi32>
        %add3A_861 = arith.constant 1536 : i32
        %add3A_862 = vector.broadcast %add3A_861 : i32 to vector<16xi32>
        %add3A_863 = arith.addi %add3A_862, %shift_left3A_860 : vector<16xi32>
        %add3A_864 = arith.addi %add3A_863, %add3A_357 : vector<16xi32>
        %and3A_865 = arith.constant 3 : i32
        %and3A_866 = vector.broadcast %and3A_865 : i32 to vector<16xi32>
        %and3A_867 = arith.andi %add3A_854, %and3A_866 : vector<16xi32>
        %shift_left3A_868 = arith.constant 2 : i32
        %shift_left3A_869 = vector.broadcast %shift_left3A_868 : i32 to vector<16xi32>
        %shift_left3A_870 = arith.shli %and3A_867, %shift_left3A_869 : vector<16xi32>
        %add3A_871 = arith.constant 0 : i32
        %add3A_872 = vector.broadcast %add3A_871 : i32 to vector<16xi32>
        %add3A_873 = arith.addi %shift_left3A_870, %add3A_872 : vector<16xi32>
        %gather3A_874 = tpu.vector_load_idx %arg12[%add3A_864, %add3A_873] : memref<2048x16xf32, #tpu.memory_space<vmem>>[vector<16xi32>, vector<16xi32>], vector<16xf32>,
        %mul3A_875 = arith.mulf %gather3A_874, %get3A_851 : vector<16xf32>
        %add3A_876 = arith.addf %add3A_835, %mul3A_875 : vector<16xf32>
        %add3A_877 = arith.constant 1 : i32
        %add3A_878 = vector.broadcast %add3A_877 : i32 to vector<16xi32>
        %add3A_879 = arith.addi %shift_left3A_870, %add3A_878 : vector<16xi32>
        %gather3A_880 = tpu.vector_load_idx %arg12[%add3A_864, %add3A_879] : memref<2048x16xf32, #tpu.memory_space<vmem>>[vector<16xi32>, vector<16xi32>], vector<16xf32>,
        %mul3A_881 = arith.mulf %gather3A_880, %get3A_851 : vector<16xf32>
        %add3A_882 = arith.addf %add3A_841, %mul3A_881 : vector<16xf32>
        %add3A_883 = arith.constant 2 : i32
        %add3A_884 = vector.broadcast %add3A_883 : i32 to vector<16xi32>
        %add3A_885 = arith.addi %shift_left3A_870, %add3A_884 : vector<16xi32>
        %gather3A_886 = tpu.vector_load_idx %arg12[%add3A_864, %add3A_885] : memref<2048x16xf32, #tpu.memory_space<vmem>>[vector<16xi32>, vector<16xi32>], vector<16xf32>,
        %mul3A_887 = arith.mulf %gather3A_886, %get3A_851 : vector<16xf32>
        %add3A_888 = arith.addf %add3A_847, %mul3A_887 : vector<16xf32>
        %get3A_889 = arith.constant 7 : i32
        %get3A_890 = arith.index_cast %get3A_889 : i32 to index
        %get3A_891 = arith.index_cast %mul3A_349 : i32 to index
        %get3A_892 = tpu.vector_load %arg11[%get3A_890, %get3A_891] {strides = array<i32>} : memref<16x256xf32, #tpu.memory_space<vmem>>, vector<16xf32>,
        %add3A_893 = arith.constant 1 : i32
        %add3A_894 = vector.broadcast %add3A_893 : i32 to vector<16xi32>
        %add3A_895 = arith.addi %get3A_355, %add3A_894 : vector<16xi32>
        %shift_right_arithmetic3A_896 = arith.constant 2 : i32
        %shift_right_arithmetic3A_897 = vector.broadcast %shift_right_arithmetic3A_896 : i32 to vector<16xi32>
        %shift_right_arithmetic3A_898 = arith.shrsi %add3A_895, %shift_right_arithmetic3A_897 : vector<16xi32>
        %shift_left3A_899 = arith.constant 8 : i32
        %shift_left3A_900 = vector.broadcast %shift_left3A_899 : i32 to vector<16xi32>
        %shift_left3A_901 = arith.shli %shift_right_arithmetic3A_898, %shift_left3A_900 : vector<16xi32>
        %add3A_902 = arith.constant 1536 : i32
        %add3A_903 = vector.broadcast %add3A_902 : i32 to vector<16xi32>
        %add3A_904 = arith.addi %add3A_903, %shift_left3A_901 : vector<16xi32>
        %add3A_905 = arith.addi %add3A_904, %add3A_357 : vector<16xi32>
        %and3A_906 = arith.constant 3 : i32
        %and3A_907 = vector.broadcast %and3A_906 : i32 to vector<16xi32>
        %and3A_908 = arith.andi %add3A_895, %and3A_907 : vector<16xi32>
        %shift_left3A_909 = arith.constant 2 : i32
        %shift_left3A_910 = vector.broadcast %shift_left3A_909 : i32 to vector<16xi32>
        %shift_left3A_911 = arith.shli %and3A_908, %shift_left3A_910 : vector<16xi32>
        %add3A_912 = arith.constant 0 : i32
        %add3A_913 = vector.broadcast %add3A_912 : i32 to vector<16xi32>
        %add3A_914 = arith.addi %shift_left3A_911, %add3A_913 : vector<16xi32>
        %gather3A_915 = tpu.vector_load_idx %arg12[%add3A_905, %add3A_914] : memref<2048x16xf32, #tpu.memory_space<vmem>>[vector<16xi32>, vector<16xi32>], vector<16xf32>,
        %mul3A_916 = arith.mulf %gather3A_915, %get3A_892 : vector<16xf32>
        %add3A_917 = arith.addf %add3A_876, %mul3A_916 : vector<16xf32>
        %add3A_918 = arith.constant 1 : i32
        %add3A_919 = vector.broadcast %add3A_918 : i32 to vector<16xi32>
        %add3A_920 = arith.addi %shift_left3A_911, %add3A_919 : vector<16xi32>
        %gather3A_921 = tpu.vector_load_idx %arg12[%add3A_905, %add3A_920] : memref<2048x16xf32, #tpu.memory_space<vmem>>[vector<16xi32>, vector<16xi32>], vector<16xf32>,
        %mul3A_922 = arith.mulf %gather3A_921, %get3A_892 : vector<16xf32>
        %add3A_923 = arith.addf %add3A_882, %mul3A_922 : vector<16xf32>
        %add3A_924 = arith.constant 2 : i32
        %add3A_925 = vector.broadcast %add3A_924 : i32 to vector<16xi32>
        %add3A_926 = arith.addi %shift_left3A_911, %add3A_925 : vector<16xi32>
        %gather3A_927 = tpu.vector_load_idx %arg12[%add3A_905, %add3A_926] : memref<2048x16xf32, #tpu.memory_space<vmem>>[vector<16xi32>, vector<16xi32>], vector<16xf32>,
        %mul3A_928 = arith.mulf %gather3A_927, %get3A_892 : vector<16xf32>
        %add3A_929 = arith.addf %add3A_888, %mul3A_928 : vector<16xf32>
        %get3A_930 = arith.constant 11 : i32
        %get3A_931 = arith.index_cast %get3A_930 : i32 to index
        %get3A_932 = arith.index_cast %mul3A_349 : i32 to index
        %get3A_933 = tpu.vector_load %arg11[%get3A_931, %get3A_932] {strides = array<i32>} : memref<16x256xf32, #tpu.memory_space<vmem>>, vector<16xf32>,
        %add3A_934 = arith.constant 2 : i32
        %add3A_935 = vector.broadcast %add3A_934 : i32 to vector<16xi32>
        %add3A_936 = arith.addi %get3A_355, %add3A_935 : vector<16xi32>
        %shift_right_arithmetic3A_937 = arith.constant 2 : i32
        %shift_right_arithmetic3A_938 = vector.broadcast %shift_right_arithmetic3A_937 : i32 to vector<16xi32>
        %shift_right_arithmetic3A_939 = arith.shrsi %add3A_936, %shift_right_arithmetic3A_938 : vector<16xi32>
        %shift_left3A_940 = arith.constant 8 : i32
        %shift_left3A_941 = vector.broadcast %shift_left3A_940 : i32 to vector<16xi32>
        %shift_left3A_942 = arith.shli %shift_right_arithmetic3A_939, %shift_left3A_941 : vector<16xi32>
        %add3A_943 = arith.constant 1536 : i32
        %add3A_944 = vector.broadcast %add3A_943 : i32 to vector<16xi32>
        %add3A_945 = arith.addi %add3A_944, %shift_left3A_942 : vector<16xi32>
        %add3A_946 = arith.addi %add3A_945, %add3A_357 : vector<16xi32>
        %and3A_947 = arith.constant 3 : i32
        %and3A_948 = vector.broadcast %and3A_947 : i32 to vector<16xi32>
        %and3A_949 = arith.andi %add3A_936, %and3A_948 : vector<16xi32>
        %shift_left3A_950 = arith.constant 2 : i32
        %shift_left3A_951 = vector.broadcast %shift_left3A_950 : i32 to vector<16xi32>
        %shift_left3A_952 = arith.shli %and3A_949, %shift_left3A_951 : vector<16xi32>
        %add3A_953 = arith.constant 0 : i32
        %add3A_954 = vector.broadcast %add3A_953 : i32 to vector<16xi32>
        %add3A_955 = arith.addi %shift_left3A_952, %add3A_954 : vector<16xi32>
        %gather3A_956 = tpu.vector_load_idx %arg12[%add3A_946, %add3A_955] : memref<2048x16xf32, #tpu.memory_space<vmem>>[vector<16xi32>, vector<16xi32>], vector<16xf32>,
        %mul3A_957 = arith.mulf %gather3A_956, %get3A_933 : vector<16xf32>
        %add3A_958 = arith.addf %add3A_917, %mul3A_957 : vector<16xf32>
        %add3A_959 = arith.constant 1 : i32
        %add3A_960 = vector.broadcast %add3A_959 : i32 to vector<16xi32>
        %add3A_961 = arith.addi %shift_left3A_952, %add3A_960 : vector<16xi32>
        %gather3A_962 = tpu.vector_load_idx %arg12[%add3A_946, %add3A_961] : memref<2048x16xf32, #tpu.memory_space<vmem>>[vector<16xi32>, vector<16xi32>], vector<16xf32>,
        %mul3A_963 = arith.mulf %gather3A_962, %get3A_933 : vector<16xf32>
        %add3A_964 = arith.addf %add3A_923, %mul3A_963 : vector<16xf32>
        %add3A_965 = arith.constant 2 : i32
        %add3A_966 = vector.broadcast %add3A_965 : i32 to vector<16xi32>
        %add3A_967 = arith.addi %shift_left3A_952, %add3A_966 : vector<16xi32>
        %gather3A_968 = tpu.vector_load_idx %arg12[%add3A_946, %add3A_967] : memref<2048x16xf32, #tpu.memory_space<vmem>>[vector<16xi32>, vector<16xi32>], vector<16xf32>,
        %mul3A_969 = arith.mulf %gather3A_968, %get3A_933 : vector<16xf32>
        %add3A_970 = arith.addf %add3A_929, %mul3A_969 : vector<16xf32>
        %get3A_971 = arith.constant 15 : i32
        %get3A_972 = arith.index_cast %get3A_971 : i32 to index
        %get3A_973 = arith.index_cast %mul3A_349 : i32 to index
        %get3A_974 = tpu.vector_load %arg11[%get3A_972, %get3A_973] {strides = array<i32>} : memref<16x256xf32, #tpu.memory_space<vmem>>, vector<16xf32>,
        %add3A_975 = arith.constant 3 : i32
        %add3A_976 = vector.broadcast %add3A_975 : i32 to vector<16xi32>
        %add3A_977 = arith.addi %get3A_355, %add3A_976 : vector<16xi32>
        %shift_right_arithmetic3A_978 = arith.constant 2 : i32
        %shift_right_arithmetic3A_979 = vector.broadcast %shift_right_arithmetic3A_978 : i32 to vector<16xi32>
        %shift_right_arithmetic3A_980 = arith.shrsi %add3A_977, %shift_right_arithmetic3A_979 : vector<16xi32>
        %shift_left3A_981 = arith.constant 8 : i32
        %shift_left3A_982 = vector.broadcast %shift_left3A_981 : i32 to vector<16xi32>
        %shift_left3A_983 = arith.shli %shift_right_arithmetic3A_980, %shift_left3A_982 : vector<16xi32>
        %add3A_984 = arith.constant 1536 : i32
        %add3A_985 = vector.broadcast %add3A_984 : i32 to vector<16xi32>
        %add3A_986 = arith.addi %add3A_985, %shift_left3A_983 : vector<16xi32>
        %add3A_987 = arith.addi %add3A_986, %add3A_357 : vector<16xi32>
        %and3A_988 = arith.constant 3 : i32
        %and3A_989 = vector.broadcast %and3A_988 : i32 to vector<16xi32>
        %and3A_990 = arith.andi %add3A_977, %and3A_989 : vector<16xi32>
        %shift_left3A_991 = arith.constant 2 : i32
        %shift_left3A_992 = vector.broadcast %shift_left3A_991 : i32 to vector<16xi32>
        %shift_left3A_993 = arith.shli %and3A_990, %shift_left3A_992 : vector<16xi32>
        %add3A_994 = arith.constant 0 : i32
        %add3A_995 = vector.broadcast %add3A_994 : i32 to vector<16xi32>
        %add3A_996 = arith.addi %shift_left3A_993, %add3A_995 : vector<16xi32>
        %gather3A_997 = tpu.vector_load_idx %arg12[%add3A_987, %add3A_996] : memref<2048x16xf32, #tpu.memory_space<vmem>>[vector<16xi32>, vector<16xi32>], vector<16xf32>,
        %mul3A_998 = arith.mulf %gather3A_997, %get3A_974 : vector<16xf32>
        %add3A_999 = arith.addf %add3A_958, %mul3A_998 : vector<16xf32>
        %add3A_1000 = arith.constant 1 : i32
        %add3A_1001 = vector.broadcast %add3A_1000 : i32 to vector<16xi32>
        %add3A_1002 = arith.addi %shift_left3A_993, %add3A_1001 : vector<16xi32>
        %gather3A_1003 = tpu.vector_load_idx %arg12[%add3A_987, %add3A_1002] : memref<2048x16xf32, #tpu.memory_space<vmem>>[vector<16xi32>, vector<16xi32>], vector<16xf32>,
        %mul3A_1004 = arith.mulf %gather3A_1003, %get3A_974 : vector<16xf32>
        %add3A_1005 = arith.addf %add3A_964, %mul3A_1004 : vector<16xf32>
        %add3A_1006 = arith.constant 2 : i32
        %add3A_1007 = vector.broadcast %add3A_1006 : i32 to vector<16xi32>
        %add3A_1008 = arith.addi %shift_left3A_993, %add3A_1007 : vector<16xi32>
        %gather3A_1009 = tpu.vector_load_idx %arg12[%add3A_987, %add3A_1008] : memref<2048x16xf32, #tpu.memory_space<vmem>>[vector<16xi32>, vector<16xi32>], vector<16xf32>,
        %mul3A_1010 = arith.mulf %gather3A_1009, %get3A_974 : vector<16xf32>
        %add3A_1011 = arith.addf %add3A_970, %mul3A_1010 : vector<16xf32>
        %swap3A = arith.constant 0 : i32
        %swap3A_1012 = arith.index_cast %swap3A : i32 to index
        %swap3A_1013 = arith.index_cast %mul3A_349 : i32 to index
        %swap3A_1014 = tpu.vector_load %arg13[%swap3A_1012, %swap3A_1013] {strides = array<i32>} : memref<3x256xf32, #tpu.memory_space<vmem>>, vector<16xf32>,
        tpu.vector_store %arg13[%swap3A_1012, %swap3A_1013], %add3A_999 {strides = array<i32>} : memref<3x256xf32, #tpu.memory_space<vmem>>, vector<16xf32>,
        %swap3A_1015 = arith.constant 1 : i32
        %swap3A_1016 = arith.index_cast %swap3A_1015 : i32 to index
        %swap3A_1017 = arith.index_cast %mul3A_349 : i32 to index
        %swap3A_1018 = tpu.vector_load %arg13[%swap3A_1016, %swap3A_1017] {strides = array<i32>} : memref<3x256xf32, #tpu.memory_space<vmem>>, vector<16xf32>,
        tpu.vector_store %arg13[%swap3A_1016, %swap3A_1017], %add3A_1005 {strides = array<i32>} : memref<3x256xf32, #tpu.memory_space<vmem>>, vector<16xf32>,
        %swap3A_1019 = arith.constant 2 : i32
        %swap3A_1020 = arith.index_cast %swap3A_1019 : i32 to index
        %swap3A_1021 = arith.index_cast %mul3A_349 : i32 to index
        %swap3A_1022 = tpu.vector_load %arg13[%swap3A_1020, %swap3A_1021] {strides = array<i32>} : memref<3x256xf32, #tpu.memory_space<vmem>>, vector<16xf32>,
        tpu.vector_store %arg13[%swap3A_1020, %swap3A_1021], %add3A_1011 {strides = array<i32>} : memref<3x256xf32, #tpu.memory_space<vmem>>, vector<16xf32>,
      }
      %scan3A_346 = arith.constant 16 : i32
      "tpu.region"() ({
        %run_scoped3A_347 = tpu.sem_alloc : memref<!tpu.dma_semaphore, #tpu.memory_space<semaphore_mem>>
        %dma_start3A_348 = arith.constant 0 : i32
        %dma_start3A_349 = tpu.memref_slice %arg5[%shift_right_arithmetic3A_10, %dma_start3A_348, %mul3A_13] : memref<4x3x262144xf32, #tpu.memory_space<hbm>> -> memref<1x3x256xf32, #tpu.memory_space<hbm>>
        %dma_start3A_350 = tpu.memref_squeeze %dma_start3A_349 : memref<1x3x256xf32, #tpu.memory_space<hbm>> -> memref<3x256xf32, #tpu.memory_space<hbm>>
        %dma_start3A_351 = arith.constant 0 : i32
        %dma_start3A_352 = tpu.memref_slice %arg5[%shift_right_arithmetic3A_10, %dma_start3A_351, %mul3A_13] : memref<4x3x262144xf32, #tpu.memory_space<hbm>> -> memref<1x3x256xf32, #tpu.memory_space<hbm>>
        %dma_start3A_353 = tpu.memref_squeeze %dma_start3A_352 : memref<1x3x256xf32, #tpu.memory_space<hbm>> -> memref<3x256xf32, #tpu.memory_space<hbm>>
        tpu.enqueue_dma source(%arg13 : memref<3x256xf32, #tpu.memory_space<vmem>>) target(%dma_start3A_353 : memref<3x256xf32, #tpu.memory_space<hbm>>) target_semaphore(%run_scoped3A_347 : memref<!tpu.dma_semaphore, #tpu.memory_space<semaphore_mem>>)
        %dma_wait3A_354 = arith.constant 0 : i32
        %dma_wait3A_355 = tpu.memref_slice %arg5[%shift_right_arithmetic3A_10, %dma_wait3A_354, %mul3A_13] : memref<4x3x262144xf32, #tpu.memory_space<hbm>> -> memref<1x3x256xf32, #tpu.memory_space<hbm>>
        %dma_wait3A_356 = tpu.memref_squeeze %dma_wait3A_355 : memref<1x3x256xf32, #tpu.memory_space<hbm>> -> memref<3x256xf32, #tpu.memory_space<hbm>>
        %dma_wait3A_357 = arith.constant 0 : i32
        %dma_wait3A_358 = tpu.memref_slice %arg5[%shift_right_arithmetic3A_10, %dma_wait3A_357, %mul3A_13] : memref<4x3x262144xf32, #tpu.memory_space<hbm>> -> memref<1x3x256xf32, #tpu.memory_space<hbm>>
        %dma_wait3A_359 = tpu.memref_squeeze %dma_wait3A_358 : memref<1x3x256xf32, #tpu.memory_space<hbm>> -> memref<3x256xf32, #tpu.memory_space<hbm>>
        tpu.wait_dma2 semaphore(%run_scoped3A_347 : memref<!tpu.dma_semaphore, #tpu.memory_space<semaphore_mem>>) src(%arg13 : memref<3x256xf32, #tpu.memory_space<vmem>>) dst(%dma_wait3A_359 : memref<3x256xf32, #tpu.memory_space<hbm>>)
        tpu.yield
      }) : () -> ()
    }
    %scan3A_5 = arith.constant 128 : i32
    return
  }
}

</mosaic_0001>

<sc_bundles>
// kernel: kernel.4.cloned.1.call-start
scs
__scs_entry_jumppad:
0x0: {  	(pc) =	sbr.rel $0x88, $3  }
0x1: {  	(tag) =	ssettag $0x0;
	lr =	simm.s32 $0x1  }
0x2: {  	[smem:$0x3F9E] =	sst lr;
	_ =	strace $0xD0000000  }
0x3: {  	_ = 	snop  }
0x4: {  	_ = 	snop  }
0x5: {  	_ = 	snop  }
0x6: {  	_ = 	snop  }
0x7: {  	_ = 	snop  }
__scs_overlays_trampoline_lowered:
0x8: {  	[smem:$0x3FAD] =	sst s0  }
0x9: {  	[smem:$0x3FAE] =	sst s1  }
0xa: {  	[smem:$0x3FAF] =	sst s2  }
0xb: {  	[smem:$0x3FB0] =	sst s3  }
0xc: {  	[smem:$0x3FB1] =	sst s4  }
0xd: {  	[smem:$0x3FB2] =	sst s5  }
0xe: {  	[smem:$0x3FB3] =	sst s6  }
0xf: {  	[smem:$0x3FB4] =	sst s7  }
0x10: {  	[smem:$0x3FB5] =	sst s8  }
0x11: {  	[smem:$0x3FB6] =	sst s9;
	s0 =	simm.s32 @!p0 $0x0  }
0x12: {  	s1 =	sld [smem:$0x3F9C];
	s0 =	simm.s32 @p0 $0x1  }
0x13: {  	[smem:$0x3FB7] =	sst s0;
	s0 =	simm.s32 @!p1 $0x0  }
0x14: {  	s2 =	sld [smem:$0x3F9B];
	s0 =	simm.s32 @p1 $0x1  }
0x15: {  	[smem:$0x3FB8] =	sst s0;
	s0 =	simm.s32 @!p2 $0x0  }
0x16: {  	s3 =	sld [smem:$0x3FDB];
	s0 =	simm.s32 @p2 $0x1  }
0x17: {  	s4 =	simm.s32 $0x1BF5;
	[smem:$0x3FBA] =	sst s0  }
0x18: {  	s0 =	sld [smem:$0x3F9D];
	_ =	swait.ge [sflag:s4], $0x0  }
0x19: {  	s7 =	sld [smem:$0x3F9E]  }
0x1a: {  	s8 =	sadd.s32 $0xFFFFE003, lr  }
0x1b: {  	s9 =	sadd.s32 $0xFFFFFEF7, lr;
	s5 =	simm.s32 $0xFFFFFFFF;
	p2 =	slt.u32 s8, $0xFFFFF086  }
0x1c: {  	p1 =	slt.u32 s9, $0xF7A;
	s5 =	simm.s32 @!p2 $0x0  }
0x1d: {  	s5 =	simm.s32 @p1 $0x1;
	p0 =	seq.s32 s7, s2  }
0x1e: {  	s7 =	smul.u32 @!p0 $0xF7A, s2;
	p2 =	seq.s32 @!p0 s5, $0x0  }
0x1f: {  	s9 =	smul.u32 $0xF7A, s1;
	s8 =	simm.s32 @!p0 $0x1BF5;
	p2 =	por !p2, p0  }
0x20: {  	[sflag:s8] =	ssyncset.s32 @!p0 $0xFFFFF086;
	s6 =	sadd.s32 @!p0 s3, s7;
	s7 =	simm.s32 @!p0 $0x108  }
0x21: {  	s3 =	sadd.s32 s3, s9;
	s6 =	sadd.s32 @!p0 $0x88, s6;
	s7 =	simm.s32 @p2 $0x1082  }
0x22: {  	[simem:s7], [sflag:s8] =	dma.local @!p0 [hbm:s6], $0xF7A  }
0x23: {  	s9 =	sor.u32 $0xD0000000, s2;
	s6 =	simm.s32 $0x108;
	_ =	swait.ge @!p0 [sflag:s8], $0x0  }
0x24: {  	s3 =	sadd.s32 $0x88, s3;
	s6 =	simm.s32 @!p1 $0x1082;
	[sflag:s4] =	ssyncset.s32 $0xFFFFF086  }
0x25: {  	[simem:s6], [sflag:s4] =	dma.local [hbm:s3], $0xF7A  }
0x26: {  	[smem:$0x3F9E] =	sst s1;
	(tag) =	ssettag s2;
	_ =	strace s9  }
0x27: {  	s1 =	sld [smem:$0x3FAE]  }
0x28: {  	s2 =	sld [smem:$0x3FAF]  }
0x29: {  	s4 =	sld [smem:$0x3FB1]  }
0x2a: {  	p0 =	seq.s32 s5, $0x0;
	s5 =	sld [smem:$0x3FB2]  }
0x2b: {  	s6 =	sld [smem:$0x3FB3]  }
0x2c: {  	s7 =	sld [smem:$0x3FB4]  }
0x2d: {  	s3 =	simm.s32 $0x108;
	s8 =	sld [smem:$0x3FB5]  }
0x2e: {  	s3 =	simm.s32 @!p0 $0x1082;
	s9 =	sld [smem:$0x3FB6]  }
0x2f: {  	lr =	sadd.s32 s0, s3;
	s0 =	sld [smem:$0x3FAD]  }
0x30: {  	s3 =	sld [smem:$0x3FB0]  }
0x31: {  	[smem:$0x3FB9] =	sst s10  }
0x32: {  	s10 =	sld [smem:$0x3FB7];
	_ =	sdelay $0x3  }
0x33: {  	p0 =	seq.s32 s10, $0x1;
	s10 =	sld [smem:$0x3FB9];
	_ =	sdelay $0x3  }
0x34: {  	[smem:$0x3FB9] =	sst s10  }
0x35: {  	s10 =	sld [smem:$0x3FB8];
	_ =	sdelay $0x3  }
0x36: {  	p1 =	seq.s32 s10, $0x1;
	s10 =	sld [smem:$0x3FB9];
	_ =	sdelay $0x3  }
0x37: {  	[smem:$0x3FB9] =	sst s10  }
0x38: {  	s10 =	sld [smem:$0x3FBA]  }
0x39: {  	_ = 	snop;
	(pc) =	sbr.ind lr, $3  }
0x3a: {  	_ = 	snop  }
0x3b: {  	_ = 	snop  }
0x3c: {  	p2 =	seq.s32 s10, $0x1;
	s10 =	sld [smem:$0x3FB9]  }
0x3d: {  	_ =	shalt  }
0x3e: {  	_ =	shalt  }
0x3f: {  	_ =	shalt  }
0x40: {  	_ =	shalt  }
0x41: {  	_ =	shalt  }
0x42: {  	_ =	shalt  }
0x43: {  	_ =	shalt  }
0x44: {  	_ =	shalt  }
0x45: {  	_ =	shalt  }
0x46: {  	_ =	shalt  }
0x47: {  	_ =	shalt  }
0x48: {  	_ =	shalt  }
0x49: {  	_ =	shalt  }
0x4a: {  	_ =	shalt  }
0x4b: {  	_ =	shalt  }
0x4c: {  	_ =	shalt  }
0x4d: {  	_ =	shalt  }
0x4e: {  	_ =	shalt  }
0x4f: {  	_ =	shalt  }
0x50: {  	_ =	shalt  }
0x51: {  	_ =	shalt  }
0x52: {  	_ =	shalt  }
0x53: {  	_ =	shalt  }
0x54: {  	_ =	shalt  }
0x55: {  	_ =	shalt  }
0x56: {  	_ =	shalt  }
0x57: {  	_ =	shalt  }
0x58: {  	_ =	shalt  }
0x59: {  	_ =	shalt  }
0x5a: {  	_ =	shalt  }
0x5b: {  	_ =	shalt  }
0x5c: {  	_ =	shalt  }
0x5d: {  	_ =	shalt  }
0x5e: {  	_ =	shalt  }
0x5f: {  	_ =	shalt  }
0x60: {  	_ =	shalt  }
0x61: {  	_ =	shalt  }
0x62: {  	_ =	shalt  }
0x63: {  	_ =	shalt  }
0x64: {  	_ =	shalt  }
0x65: {  	_ =	shalt  }
0x66: {  	_ =	shalt  }
0x67: {  	_ =	shalt  }
0x68: {  	_ =	shalt  }
0x69: {  	_ =	shalt  }
0x6a: {  	_ =	shalt  }
0x6b: {  	_ =	shalt  }
0x6c: {  	_ =	shalt  }
0x6d: {  	_ =	shalt  }
0x6e: {  	_ =	shalt  }
0x6f: {  	_ =	shalt  }
0x70: {  	_ =	shalt  }
0x71: {  	_ =	shalt  }
0x72: {  	_ =	shalt  }
0x73: {  	_ =	shalt  }
0x74: {  	_ =	shalt  }
0x75: {  	_ =	shalt  }
0x76: {  	_ =	shalt  }
0x77: {  	_ =	shalt  }
0x78: {  	_ =	shalt  }
0x79: {  	_ =	shalt  }
0x7a: {  	_ =	shalt  }
0x7b: {  	_ =	shalt  }
0x7c: {  	_ =	shalt  }
0x7d: {  	_ =	shalt  }
0x7e: {  	_ =	shalt  }
0x7f: {  	_ =	shalt  }
0x80: {  	_ =	shalt  }
0x81: {  	_ =	shalt  }
0x82: {  	_ =	shalt  }
0x83: {  	_ =	shalt  }
0x84: {  	_ =	shalt  }
0x85: {  	_ =	shalt  }
0x86: {  	_ =	shalt  }
0x87: {  	_ =	shalt  }
.Lfunc_end0:
.L_simem_size_0:
called_computation.1_lowered:
.L_overlay_start_0:
0x88: {  	s2 =	sld [smem:$0x3FD9]  }
0x89: {  	s3 =	sld [smem:$0x3FFE];
	_ =	sdelay $0x1  }
0x8a: {  	s1 =	srdreg.scid  }
0x8b: {  	s0 =	sand.u32 $0x1, s1  }
0x8c: {  	s17 =	sshll.u32 s0, $0xA;
	s2 =	sadd.s32 s3, s2  }
0x8d: {  	s2 =	sadd.s32 s2, s17  }
0x8e: {  	[smem:$0x3FC5] =	sst s2  }
0x8f: {  	_ = 	snop  }
0x90: {  	s2 =	sld [smem:$0x3FD0];
	(tm) =	ssettm $0x1  }
0x91: {  	s18 =	sld [smem:$0x3FFB];
	_ =	sdelay $0x3  }
0x92: {  	_ =	strace s18  }
0x93: {  	s3 =	sld [smem:$0x3FFC];
	_ =	sdelay $0x3  }
0x94: {  	_ =	strace s3  }
0x95: {  	s3 =	sld [smem:$0x3FFD];
	_ =	sdelay $0x3  }
0x96: {  	_ =	strace s3  }
0x97: {  	_ =	strace $0x8FFFFFFF  }
0x98: {  	s19 =	sld [smem:$0x3FDB];
	_ =	sdelay $0x1  }
0x99: {  	s4 =	simm.s32 $_scs_section_size  }
0x9a: {  	s5 =	simm.s32 $_size__tile_overlayer_lowered;
	s6 =	simm.s32 $_tile_overlayer_lowered  }
0x9b: {  	s22 =	simm.s32 $0x1BFF;
	s21 =	sshll.u32 s6, $0x1;
	s3 =	sadd.s32 s4, s19  }
0x9c: {  	s7 =	simm.s32 $0x0;
	s20 =	sshll.u32 s5, $0x1;
	s5 =	sadd.s32 s21, s3  }
0x9d: {  	[timem:s7], [sflag:s22] =	dma.local [hbm:s5], s20  }
0x9e: {  	_ =	swait.ge [sflag:s22], s20  }
0x9f: {  	s4 =	ssub.s32 $0x0, s20;
	[sflag:s22] =	ssyncset.done $0x0  }
0xa0: {  	[sflag:s22] =	ssyncadd.s32 s4;
	_ =	sdelay $0x1  }
0xa1: {  	s23 =	simm.s32 $0x1B8B  }
0xa2: {  	_ =	swait.ge [sflag:s23], $0x1  }
0xa3: {  	[sflag:s23] =	ssyncset.done $0x0  }
0xa4: {  	s25 =	simm.s32 $0x1B8E;
	s24 =	sld [smem:$0x3FFE];
	[sflag:s23] =	ssyncadd.s32 $0xFFFFFFFF  }
0xa5: {  	s26 =	simm.s32 $execute0_lowered;
	[smem:$0x3FD2] =	sst s25  }
0xa6: {  	s5 =	sshll.u32 s26, $0x1;
	_ =	strace $0x80000049;
	[dreg:$0x1] =	wrdreg $0xFFFFFFFF  }
0xa7: {  	s28 =	simm.s32 $_size_execute0_lowered;
	s3 =	sadd.s32 s3, s5;
	[dreg:$0x0] =	wrdreg $0x0  }
0xa8: {  	s5 =	sshll.u32 s28, $0x1;
	[dreg:$0x2] =	wrdreg s3  }
0xa9: {  	[dreg:$0x3] =	wrdreg s5  }
0xaa: {  	[dreg:$0x4] =	wrdreg $0xC0  }
0xab: {  	_ =	task [dreg:s7], $0x5FFFF  }
0xac: {  	[dreg:$0x1] =	wrdreg $0xFFFFFFFF  }
0xad: {  	[dreg:$0x0] =	wrdreg $0x60  }
0xae: {  	[dreg:$0x2] =	wrdreg s24  }
0xaf: {  	[dreg:$0x3] =	wrdreg s2  }
0xb0: {  	[dreg:$0x4] =	wrdreg $0xAE000  }
0xb1: {  	[dreg:$0x5] =	wrdreg $0x9  }
0xb2: {  	_ =	task.clear_ibuf [dreg:s7], $0x6FFFF;
	_ =	strace $0x90000049  }
0xb3: {  	s29 =	simm.s32 $0x9;
	_ =	strace $0x8000004B  }
0xb4: {  	_ =	swait.ge [sflag:s29], $0x1  }
0xb5: {  	[sflag:s29] =	ssyncadd.s32 $0xFFFFFFFF  }
0xb6: {  	_ =	strace $0x9000004B  }
0xb7: {  	_ =	sfence  }
0xb8: {  	s30 =	sld [smem:$0x0];
	_ =	sdelay $0x2  }
0xb9: {  	s31 =	sshll.u32 s1, $0xD;
	s1 =	sshrl.u32 s1, $0x2  }
0xba: {  	s3 =	sand.u32 $0x4000, s31;
	s1 =	sadd.s32 s1, s30  }
0xbb: {  	s0 =	sor.u32 s3, s0;
	s1 =	sshll.u32 s1, $0x11  }
0xbc: {  	s0 =	sor.u32 s1, s0  }
0xbd: {  	s0 =	sadd.s32 $0x8F2B, s0  }
0xbe: {  	[sflag:s0] =	ssyncadd.remote.s32 $0x1  }
0xbf: {  	_ =	sfence.sel $0xFFFF  }
0xc0: {  	[dreg:$0x0] =	wrdreg $0xFFFFFFFF;
	(pc) =	sbr.abs _section_cstart, $3  }
0xc1: {  	[dreg:$0x1] =	wrdreg $0xFFFFFFFF  }
0xc2: {  	_ =	task.clear_ibuf [dreg:s7], $0x2FFFF;
	_ =	strace $0x9FFFFFFF  }
0xc3: {  	(tm) =	ssettm $0x7FFFFFFF  }
tec
execute0_lowered:
.L_overlay_start_1:
0x0: {  	(tag) =	ssettag $0x1  }
0x1: {  	s0 =	rddreg [dreg:$0x0]  }
0x2: {  	s9 =	rddreg [dreg:$0x1]  }
0x3: {  	s1 =	rddreg [dreg:$0x2];
	s22 =	simm.s32 $0x0  }
0x4: {  	s2 =	srdreg.scid;
	s12 =	stileid.u32;
	s15 =	simm.s32 $0x2  }
0x5: {  	s16 =	simm.s32 $0x100;
	s17 =	simm.s32 $0x40000;
	s19 =	simm.s32 $0x1300  }
0x6: {  	s20 =	simm.s32 $0x80;
	s21 =	simm.s32 $0x2B00;
	s13 =	simm.s32 $0x9B00  }
0x7: {  	s14 =	simm.s32 $0x1A80;
	[smem:$0x7FF] =	sst s22;
	s4 =	sadd.s32 $0x200C00, s0  }
0x8: {  	s5 =	sadd.s32 $0xC00, s0;
	s2 =	sand.u32 $0x1, s2;
	s6 =	sadd.s32 $0x280C00, s0  }
0x9: {  	s7 =	sshll.u32 s12, $0x8;
	s29 =	sshrl.u32 s12, $0x2;
	s9 =	sadd.s32 $0x8000, s9  }
0xa: {  	s11 =	sshll.u32 s12, $0xB;
	s12 =	sshll.u32 s12, $0x10;
	_ =	strace $0x8000004A  }
0xb: {  	s28 =	ssub.s32 $0x2, s2;
	s8 =	sshll.u32 s2, $0x7;
	s10 =	sshll.u32 s29, $0x16  }
0xc: {  	s2 =	sshll.u32 s2, $0xF;
	s18 =	sshll.u32 s29, $0x10;
	s11 =	sadd.s32 s11, s1  }
0xd: {  	s1 =	simm.s32 $0x1;
	s3 =	sshrl.u32 s28, $0x1;
	s7 =	sor.u32 s8, s7  }
0xe: {  	s8 =	sshll.u32 s29, $0x13;
	s30 =	sor.u32 s2, s12;
	s12 =	smul.u32 $0xC0000, s29  }
0xf: {  	s2 =	simm.s32 $0xA300;
	s0 =	ssub.s32 s28, s3;
	s31 =	sshrl.u32 s30, $0x8  }
0x10: {  	v0 =	vmov s18;
	s18 =	simm.s32 $0xAB00;
	s0 =	smax.u32 s0, $0x1;
	[dreg:$0x6] =	wrdreg s31  }
0x11: {  	v1 =	vlaneseq.u32;
	v2 =	vimm.s32 $0x0;
	s3 =	simm.s32 $0x1A00;
	[dreg:$0x5] =	wrdreg s0;
	s0 =	simm.s32 $0x9300  }
.LBB2_1:
0x12: {  	[dreg:$0x4] =	wrdreg s22  }
0x13: {  	s22 =	rddreg [dreg:$0x6];
	s23 =	simm.s32 $0x0  }
.LBB2_2:
0x14: {  	s24 =	sadd.s32 s7, s23  }
0x15: {  	s24 =	sshll.u32 s24, $0x8  }
0x16: {  	s24 =	sand.u32 $0x3FF00, s24  }
0x17: {  	s25 =	sor.u32 s8, s24  }
0x18: {  	s26 =	rddreg [dreg:$0x1];
	s25 =	sshrl.u32 s25, $0x3  }
0x19: {  	s28 =	sadd.s32 s26, s25;
	s26 =	simm.s32 $0x0  }
0x1a: {  	[tilespmem:s26], [sflag:$0x2] =	stream.linear.gather [hbm4b:s28+s26], $0x100, $0x38;
	[tilespmem:$0xB600] =	vst v63  }
0x1b: {  	_ =	swait.ge [sflag:s15], $0x100  }
0x1c: {  	[sflag:s15] =	ssyncset.done $0x0  }
0x1d: {  	s25 =	sadd.s32 s25, s9;
	[sflag:s15] =	ssyncadd.s32 $0xFFFFFF00  }
0x1e: {  	[tilespmem:s16], [sflag:$0x2] =	stream.linear.gather [hbm4b:s25+s26], $0x100, $0x38;
	[tilespmem:$0xB600] =	vst v63  }
0x1f: {  	s31 =	sor.u32 s10, s24;
	_ =	swait.ge [sflag:s15], $0x100  }
0x20: {  	s25 =	sshrl.u32 s31, $0x3;
	[sflag:s15] =	ssyncset.done $0x0  }
0x21: {  	s28 =	simm.s32 $0x200;
	s25 =	sadd.s32 s5, s25;
	[sflag:s15] =	ssyncadd.s32 $0xFFFFFF00  }
0x22: {  	[tilespmem:s28], [sflag:$0x2] =	stream.strided.gather [hbm4b:s25+s16], $0x1000, s17, s16, $0x38;
	[tilespmem:$0xB600] =	vst v63  }
0x23: {  	_ =	swait.ge [sflag:s15], $0x1000  }
0x24: {  	[sflag:s15] =	ssyncset.done $0x0  }
0x25: {  	s31 =	sand.u32 $0x3FF, s22;
	s25 =	simm.s32 $0x0;
	[sflag:s15] =	ssyncadd.s32 $0xFFFFF000  }
0x26: {  	s28 =	sshll.u32 s31, $0x8;
	v6 =	vld [tilespmem:s25+$0x100]  }
0x27: {  	s29 =	sadd.s32 $0x0, s28;
	v5 =	vld [tilespmem:s25+$0x0]  }
0x28: {  	v3 =	vmov s29  }
0x29: {  	v4 =	vor.u32 s29, v1;
	v3 =	vshrl.u32 v3, $0x9  }
0x2a: {  	v4 =	vand.u32 $0x1FF, v4;
	v3 =	vcvt.s32.f32 v3  }
0x2b: {  	v4 =	vcvt.s32.f32 v4  }
0x2c: {  	v3 =	vadd.f32 v3, v6;
	v7 =	vtrunc.f32 v6;
	v9 =	vtrunc.f32 v5  }
0x2d: {  	v4 =	vadd.f32 v4, v5;
	v8 =	vcvt.f32.s32 v7;
	vm2 =	vlt.f32 v5, v9  }
0x2e: {  	vm0 =	vlt.f32 v6, v7;
	v7 =	vtrunc.f32 v3;
	v12 =	vsel vm2, $0xFFFFFFFF, v2  }
0x2f: {  	v10 =	vcvt.f32.s32 v7;
	vm1 =	vlt.f32 v3, v7;
	v7 =	vtrunc.f32 v4  }
0x30: {  	v3 =	vcvt.f32.s32 v9;
	vm13 =	vlt.f32 v4, v7;
	v4 =	vcvt.f32.s32 v7  }
0x31: {  	v11 =	vsel vm1, $0xFFFFFFFF, v2;
	v7 =	vsel vm0, $0xFFFFFFFF, v2;
	v9 =	vsel vm13, $0xFFFFFFFF, v2  }
0x32: {  	v10 =	vadd.s32 v10, v11;
	v3 =	vadd.s32 v3, v12;
	v11 =	vadd.s32 v4, v9  }
0x33: {  	v9 =	vcvt.s32.f32 v3;
	v4 =	vadd.s32 v8, v7;
	v12 =	vadd.s32 $0xFFFFFFFF, v10  }
0x34: {  	v14 =	vshll.u32 v10, $0x7;
	v8 =	vadd.s32 $0xFFFFFFFF, v11;
	vm14 =	vlt.u32 v12, $0x200  }
0x35: {  	v15 =	vadd.s32 $0xFFFFFF80, v14;
	v3 =	vshra.s32 v8, $0x1F;
	v13 =	vshra.s32 v8, $0x2  }
0x36: {  	v7 =	vand.u32 $0x3, v8;
	vm15 =	vgt.s32 v13, $0x0;
	v16 =	vor.u32 v3, v13  }
0x37: {  	v3 =	vnsel vm14, $0x0, v15;
	v13 =	vnsel vm15, $0x0, v13;
	vm4 =	vlt.s32 v16, $0x7E  }
0x38: {  	v15 =	vadd.s32 v0, v3;
	v3 =	vmin.u32 v13, $0x7F;
	v13 =	vnsel vm4, $0x7E, v16  }
0x39: {  	[tilespmem:s25+$0x1200] =	vst v7;
	v16 =	vcvt.s32.f32 v4;
	v4 =	vadd.s32 $0x1, v13;
	v7 =	vor.u32 v3, v15  }
0x3a: {  	s30 =	sand.u32 $0xF0, s26;
	v13 =	vadd.s32 v4, v15;
	[tilespmem:s25+$0x1300] =	vst v7  }
0x3b: {  	v5 =	vsub.f32 v5, v9;
	v6 =	vsub.f32 v6, v16;
	[tilespmem:s30+$0x1400] =	vst v13  }
0x3c: {  	v9 =	vld [tilespmem:s25+$0x200]  }
0x3d: {  	v7 =	vsub.f32 $1.000000000e+00, v5;
	v13 =	vsub.f32 $1.000000000e+00, v6;
	v15 =	vld [tilespmem:s25+$0x600]  }
0x3e: {  	v16 =	vld [tilespmem:s25+$0xA00]  }
0x3f: {  	vm5 =	vlt.u32 v10, $0x200;
	v20 =	vadd.s32 $0x1, v11;
	v18 =	vld [tilespmem:s25+$0xE00];
	v19 =	vmul.f32 v13, v7  }
0x40: {  	v21 =	vadd.s32 $0x2, v11;
	v22 =	vor.u32 v11, v12;
	v17 =	vor.u32 v8, v12  }
0x41: {  	v23 =	vor.u32 v20, v12;
	v24 =	vmul.f32 v13, v5;
	v9 =	vmul.f32 v19, v9  }
0x42: {  	v12 =	vor.u32 v21, v12;
	vm6 =	vlt.u32 v17, $0x200;
	v13 =	vmul.f32 v19, v15  }
0x43: {  	vm7 =	vlt.u32 v22, $0x200;
	v15 =	vmul.f32 v24, v16;
	v9 =	vnsel vm6, $0x0, v9  }
0x44: {  	vm8 =	vlt.u32 v23, $0x200;
	[tilespmem:s25+$0x1B00] =	vst v9;
	v9 =	vnsel vm7, $0x0, v13;
	v13 =	vmul.f32 v18, v24  }
0x45: {  	vm9 =	vlt.u32 v12, $0x200;
	v16 =	vnsel vm5, $0x0, v14;
	[tilespmem:s25+$0x1F00] =	vst v9;
	v9 =	vnsel vm8, $0x0, v15  }
0x46: {  	v12 =	vadd.s32 v0, v16;
	[tilespmem:s25+$0x2300] =	vst v9;
	v9 =	vnsel vm9, $0x0, v13  }
0x47: {  	v13 =	vor.u32 v3, v12;
	[tilespmem:s25+$0x2700] =	vst v9  }
0x48: {  	v61 =	vadd.s32 $0x2, v10;
	v12 =	vadd.s32 v12, v4;
	[tilespmem:s30+$0x1500] =	vst v13  }
0x49: {  	vm11 =	vlt.u32 v61, $0x200;
	[tilespmem:s30+$0x1600] =	vst v12  }
0x4a: {  	v27 =	vor.u32 v11, v10;
	v26 =	vor.u32 v8, v10;
	v15 =	vadd.s32 $0x1, v10;
	v62 =	vld [tilespmem:s25+$0x300]  }
0x4b: {  	v29 =	vor.u32 v20, v10;
	vm10 =	vlt.u32 v15, $0x200;
	v9 =	vadd.s32 $0x80, v14;
	v25 =	vld [tilespmem:s25+$0x700]  }
0x4c: {  	vm13 =	vlt.u32 v27, $0x200;
	vm12 =	vlt.u32 v26, $0x200;
	v9 =	vnsel vm10, $0x0, v9;
	v28 =	vld [tilespmem:s25+$0xB00]  }
0x4d: {  	vm14 =	vlt.u32 v29, $0x200;
	v10 =	vor.u32 v21, v10;
	v9 =	vadd.s32 v0, v9;
	v30 =	vld [tilespmem:s25+$0xF00]  }
0x4e: {  	v16 =	vor.u32 v8, v15;
	v8 =	vor.u32 v8, v61;
	v17 =	vor.u32 v3, v9  }
0x4f: {  	v18 =	vadd.s32 v4, v9;
	v9 =	vadd.s32 $0x100, v14;
	v23 =	vmul.f32 v62, v19  }
0x50: {  	v13 =	vor.u32 v20, v15;
	v14 =	vnsel vm11, $0x0, v9;
	v19 =	vmul.f32 v25, v19  }
0x51: {  	v9 =	vor.u32 v20, v61;
	v63 =	vmul.f32 v28, v24;
	v20 =	vnsel vm12, $0x0, v23  }
0x52: {  	vm15 =	vlt.u32 v10, $0x200;
	v19 =	vnsel vm13, $0x0, v19;
	[tilespmem:s25+$0x1C00] =	vst v20;
	v20 =	vmul.f32 v30, v24  }
0x53: {  	v10 =	vor.u32 v21, v61;
	v12 =	vor.u32 v21, v15;
	[tilespmem:s25+$0x2000] =	vst v19;
	v19 =	vnsel vm14, $0x0, v63  }
0x54: {  	s29 =	simm.s32 $0x40;
	v15 =	vor.u32 v11, v15;
	v11 =	vor.u32 v11, v61;
	[tilespmem:s25+$0x2400] =	vst v19;
	v19 =	vnsel vm15, $0x0, v20  }
.LBB2_3:
0x55: {  	p0 =	sne.s32 s29, $0x3C0  }
0x56: {  	[tilespmem:s25+$0x2800] =	vst v19;
	s26 =	sadd.s32 $0x10, s26;
	s31 =	smov.u32 s29;
	s29 =	sadd.s32 $0x40, s29  }
0x57: {  	[tilespmem:s30+$0x1700] =	vst v17  }
0x58: {  	[tilespmem:s30+$0x1800] =	vst v18  }
0x59: {  	v17 =	vld [tilespmem:s25+$0x400]  }
0x5a: {  	v18 =	vld [tilespmem:s25+$0x800]  }
0x5b: {  	v19 =	vld [tilespmem:s25+$0xC00]  }
0x5c: {  	v7 =	vmul.f32 v6, v7;
	v20 =	vld [tilespmem:s25+$0x1000];
	_ =	sdelay $0x1  }
0x5d: {  	v5 =	vmul.f32 v6, v5;
	v6 =	vmul.f32 v17, v7  }
0x5e: {  	vm0 =	vlt.u32 v16, $0x200;
	v16 =	vmul.f32 v18, v7  }
0x5f: {  	v6 =	vnsel vm0, $0x0, v6;
	vm0 =	vlt.u32 v15, $0x200;
	v15 =	vmul.f32 v19, v5  }
0x60: {  	[tilespmem:s25+$0x1D00] =	vst v6;
	v6 =	vnsel vm0, $0x0, v16;
	vm0 =	vlt.u32 v13, $0x200;
	v13 =	vmul.f32 v20, v5  }
0x61: {  	[tilespmem:s25+$0x2100] =	vst v6;
	v6 =	vnsel vm0, $0x0, v15;
	vm0 =	vlt.u32 v12, $0x200  }
0x62: {  	v12 =	vadd.s32 v0, v14;
	[tilespmem:s25+$0x2500] =	vst v6;
	v6 =	vnsel vm0, $0x0, v13  }
0x63: {  	v3 =	vor.u32 v3, v12;
	[tilespmem:s25+$0x2900] =	vst v6  }
0x64: {  	[tilespmem:s30+$0x1900] =	vst v3;
	v3 =	vadd.s32 v4, v12  }
0x65: {  	[tilespmem:s30+$0x1A00] =	vst v3  }
0x66: {  	v3 =	vld [tilespmem:s25+$0x900]  }
0x67: {  	v4 =	vld [tilespmem:s25+$0xD00]  }
0x68: {  	v6 =	vld [tilespmem:s25+$0x1100]  }
0x69: {  	v12 =	vld [tilespmem:s25+$0x500]  }
0x6a: {  	s30 =	sshra.s32 s31, $0x2  }
0x6b: {  	vm0 =	vlt.u32 v11, $0x200;
	s31 =	sadd.s32 s26, s28;
	v3 =	vmul.f32 v3, v7  }
0x6c: {  	v11 =	vmov s31;
	v13 =	vor.u32 s31, v1;
	v14 =	vld [tilespmem:s30+$0x100];
	v4 =	vmul.f32 v4, v5  }
0x6d: {  	vm1 =	vlt.u32 v9, $0x200;
	v13 =	vand.u32 $0x1FF, v13;
	v11 =	vshrl.u32 v11, $0x9;
	v15 =	vld [tilespmem:s30+$0x0]  }
0x6e: {  	v9 =	vcvt.s32.f32 v13;
	v3 =	vnsel vm0, $0x0, v3;
	v4 =	vnsel vm1, $0x0, v4  }
0x6f: {  	v11 =	vcvt.s32.f32 v11;
	[tilespmem:s25+$0x2600] =	vst v4;
	v4 =	vmul.f32 v6, v5  }
0x70: {  	vm0 =	vlt.u32 v8, $0x200;
	vm1 =	vlt.u32 v10, $0x200;
	v5 =	vmul.f32 v12, v7  }
0x71: {  	v6 =	vadd.f32 v11, v14;
	v7 =	vtrunc.f32 v14;
	[tilespmem:s25+$0x2200] =	vst v3;
	v3 =	vnsel vm1, $0x0, v4  }
0x72: {  	v4 =	vadd.f32 v9, v15;
	v8 =	vcvt.f32.s32 v7;
	vm1 =	vlt.f32 v14, v7;
	[tilespmem:s25+$0x2A00] =	vst v3  }
0x73: {  	v5 =	vnsel vm0, $0x0, v5;
	v7 =	vtrunc.f32 v15;
	v3 =	vtrunc.f32 v6  }
0x74: {  	v9 =	vcvt.f32.s32 v3;
	vm0 =	vlt.f32 v6, v3;
	v3 =	vcvt.f32.s32 v7;
	[tilespmem:s25+$0x1E00] =	vst v5;
	s25 =	smov.u32 s30  }
0x75: {  	v10 =	vsel vm1, $0xFFFFFFFF, v2;
	v5 =	vtrunc.f32 v4;
	v6 =	vsel vm0, $0xFFFFFFFF, v2  }
0x76: {  	vm1 =	vlt.f32 v15, v7;
	vm0 =	vlt.f32 v4, v5;
	v9 =	vadd.s32 v9, v6  }
0x77: {  	v4 =	vsel vm0, $0xFFFFFFFF, v2;
	v6 =	vsel vm1, $0xFFFFFFFF, v2;
	v11 =	vadd.s32 $0x1, v9  }
0x78: {  	v5 =	vcvt.f32.s32 v5;
	v3 =	vadd.s32 v3, v6;
	vm1 =	vlt.u32 v9, $0x200  }
0x79: {  	v6 =	vadd.s32 v8, v10;
	v10 =	vadd.s32 $0x2, v9;
	v3 =	vcvt.s32.f32 v3  }
0x7a: {  	v19 =	vadd.s32 v5, v4;
	vm0 =	vlt.u32 v10, $0x200  }
0x7b: {  	v12 =	vadd.s32 $0xFFFFFFFF, v9;
	v8 =	vadd.s32 $0xFFFFFFFF, v19;
	v5 =	vsub.f32 v15, v3  }
0x7c: {  	v20 =	vshll.u32 v9, $0x7;
	v4 =	vand.u32 $0x3, v8;
	v3 =	vcvt.s32.f32 v6  }
0x7d: {  	vm2 =	vlt.u32 v12, $0x200;
	v7 =	vadd.s32 $0xFFFFFF80, v20;
	[tilespmem:s25+$0x1200] =	vst v4;
	v4 =	vshra.s32 v8, $0x1F  }
0x7e: {  	v7 =	vnsel vm2, $0x0, v7;
	v6 =	vsub.f32 v14, v3;
	v3 =	vshra.s32 v8, $0x2  }
0x7f: {  	v7 =	vadd.s32 v0, v7;
	vm2 =	vgt.s32 v3, $0x0;
	v4 =	vor.u32 v4, v3  }
0x80: {  	v13 =	vsub.f32 $1.000000000e+00, v6;
	v3 =	vnsel vm2, $0x0, v3;
	vm2 =	vlt.s32 v4, $0x7E  }
0x81: {  	v14 =	vnsel vm1, $0x0, v20;
	v3 =	vmin.u32 v3, $0x7F;
	v4 =	vnsel vm2, $0x7E, v4  }
0x82: {  	v15 =	vadd.s32 $0x80, v20;
	v14 =	vadd.s32 v0, v14;
	v4 =	vadd.s32 $0x1, v4  }
0x83: {  	vm1 =	vlt.u32 v11, $0x200;
	v16 =	vor.u32 v3, v7;
	v17 =	vadd.s32 v4, v7  }
0x84: {  	s30 =	sand.u32 $0xF0, s26;
	v21 =	vor.u32 v8, v12;
	v15 =	vnsel vm1, $0x0, v15;
	v22 =	vor.u32 v3, v14;
	[tilespmem:s25+$0x1300] =	vst v16  }
0x85: {  	v7 =	vsub.f32 $1.000000000e+00, v5;
	v23 =	vadd.s32 v14, v4;
	v14 =	vadd.s32 v0, v15;
	[tilespmem:s30+$0x1400] =	vst v17  }
0x86: {  	v24 =	vadd.s32 $0x1, v19;
	v25 =	vadd.s32 $0x2, v19;
	v26 =	vor.u32 v19, v12;
	v15 =	vld [tilespmem:s25+$0x200]  }
0x87: {  	v29 =	vor.u32 v24, v12;
	v30 =	vor.u32 v25, v12;
	v27 =	vmul.f32 v13, v7;
	v28 =	vld [tilespmem:s25+$0x600]  }
0x88: {  	v31 =	vmul.f32 v13, v5;
	v18 =	vadd.s32 v4, v14;
	v17 =	vor.u32 v3, v14  }
0x89: {  	v33 =	vor.u32 v19, v9;
	v32 =	vor.u32 v8, v9;
	v34 =	vor.u32 v24, v9  }
0x8a: {  	v35 =	vor.u32 v25, v9;
	v12 =	vor.u32 v25, v11;
	v13 =	vor.u32 v24, v11  }
0x8b: {  	v16 =	vor.u32 v8, v11;
	v9 =	vmul.f32 v27, v15;
	v15 =	vor.u32 v19, v11  }
0x8c: {  	vm1 =	vlt.u32 v21, $0x200;
	v11 =	vadd.s32 $0x100, v20;
	v21 =	vmul.f32 v27, v28  }
0x8d: {  	v14 =	vnsel vm0, $0x0, v11;
	v20 =	vnsel vm1, $0x0, v9;
	v28 =	vld [tilespmem:s25+$0xA00];
	v9 =	vor.u32 v24, v10  }
0x8e: {  	v8 =	vor.u32 v8, v10;
	v11 =	vor.u32 v19, v10;
	v10 =	vor.u32 v25, v10;
	v24 =	vld [tilespmem:s25+$0xE00];
	_ =	sdelay $0x3  }
0x8f: {  	vm0 =	vlt.u32 v26, $0x200;
	v19 =	vmul.f32 v31, v28  }
0x90: {  	[tilespmem:s25+$0x1B00] =	vst v20;
	v20 =	vnsel vm0, $0x0, v21;
	vm0 =	vlt.u32 v29, $0x200;
	v21 =	vmul.f32 v24, v31  }
0x91: {  	[tilespmem:s25+$0x1F00] =	vst v20;
	v19 =	vnsel vm0, $0x0, v19;
	vm0 =	vlt.u32 v30, $0x200  }
0x92: {  	[tilespmem:s25+$0x2300] =	vst v19;
	v19 =	vnsel vm0, $0x0, v21  }
0x93: {  	[tilespmem:s25+$0x2700] =	vst v19  }
0x94: {  	[tilespmem:s30+$0x1500] =	vst v22  }
0x95: {  	[tilespmem:s30+$0x1600] =	vst v23  }
0x96: {  	v19 =	vld [tilespmem:s25+$0x300]  }
0x97: {  	v20 =	vld [tilespmem:s25+$0x700]  }
0x98: {  	v21 =	vld [tilespmem:s25+$0xB00]  }
0x99: {  	v22 =	vld [tilespmem:s25+$0xF00];
	_ =	sdelay $0x1  }
0x9a: {  	v19 =	vmul.f32 v19, v27  }
.Ltmp0:
0x9b: {  	vm0 =	vlt.u32 v32, $0x200;
	v20 =	vmul.f32 v20, v27;
	(pc) =	sbr.rel @p0 .LBB2_3-.Ltmp0, $4  }
0x9c: {  	v19 =	vnsel vm0, $0x0, v19;
	vm0 =	vlt.u32 v33, $0x200;
	v21 =	vmul.f32 v21, v31  }
0x9d: {  	[tilespmem:s25+$0x1C00] =	vst v19;
	v19 =	vnsel vm0, $0x0, v20;
	vm0 =	vlt.u32 v34, $0x200;
	v20 =	vmul.f32 v22, v31  }
0x9e: {  	[tilespmem:s25+$0x2000] =	vst v19;
	v19 =	vnsel vm0, $0x0, v21;
	vm0 =	vlt.u32 v35, $0x200  }
0x9f: {  	[tilespmem:s25+$0x2400] =	vst v19;
	v19 =	vnsel vm0, $0x0, v20  }
0xa0: {  	[tilespmem:s25+$0x2800] =	vst v19  }
0xa1: {  	[tilespmem:s30+$0x1700] =	vst v17  }
0xa2: {  	[tilespmem:s30+$0x1800] =	vst v18  }
0xa3: {  	v17 =	vld [tilespmem:s25+$0x400]  }
0xa4: {  	v18 =	vld [tilespmem:s25+$0x800]  }
0xa5: {  	v51 =	vld [tilespmem:s25+$0xC00]  }
0xa6: {  	v7 =	vmul.f32 v6, v7;
	v20 =	vld [tilespmem:s25+$0x1000];
	_ =	sdelay $0x1  }
0xa7: {  	v5 =	vmul.f32 v6, v5;
	v52 =	vmul.f32 v17, v7  }
0xa8: {  	vm0 =	vlt.u32 v16, $0x200;
	v53 =	vmul.f32 v18, v7  }
0xa9: {  	vm10 =	vlt.u32 v15, $0x200;
	v54 =	vmul.f32 v51, v5;
	v6 =	vnsel vm0, $0x0, v52  }
0xaa: {  	vm11 =	vlt.u32 v13, $0x200;
	v56 =	vmul.f32 v20, v5;
	v55 =	vnsel vm10, $0x0, v53;
	[tilespmem:s25+$0x1D00] =	vst v6  }
0xab: {  	vm12 =	vlt.u32 v12, $0x200;
	v57 =	vnsel vm11, $0x0, v54;
	[tilespmem:s25+$0x2100] =	vst v55  }
0xac: {  	v59 =	vadd.s32 v0, v14;
	v58 =	vnsel vm12, $0x0, v56;
	[tilespmem:s25+$0x2500] =	vst v57  }
0xad: {  	v3 =	vor.u32 v3, v59;
	[tilespmem:s25+$0x2900] =	vst v58  }
0xae: {  	[tilespmem:s30+$0x1900] =	vst v3;
	v3 =	vadd.s32 v4, v59  }
0xaf: {  	[tilespmem:s30+$0x1A00] =	vst v3  }
0xb0: {  	v3 =	vld [tilespmem:s25+$0xD00]  }
0xb1: {  	v60 =	vld [tilespmem:s25+$0x900]  }
0xb2: {  	v61 =	vld [tilespmem:s25+$0x1100]  }
0xb3: {  	v62 =	vld [tilespmem:s25+$0x500];
	_ =	sdelay $0x1  }
0xb4: {  	v3 =	vmul.f32 v3, v5  }
0xb5: {  	vm13 =	vlt.u32 v9, $0x200;
	v4 =	vmul.f32 v60, v7  }
0xb6: {  	vm1 =	vlt.u32 v11, $0x200;
	v5 =	vmul.f32 v61, v5;
	v3 =	vnsel vm13, $0x0, v3  }
0xb7: {  	vm14 =	vlt.u32 v10, $0x200;
	v4 =	vnsel vm1, $0x0, v4;
	[tilespmem:s25+$0x2600] =	vst v3;
	v3 =	vmul.f32 v62, v7  }
0xb8: {  	vm15 =	vlt.u32 v8, $0x200;
	v63 =	vnsel vm14, $0x0, v5;
	[tilespmem:s25+$0x2200] =	vst v4  }
0xb9: {  	[tilespmem:s25+$0x2A00] =	vst v63;
	v3 =	vnsel vm15, $0x0, v3  }
0xba: {  	[tilespmem:s25+$0x1E00] =	vst v3  }
0xbb: {  	[spmem:s11] =	stream.linear.scatter [tilespmem:s19], [sflag:$0x2], $0x800, $0x38;
	[tilespmem:$0xB600] =	vst v63  }
0xbc: {  	_ =	swait.ge [sflag:s15], $0x800  }
0xbd: {  	[sflag:s15] =	ssyncset.done $0x0  }
0xbe: {  	[sflag:s15] =	ssyncadd.s32 $0xFFFFF800  }
0xbf: {  	[tilespmem:s21], [sflag:$0x1] =	stream.indirect.gather [hbm4b:s4+s20], $0x10, s19, s20, $0xb8;
	[tilespmem:$0xB600] =	vst v63  }
0xc0: {  	s31 =	simm.s32 $0x1380;
	s26 =	simm.s32 $0x3300  }
0xc1: {  	[tilespmem:s26], [sflag:$0x1] =	stream.indirect.gather [hbm4b:s4+s20], $0x10, s31, s20, $0xb8;
	[tilespmem:$0xB600] =	vst v63  }
0xc2: {  	s30 =	simm.s32 $0x1400;
	s31 =	simm.s32 $0x3B00  }
0xc3: {  	[tilespmem:s31], [sflag:$0x1] =	stream.indirect.gather [hbm4b:s4+s20], $0x10, s30, s20, $0xb8;
	[tilespmem:$0xB600] =	vst v63  }
0xc4: {  	s30 =	simm.s32 $0x1480;
	s31 =	simm.s32 $0x4300  }
0xc5: {  	[tilespmem:s31], [sflag:$0x1] =	stream.indirect.gather [hbm4b:s4+s20], $0x10, s30, s20, $0xb8;
	[tilespmem:$0xB600] =	vst v63  }
0xc6: {  	s30 =	simm.s32 $0x1500;
	s31 =	simm.s32 $0x4B00  }
0xc7: {  	[tilespmem:s31], [sflag:$0x1] =	stream.indirect.gather [hbm4b:s4+s20], $0x10, s30, s20, $0xb8;
	[tilespmem:$0xB600] =	vst v63  }
0xc8: {  	s30 =	simm.s32 $0x1580;
	s31 =	simm.s32 $0x5300  }
0xc9: {  	[tilespmem:s31], [sflag:$0x1] =	stream.indirect.gather [hbm4b:s4+s20], $0x10, s30, s20, $0xb8;
	[tilespmem:$0xB600] =	vst v63  }
0xca: {  	s30 =	simm.s32 $0x1600;
	s31 =	simm.s32 $0x5B00  }
0xcb: {  	[tilespmem:s31], [sflag:$0x1] =	stream.indirect.gather [hbm4b:s4+s20], $0x10, s30, s20, $0xb8;
	[tilespmem:$0xB600] =	vst v63  }
0xcc: {  	s30 =	simm.s32 $0x1680;
	s31 =	simm.s32 $0x6300  }
0xcd: {  	[tilespmem:s31], [sflag:$0x1] =	stream.indirect.gather [hbm4b:s4+s20], $0x10, s30, s20, $0xb8;
	[tilespmem:$0xB600] =	vst v63  }
0xce: {  	s30 =	simm.s32 $0x1700;
	s31 =	simm.s32 $0x6B00  }
0xcf: {  	[tilespmem:s31], [sflag:$0x1] =	stream.indirect.gather [hbm4b:s4+s20], $0x10, s30, s20, $0xb8;
	[tilespmem:$0xB600] =	vst v63  }
0xd0: {  	s30 =	simm.s32 $0x1780;
	s31 =	simm.s32 $0x7300  }
0xd1: {  	[tilespmem:s31], [sflag:$0x1] =	stream.indirect.gather [hbm4b:s4+s20], $0x10, s30, s20, $0xb8;
	[tilespmem:$0xB600] =	vst v63  }
0xd2: {  	s30 =	simm.s32 $0x1800;
	s31 =	simm.s32 $0x7B00  }
0xd3: {  	[tilespmem:s31], [sflag:$0x1] =	stream.indirect.gather [hbm4b:s4+s20], $0x10, s30, s20, $0xb8;
	[tilespmem:$0xB600] =	vst v63  }
0xd4: {  	s30 =	simm.s32 $0x1880;
	s31 =	simm.s32 $0x8300  }
0xd5: {  	[tilespmem:s31], [sflag:$0x1] =	stream.indirect.gather [hbm4b:s4+s20], $0x10, s30, s20, $0xb8;
	[tilespmem:$0xB600] =	vst v63  }
0xd6: {  	s26 =	simm.s32 $0x1900;
	s30 =	simm.s32 $0x8B00  }
0xd7: {  	[tilespmem:s30], [sflag:$0x1] =	stream.indirect.gather [hbm4b:s4+s20], $0x10, s26, s20, $0xb8;
	[tilespmem:$0xB600] =	vst v63  }
0xd8: {  	s31 =	simm.s32 $0x1980  }
0xd9: {  	[tilespmem:s0], [sflag:$0x1] =	stream.indirect.gather [hbm4b:s4+s20], $0x10, s31, s20, $0xb8;
	[tilespmem:$0xB600] =	vst v63  }
0xda: {  	_ = 	snop  }
0xdb: {  	[tilespmem:s13], [sflag:$0x1] =	stream.indirect.gather [hbm4b:s4+s20], $0x10, s3, s20, $0xb8;
	[tilespmem:$0xB600] =	vst v63  }
0xdc: {  	_ = 	snop  }
0xdd: {  	[tilespmem:s2], [sflag:$0x1] =	stream.indirect.gather [hbm4b:s4+s20], $0x10, s14, s20, $0xb8;
	[tilespmem:$0xB600] =	vst v63  }
0xde: {  	_ =	swait.ge [sflag:s1], $0x800  }
0xdf: {  	[sflag:s1] =	ssyncset.done $0x0  }
0xe0: {  	[sflag:s1] =	ssyncadd.s32 $0xFFFFF800  }
0xe1: {  	_ =	swait.ge [sflag:s1], $0x800  }
0xe2: {  	[sflag:s1] =	ssyncset.done $0x0  }
0xe3: {  	[sflag:s1] =	ssyncadd.s32 $0xFFFFF800  }
0xe4: {  	_ =	swait.ge [sflag:s1], $0x800  }
0xe5: {  	[sflag:s1] =	ssyncset.done $0x0  }
0xe6: {  	[sflag:s1] =	ssyncadd.s32 $0xFFFFF800  }
0xe7: {  	_ =	swait.ge [sflag:s1], $0x800  }
0xe8: {  	[sflag:s1] =	ssyncset.done $0x0  }
0xe9: {  	[sflag:s1] =	ssyncadd.s32 $0xFFFFF800  }
0xea: {  	_ =	swait.ge [sflag:s1], $0x800  }
0xeb: {  	[sflag:s1] =	ssyncset.done $0x0  }
0xec: {  	[sflag:s1] =	ssyncadd.s32 $0xFFFFF800  }
0xed: {  	_ =	swait.ge [sflag:s1], $0x800  }
0xee: {  	[sflag:s1] =	ssyncset.done $0x0  }
0xef: {  	[sflag:s1] =	ssyncadd.s32 $0xFFFFF800  }
0xf0: {  	_ =	swait.ge [sflag:s1], $0x800  }
0xf1: {  	[sflag:s1] =	ssyncset.done $0x0  }
0xf2: {  	[sflag:s1] =	ssyncadd.s32 $0xFFFFF800  }
0xf3: {  	_ =	swait.ge [sflag:s1], $0x800  }
0xf4: {  	[sflag:s1] =	ssyncset.done $0x0  }
0xf5: {  	[sflag:s1] =	ssyncadd.s32 $0xFFFFF800  }
0xf6: {  	_ =	swait.ge [sflag:s1], $0x800  }
0xf7: {  	[sflag:s1] =	ssyncset.done $0x0  }
0xf8: {  	[sflag:s1] =	ssyncadd.s32 $0xFFFFF800  }
0xf9: {  	_ =	swait.ge [sflag:s1], $0x800  }
0xfa: {  	[sflag:s1] =	ssyncset.done $0x0  }
0xfb: {  	[sflag:s1] =	ssyncadd.s32 $0xFFFFF800  }
0xfc: {  	_ =	swait.ge [sflag:s1], $0x800  }
0xfd: {  	[sflag:s1] =	ssyncset.done $0x0  }
0xfe: {  	[sflag:s1] =	ssyncadd.s32 $0xFFFFF800  }
0xff: {  	_ =	swait.ge [sflag:s1], $0x800  }
0x100: {  	[sflag:s1] =	ssyncset.done $0x0  }
0x101: {  	[sflag:s1] =	ssyncadd.s32 $0xFFFFF800  }
0x102: {  	_ =	swait.ge [sflag:s1], $0x800  }
0x103: {  	[sflag:s1] =	ssyncset.done $0x0  }
0x104: {  	[sflag:s1] =	ssyncadd.s32 $0xFFFFF800  }
0x105: {  	_ =	swait.ge [sflag:s1], $0x800  }
0x106: {  	[sflag:s1] =	ssyncset.done $0x0  }
0x107: {  	[sflag:s1] =	ssyncadd.s32 $0xFFFFF800  }
0x108: {  	_ =	swait.ge [sflag:s1], $0x800  }
0x109: {  	[sflag:s1] =	ssyncset.done $0x0  }
0x10a: {  	[sflag:s1] =	ssyncadd.s32 $0xFFFFF800  }
0x10b: {  	_ =	swait.ge [sflag:s1], $0x800  }
0x10c: {  	s28 =	simm.s32 $0xAC00;
	s29 =	simm.s32 $0x1200;
	[sflag:s1] =	ssyncset.done $0x0  }
0x10d: {  	s25 =	simm.s32 $0x0;
	s26 =	simm.s32 $0x2300;
	[sflag:s1] =	ssyncadd.s32 $0xFFFFF800  }
.LBB2_5:
0x10e: {  	v8 =	vld [tilespmem:s29+$0x0];
	_ =	sdelay $0x4  }
0x10f: {  	v14 =	vor.u32 s25, v1;
	v3 =	vshll.u32 v8, $0x6;
	v4 =	vshll.u32 v8, $0x2  }
0x110: {  	v58 =	vadd.s32 $0x1, v8;
	v19 =	vadd.s32 $0x2, v8;
	v59 =	vadd.s32 $0x3, v8  }
0x111: {  	v3 =	vand.u32 $0xFFFFFF00, v3;
	v12 =	vand.u32 $0x8, v4;
	v5 =	vand.u32 $0x4, v4  }
0x112: {  	v10 =	vshll.u32 v58, $0x6;
	v4 =	vshll.u32 v58, $0x2;
	v21 =	vshll.u32 v19, $0x6  }
0x113: {  	v19 =	vshll.u32 v19, $0x2;
	v61 =	vshll.u32 v59, $0x6;
	v3 =	vadd.s32 v14, v3  }
0x114: {  	v6 =	vor.u32 $0x1, v5;
	v21 =	vand.u32 $0xFFFFFF00, v21;
	v17 =	vshll.u32 v3, $0x4  }
0x115: {  	v9 =	vor.u32 $0x2, v5;
	v21 =	vadd.s32 v14, v21;
	v3 =	vor.u32 v12, v17  }
0x116: {  	v23 =	vld [tilespmem:s26+$0xFFFFF800];
	v10 =	vand.u32 $0xFFFFFF00, v10;
	v21 =	vshll.u32 v21, $0x4;
	v7 =	vor.u32 v5, v3  }
0x117: {  	v28 =	vld [tilespmem:s26+$0xFFFFFC00];
	v38 =	vadd.s32 $0x2000, v17;
	v54 =	vadd.s32 $0x4000, v17;
	v15 =	vor.u32 v6, v3  }
0x118: {  	v35 =	vld [tilespmem:s26+$0x0];
	v17 =	vadd.s32 $0x6000, v17;
	v16 =	vor.u32 v9, v3;
	v38 =	vor.u32 v12, v38  }
0x119: {  	v39 =	vld [tilespmem:s26+$0x400];
	v3 =	vadd.s32 v14, v10;
	v10 =	vand.u32 $0x8, v4;
	v40 =	vor.u32 v5, v38  }
0x11a: {  	v43 =	vld [tilespmem:s26+$0xFFFFF900];
	v4 =	vand.u32 $0x4, v4;
	v45 =	vadd.s32 $0x2000, v21;
	v41 =	vor.u32 v6, v38  }
0x11b: {  	v55 =	vor.u32 v12, v54;
	v12 =	vor.u32 v12, v17;
	v38 =	vor.u32 v9, v38;
	v24 =	vld.idx.msk [tilespmem:v7+s21+$0x0], $0xffff  }
0x11c: {  	v18 =	vshll.u32 v3, $0x4;
	v56 =	vor.u32 v5, v55;
	v5 =	vor.u32 v5, v12;
	v26 =	vld.idx.msk [tilespmem:v15+s21+$0x0], $0xffff  }
0x11d: {  	v57 =	vor.u32 v6, v55;
	v6 =	vor.u32 v6, v12;
	v13 =	vor.u32 v10, v18;
	v27 =	vld.idx.msk [tilespmem:v16+s21+$0x0], $0xffff  }
0x11e: {  	v3 =	vor.u32 $0x1, v4;
	v11 =	vor.u32 $0x2, v4;
	v20 =	vor.u32 v4, v13;
	v62 =	vld.idx.msk [tilespmem:v40+s21+$0x0], $0xffff  }
0x11f: {  	v42 =	vadd.s32 $0x2000, v18;
	v58 =	vadd.s32 $0x4000, v18;
	v22 =	vor.u32 v3, v13;
	v41 =	vld.idx.msk [tilespmem:v41+s21+$0x0], $0xffff  }
0x120: {  	v25 =	vor.u32 v11, v13;
	v13 =	vand.u32 $0x8, v19;
	v42 =	vor.u32 v10, v42;
	v38 =	vld.idx.msk [tilespmem:v38+s21+$0x0], $0xffff  }
0x121: {  	v18 =	vadd.s32 $0x6000, v18;
	v60 =	vor.u32 v13, v21;
	v44 =	vor.u32 v4, v42;
	v5 =	vld.idx.msk [tilespmem:v5+s21+$0x0], $0xffff  }
0x122: {  	v63 =	vor.u32 v3, v42;
	v45 =	vor.u32 v13, v45;
	v7 =	vand.u32 $0x4, v19;
	v6 =	vld.idx.msk [tilespmem:v6+s21+$0x0], $0xffff  }
0x123: {  	v19 =	vand.u32 $0xFFFFFF00, v61;
	v15 =	vshll.u32 v59, $0x2;
	v29 =	vor.u32 v7, v60;
	v31 =	vld.idx.msk [tilespmem:v20+s21+$0x0], $0xffff  }
0x124: {  	v59 =	vor.u32 v10, v58;
	v10 =	vor.u32 v10, v18;
	v46 =	vor.u32 v7, v45;
	v32 =	vld.idx.msk [tilespmem:v22+s21+$0x0], $0xffff  }
0x125: {  	v8 =	vor.u32 $0x1, v7;
	v14 =	vadd.s32 v14, v19;
	v61 =	vor.u32 v3, v59;
	v25 =	vld.idx.msk [tilespmem:v25+s21+$0x0], $0xffff  }
0x126: {  	v19 =	vand.u32 $0x8, v15;
	v3 =	vor.u32 v3, v10;
	v30 =	vor.u32 v8, v60;
	v48 =	vld.idx.msk [tilespmem:v44+s21+$0x0], $0xffff  }
0x127: {  	v49 =	vor.u32 v8, v45;
	v20 =	vor.u32 $0x2, v7;
	v22 =	vshll.u32 v14, $0x4;
	v40 =	vld.idx.msk [tilespmem:v63+s21+$0x0], $0xffff  }
0x128: {  	v33 =	vor.u32 v20, v60;
	v24 =	vmul.f32 v24, v23;
	v26 =	vmul.f32 v26, v23;
	v29 =	vld.idx.msk [tilespmem:v29+s21+$0x0], $0xffff  }
0x129: {  	v60 =	vor.u32 v4, v59;
	v23 =	vmul.f32 v27, v23;
	v52 =	vld.idx.msk [tilespmem:v46+s21+$0x0], $0xffff;
	v27 =	vmul.f32 v62, v43  }
0x12a: {  	v4 =	vor.u32 v4, v10;
	v41 =	vmul.f32 v41, v43;
	v38 =	vmul.f32 v38, v43;
	v43 =	vld.idx.msk [tilespmem:v61+s21+$0x0], $0xffff  }
0x12b: {  	v15 =	vand.u32 $0x4, v15;
	v34 =	vor.u32 v19, v22;
	v10 =	vor.u32 v11, v10;
	v3 =	vld.idx.msk [tilespmem:v3+s21+$0x0], $0xffff  }
0x12c: {  	v16 =	vor.u32 $0x1, v15;
	v36 =	vor.u32 v15, v34;
	v30 =	vld.idx.msk [tilespmem:v30+s21+$0x0], $0xffff  }
0x12d: {  	v14 =	vor.u32 $0x2, v15;
	v37 =	vor.u32 v16, v34;
	v44 =	vld.idx.msk [tilespmem:v49+s21+$0x0], $0xffff  }
0x12e: {  	v34 =	vor.u32 v14, v34;
	v33 =	vld.idx.msk [tilespmem:v33+s21+$0x0], $0xffff  }
0x12f: {  	v47 =	vadd.s32 $0x2000, v22;
	v4 =	vld.idx.msk [tilespmem:v4+s21+$0x0], $0xffff  }
0x130: {  	v42 =	vor.u32 v11, v42;
	v50 =	vor.u32 v19, v47;
	v10 =	vld.idx.msk [tilespmem:v10+s21+$0x0], $0xffff  }
0x131: {  	v51 =	vor.u32 v15, v50;
	v53 =	vor.u32 v16, v50;
	v36 =	vld.idx.msk [tilespmem:v36+s21+$0x0], $0xffff  }
0x132: {  	v62 =	vadd.s32 $0x4000, v21;
	v24 =	vadd.f32 $0.0e+00, v24;
	v31 =	vmul.f32 v31, v28;
	v37 =	vld.idx.msk [tilespmem:v37+s21+$0x0], $0xffff  }
0x133: {  	v21 =	vadd.s32 $0x6000, v21;
	v26 =	vadd.f32 $0.0e+00, v26;
	v32 =	vmul.f32 v32, v28;
	v34 =	vld.idx.msk [tilespmem:v34+s21+$0x0], $0xffff  }
0x134: {  	v23 =	vadd.f32 $0.0e+00, v23;
	v25 =	vmul.f32 v25, v28;
	v24 =	vadd.f32 v31, v24;
	v31 =	vld [tilespmem:s26+$0xFFFFFD00]  }
0x135: {  	v63 =	vor.u32 v13, v62;
	v13 =	vor.u32 v13, v21;
	v26 =	vadd.f32 v32, v26;
	v32 =	vld.idx.msk [tilespmem:v42+s21+$0x0], $0xffff  }
0x136: {  	v49 =	vor.u32 v7, v63;
	v7 =	vor.u32 v7, v13;
	v23 =	vadd.f32 v25, v23;
	v25 =	vld [tilespmem:s26+$0x100]  }
0x137: {  	v45 =	vor.u32 v20, v45;
	v42 =	vor.u32 v14, v50;
	v50 =	vld.idx.msk [tilespmem:v60+s21+$0x0], $0xffff  }
0x138: {  	v60 =	vld [tilespmem:s26+$0x600];
	v29 =	vmul.f32 v29, v35  }
0x139: {  	v46 =	vld.idx.msk [tilespmem:v53+s21+$0x0], $0xffff  }
0x13a: {  	v30 =	vmul.f32 v30, v35;
	v24 =	vadd.f32 v29, v24;
	v29 =	vld.idx.msk [tilespmem:v51+s21+$0x0], $0xffff  }
0x13b: {  	v51 =	vor.u32 v8, v63;
	v7 =	vld.idx.msk [tilespmem:v7+s21+$0x0], $0xffff  }
0x13c: {  	v8 =	vor.u32 v8, v13;
	v33 =	vmul.f32 v33, v35;
	v26 =	vadd.f32 v30, v26;
	v30 =	vld.idx.msk [tilespmem:v45+s21+$0x0], $0xffff  }
0x13d: {  	v45 =	vor.u32 v9, v55;
	v55 =	vld [tilespmem:s26+$0x200];
	v36 =	vmul.f32 v36, v39;
	v37 =	vmul.f32 v37, v39  }
0x13e: {  	v13 =	vor.u32 v20, v13;
	v34 =	vmul.f32 v34, v39;
	v28 =	vmul.f32 v48, v31;
	v39 =	vld.idx.msk [tilespmem:v57+s21+$0x0], $0xffff  }
0x13f: {  	v9 =	vor.u32 v9, v12;
	v48 =	vld [tilespmem:s26+$0xFFFFFE00];
	v40 =	vmul.f32 v40, v31;
	v31 =	vmul.f32 v32, v31  }
0x140: {  	v35 =	vmul.f32 v52, v25;
	v52 =	vadd.s32 $0x4000, v22;
	v44 =	vmul.f32 v44, v25;
	v57 =	vld.idx.msk [tilespmem:v49+s21+$0x0], $0xffff  }
0x141: {  	v22 =	vadd.s32 $0x6000, v22;
	v23 =	vadd.f32 v33, v23;
	v33 =	vld [tilespmem:s26+$0x500];
	v54 =	vor.u32 v19, v52  }
0x142: {  	v24 =	vadd.f32 v36, v24;
	v26 =	vadd.f32 v37, v26;
	v37 =	vld.idx.msk [tilespmem:v42+s21+$0x0], $0xffff;
	v42 =	vor.u32 v11, v59  }
0x143: {  	v19 =	vor.u32 v19, v22;
	v36 =	vld.idx.msk [tilespmem:v56+s21+$0x0], $0xffff;
	v56 =	vor.u32 v15, v54;
	v58 =	vor.u32 v16, v54  }
0x144: {  	v15 =	vor.u32 v15, v19;
	v23 =	vadd.f32 v34, v23;
	v24 =	vadd.f32 v27, v24;
	v27 =	vld [tilespmem:s26+$0xFFFFFA00]  }
0x145: {  	v16 =	vor.u32 v16, v19;
	v26 =	vadd.f32 v41, v26;
	v41 =	vld.idx.msk [tilespmem:v45+s21+$0x0], $0xffff;
	v45 =	vor.u32 v20, v63  }
0x146: {  	v34 =	vld.idx.msk [tilespmem:v51+s21+$0x0], $0xffff;
	v25 =	vmul.f32 v30, v25;
	v23 =	vadd.f32 v38, v23;
	v24 =	vadd.f32 v28, v24  }
0x147: {  	v26 =	vadd.f32 v40, v26;
	v29 =	vmul.f32 v29, v33;
	v53 =	vld.idx.msk [tilespmem:v42+s21+$0x0], $0xffff;
	v42 =	vor.u32 v14, v54  }
0x148: {  	v38 =	vld [tilespmem:s26+$0xFFFFFB00];
	v61 =	vmul.f32 v46, v33;
	v23 =	vadd.f32 v31, v23;
	v24 =	vadd.f32 v35, v24  }
0x149: {  	v46 =	vmul.f32 v43, v48;
	v33 =	vmul.f32 v37, v33;
	v63 =	vld.idx.msk [tilespmem:v58+s21+$0x0], $0xffff;
	v26 =	vadd.f32 v44, v26  }
0x14a: {  	v35 =	vld.idx.msk [tilespmem:v56+s21+$0x0], $0xffff;
	v23 =	vadd.f32 v25, v23;
	v62 =	vmul.f32 v36, v27;
	v24 =	vadd.f32 v29, v24  }
0x14b: {  	v59 =	vld.idx.msk [tilespmem:v45+s21+$0x0], $0xffff;
	v39 =	vmul.f32 v39, v27;
	v27 =	vmul.f32 v41, v27;
	v26 =	vadd.f32 v61, v26  }
0x14c: {  	v23 =	vadd.f32 v33, v23;
	v37 =	vld.idx.msk [tilespmem:v42+s21+$0x0], $0xffff;
	v12 =	vadd.f32 v62, v24;
	v42 =	vmul.f32 v50, v48  }
0x14d: {  	v8 =	vld.idx.msk [tilespmem:v8+s21+$0x0], $0xffff;
	v14 =	vor.u32 v14, v19;
	v26 =	vadd.f32 v39, v26;
	v47 =	vmul.f32 v53, v48  }
0x14e: {  	v9 =	vld.idx.msk [tilespmem:v9+s21+$0x0], $0xffff;
	v48 =	vmul.f32 v57, v55;
	v44 =	vadd.f32 v27, v23;
	v11 =	vadd.f32 v42, v12  }
0x14f: {  	v49 =	vmul.f32 v34, v55;
	v45 =	vld [tilespmem:s26+$0xFFFFFF00];
	v51 =	vmul.f32 v35, v60;
	v23 =	vadd.f32 v46, v26  }
0x150: {  	v54 =	vld [tilespmem:s26+$0x700];
	v17 =	vmul.f32 v59, v55;
	v21 =	vadd.f32 v47, v44;
	v11 =	vadd.f32 v48, v11  }
0x151: {  	v5 =	vmul.f32 v5, v38;
	v50 =	vld [tilespmem:s26+$0x300];
	v52 =	vmul.f32 v63, v60;
	v20 =	vadd.f32 v49, v23  }
0x152: {  	v15 =	vld.idx.msk [tilespmem:v15+s21+$0x0], $0xffff;
	v17 =	vadd.f32 v17, v21;
	v18 =	vmul.f32 v37, v60;
	v11 =	vadd.f32 v51, v11  }
0x153: {  	v13 =	vld.idx.msk [tilespmem:v13+s21+$0x0], $0xffff;
	v6 =	vmul.f32 v6, v38;
	v9 =	vmul.f32 v9, v38;
	v53 =	vadd.f32 v52, v20  }
0x154: {  	v4 =	vmul.f32 v4, v45;
	v55 =	vld.idx.msk [tilespmem:v16+s21+$0x0], $0xffff;
	v17 =	vadd.f32 v18, v17;
	v5 =	vadd.f32 v5, v11  }
0x155: {  	v56 =	vld.idx.msk [tilespmem:v14+s21+$0x0], $0xffff;
	v3 =	vmul.f32 v3, v45;
	v10 =	vmul.f32 v10, v45;
	v6 =	vadd.f32 v6, v53  }
0x156: {  	v57 =	vmul.f32 v7, v50;
	v9 =	vadd.f32 v9, v17;
	v4 =	vadd.f32 v4, v5  }
0x157: {  	v61 =	vmul.f32 v15, v54;
	v59 =	vmul.f32 v8, v50;
	v3 =	vadd.f32 v3, v6  }
0x158: {  	v60 =	vmul.f32 v13, v50;
	v58 =	vadd.f32 v10, v9;
	v4 =	vadd.f32 v57, v4  }
0x159: {  	p0 =	sne.s32 s25, $0xF0;
	v62 =	vmul.f32 v55, v54;
	v3 =	vadd.f32 v59, v3  }
.Ltmp1:
0x15a: {  	v63 =	vmul.f32 v56, v54;
	v5 =	vadd.f32 v60, v58;
	v4 =	vadd.f32 v61, v4;
	(pc) =	sbr.rel @p0 .LBB2_5-.Ltmp1, $4  }
0x15b: {  	v3 =	vadd.f32 v62, v3  }
0x15c: {  	v5 =	vadd.f32 v63, v5;
	[tilespmem:s28+$0xFFFFFF00] =	vst v4  }
0x15d: {  	s29 =	sadd.s32 $0x10, s29;
	[tilespmem:s28+$0x0] =	vst v3  }
0x15e: {  	s25 =	sadd.s32 $0x10, s25;
	s26 =	sadd.s32 $0x10, s26;
	[tilespmem:s28+$0x100] =	vst v5;
	s28 =	sadd.s32 $0x10, s28  }
0x15f: {  	s24 =	sor.u32 s12, s24;
	s23 =	sadd.s32 $0x1, s23  }
0x160: {  	s24 =	sshrl.u32 s24, $0x3;
	p0 =	sne.s32 s23, $0x80  }
.Ltmp2:
0x161: {  	s24 =	sadd.s32 s6, s24;
	(pc) =	sbr.rel @p0 .LBB2_2-.Ltmp2, $4  }
0x162: {  	[hbm4b:s24+s16] =	stream.strided.scatter [tilespmem:s18], [sflag:$0x2], $0x300, s17, s16, $0x38;
	[tilespmem:$0xB600] =	vst v63  }
0x163: {  	_ =	swait.ge [sflag:s15], $0x300  }
0x164: {  	[sflag:s15] =	ssyncset.done $0x0  }
0x165: {  	s22 =	sadd.s32 $0x1, s22;
	[sflag:s15] =	ssyncadd.s32 $0xFFFFFD00  }
0x166: {  	s22 =	rddreg [dreg:$0x4]  }
0x167: {  	s23 =	rddreg [dreg:$0x5];
	s22 =	sadd.s32 $0x1, s22  }
0x168: {  	p0 =	sne.s32 s22, s23  }
.Ltmp3:
0x169: {  	_ = 	snop;
	(pc) =	sbr.rel @p0 .LBB2_1-.Ltmp3, $1  }
0x16a: {  	_ =	sdelay $0x3  }
0x16b: {  	_ =	sfence.sel $0x180000  }
0x16c: {  	[bflag:$0x0] =	sbarrier.arrive $0xFFFF  }
0x16d: {  	_ =	strace $0x9000004A  }
0x16e: {  	s0 =	stileid.u32;
	[bflag:$0x2] =	sbarrier.arrive $0xFFFF  }
0x16f: {  	p0 =	sne.s32 s0, $0x0;
	s0 =	rddreg [dreg:$0x3]  }
0x170: {  	s0 =	sadd.s32 @!p0 $0x100000, s0  }
0x171: {  	[sflag:s0] =	ssyncadd.tile.s32 @!p0 $0x1;
	_ =	shalt  }
.Lfunc_end2:
_tile_overlayer_lowered:
.L_overlay_start_2:
0x172: {  	(tag) =	ssettag $0x2  }
0x173: {  	s0 =	rddreg [dreg:$0x0];
	s2 =	stileid.u32  }
0x174: {  	s1 =	rddreg [dreg:$0x1];
	p0 =	sne.s32 s2, $0x0  }
0x175: {  	s3 =	rddreg [dreg:$0x2];
	[bflag:$0x3] =	sbarrier.arrive $0xFFFF;
	s2 =	simm.s32 @!p0 $0x1C02  }
0x176: {  	[timem:s3], [sflag:s2] =	dma.local @!p0 [hbm:s0], s1  }
0x177: {  	s0 =	simm.s32 @!p0 $0x2  }
0x178: {  	_ =	swait.ge @!p0 [sflag:s0], s1  }
0x179: {  	s1 =	ssub.s32 @!p0 $0x0, s1;
	[sflag:s0] =	ssyncset.done @!p0 $0x0  }
0x17a: {  	[sflag:s0] =	ssyncadd.s32 @!p0 s1  }
0x17b: {  	[bflag:$0x3] =	sbarrier.arrive $0xFFFF  }
0x17c: {  	_ =	shalt  }

// kernel: sparse-core-data-format-call.cloned.1.call-start
scs
called_computation_lowered:
.L_overlay_start_0:
0x0: {  	s2 =	sld [smem:$0x3FD9]  }
0x1: {  	s3 =	sld [smem:$0x3FFE];
	_ =	sdelay $0x1  }
0x2: {  	s1 =	srdreg.scid  }
0x3: {  	s0 =	sand.u32 $0x1, s1  }
0x4: {  	s18 =	sshll.u32 s0, $0xA;
	s2 =	sadd.s32 s3, s2  }
0x5: {  	s2 =	sadd.s32 s2, s18  }
0x6: {  	[smem:$0x3FC5] =	sst s2  }
0x7: {  	_ = 	snop  }
0x8: {  	s2 =	sld [smem:$0x3FC8];
	(tm) =	ssettm $0x1  }
0x9: {  	s19 =	sld [smem:$0x3FFB];
	_ =	sdelay $0x3  }
0xa: {  	_ =	strace s19  }
0xb: {  	s3 =	sld [smem:$0x3FFC];
	_ =	sdelay $0x3  }
0xc: {  	_ =	strace s3  }
0xd: {  	s3 =	sld [smem:$0x3FFD];
	_ =	sdelay $0x3  }
0xe: {  	_ =	strace s3  }
0xf: {  	_ =	strace $0x8FFFFFFF  }
0x10: {  	s20 =	sld [smem:$0x3FDB];
	_ =	sdelay $0x1  }
0x11: {  	s4 =	simm.s32 $_scs_section_size  }
0x12: {  	s5 =	simm.s32 $_size__tile_overlayer_lowered;
	s6 =	simm.s32 $_tile_overlayer_lowered  }
0x13: {  	s23 =	simm.s32 $0x1BFF;
	s22 =	sshll.u32 s6, $0x1;
	s3 =	sadd.s32 s4, s20  }
0x14: {  	s7 =	simm.s32 $0x0;
	s21 =	sshll.u32 s5, $0x1;
	s5 =	sadd.s32 s22, s3  }
0x15: {  	[timem:s7], [sflag:s23] =	dma.local [hbm:s5], s21  }
0x16: {  	_ =	swait.ge [sflag:s23], s21  }
0x17: {  	s4 =	ssub.s32 $0x0, s21;
	[sflag:s23] =	ssyncset.done $0x0  }
0x18: {  	[sflag:s23] =	ssyncadd.s32 s4;
	_ =	sdelay $0x1  }
0x19: {  	s24 =	simm.s32 $0x1B8B  }
0x1a: {  	_ =	swait.ge [sflag:s24], $0x1  }
0x1b: {  	[sflag:s24] =	ssyncset.done $0x0  }
0x1c: {  	s26 =	simm.s32 $0x1B8E;
	s25 =	sld [smem:$0x3FFE];
	[sflag:s24] =	ssyncadd.s32 $0xFFFFFFFF  }
0x1d: {  	s27 =	simm.s32 $execute0_lowered;
	[smem:$0x3FD2] =	sst s26  }
0x1e: {  	s5 =	sshll.u32 s27, $0x1;
	_ =	strace $0x80000046;
	[dreg:$0x1] =	wrdreg $0xFFFFFFFF  }
0x1f: {  	s28 =	simm.s32 $_size_execute0_lowered;
	s3 =	sadd.s32 s3, s5;
	[dreg:$0x0] =	wrdreg $0x0  }
0x20: {  	s5 =	sshll.u32 s28, $0x1;
	[dreg:$0x2] =	wrdreg s3  }
0x21: {  	[dreg:$0x3] =	wrdreg s5  }
0x22: {  	[dreg:$0x4] =	wrdreg $0xC0  }
0x23: {  	_ =	task [dreg:s7], $0x5FFFF  }
0x24: {  	[dreg:$0x1] =	wrdreg $0xFFFFFFFF  }
0x25: {  	[dreg:$0x0] =	wrdreg $0x60  }
0x26: {  	[dreg:$0x2] =	wrdreg s2  }
0x27: {  	[dreg:$0x3] =	wrdreg s25  }
0x28: {  	[dreg:$0x4] =	wrdreg $0x9  }
0x29: {  	_ =	task.clear_ibuf [dreg:s7], $0x5FFFF;
	_ =	strace $0x90000046  }
0x2a: {  	s29 =	simm.s32 $0x9;
	_ =	strace $0x80000048  }
0x2b: {  	_ =	swait.ge [sflag:s29], $0x1  }
0x2c: {  	[sflag:s29] =	ssyncadd.s32 $0xFFFFFFFF  }
0x2d: {  	_ =	strace $0x90000048  }
0x2e: {  	_ =	sfence  }
0x2f: {  	s30 =	sld [smem:$0x0];
	_ =	sdelay $0x2  }
0x30: {  	s31 =	sshll.u32 s1, $0xD;
	s1 =	sshrl.u32 s1, $0x2  }
0x31: {  	s3 =	sand.u32 $0x4000, s31;
	s1 =	sadd.s32 s1, s30  }
0x32: {  	s0 =	sor.u32 s3, s0;
	s1 =	sshll.u32 s1, $0x11  }
0x33: {  	s0 =	sor.u32 s1, s0  }
0x34: {  	s0 =	sadd.s32 $0x8F2B, s0  }
0x35: {  	[sflag:s0] =	ssyncadd.remote.s32 $0x1  }
0x36: {  	_ =	sfence.sel $0xFFFF  }
0x37: {  	[dreg:$0x0] =	wrdreg $0xFFFFFFFF;
	(pc) =	sbr.abs _section_cstart, $3  }
0x38: {  	[dreg:$0x1] =	wrdreg $0xFFFFFFFF  }
0x39: {  	_ =	task.clear_ibuf [dreg:s7], $0x2FFFF;
	_ =	strace $0x9FFFFFFF  }
0x3a: {  	(tm) =	ssettm $0x7FFFFFFF  }
0x3b: {  	_ =	shalt  }
tec
execute0_lowered:
.L_overlay_start_1:
0x0: {  	(tag) =	ssettag $0x1  }
0x1: {  	s0 =	srdreg.scid  }
0x2: {  	s1 =	sshll.u32 s0, $0x4  }
0x3: {  	s2 =	rddreg [dreg:$0x0];
	s0 =	stileid.u32;
	s1 =	sand.u32 $0x10, s1  }
0x4: {  	s4 =	rddreg [dreg:$0x1];
	s7 =	simm.s32 $0x1;
	s1 =	sor.u32 s0, s1  }
0x5: {  	s8 =	simm.s32 $0x2;
	s9 =	simm.s32 $0x0;
	s3 =	sshll.u32 s1, $0x2  }
0x6: {  	s12 =	simm.s32 $0x0;
	s11 =	simm.s32 $0x0;
	s6 =	ssub.s32 $0x1000, s3  }
.Ltmp0:
0x7: {  	s4 =	sadd.s32 $0xC00, s4;
	s5 =	sand.u32 $0x7C, s6;
	(pc) =	sbr.rel .LBB1_1-.Ltmp0, $4  }
0x8: {  	s1 =	rddreg [dreg:$0x2];
	_ =	strace $0x80000047;
	p0 =	sne.s32 s5, $0x0  }
0x9: {  	s6 =	sshrl.u32 s6, $0x7;
	s5 =	simm.s32 $0x1;
	s7 =	simm.s32 @!p0 $0x0  }
0xa: {  	s10 =	smov.u32 s3;
	[sflag:s5] =	ssyncpa.u1 $0x0;
	s6 =	sadd.s32 s7, s6  }
0xb: {  	[sflag:s8] =	ssyncpa.u1 $0x0;
	s8 =	simm.s32 $0x0;
	s7 =	sadd.s32 $0x1, s6  }
.LBB1_9:
0xc: {  	s14 =	sadd.s32 $0x80, s10  }
0xd: {  	p1 =	sgt.s32 s14, $0xFFF  }
0xe: {  	s14 =	smov.u32 @p1 s3;
	p1 =	sne.s32 s11, s7  }
.Ltmp1:
0xf: {  	p0 =	slt.u32 s11, $0x2;
	(pc) =	sbr.rel @!p1 .LBB1_10-.Ltmp1, $4  }
0x10: {  	s13 =	simm.s32 @!p0 $0x2  }
0x11: {  	s15 =	sadd.s32 $0x1, s11;
	_ =	swait.ge @!p0 [sflag:s13], $0x4000  }
0x12: {  	s12 =	smov.u32 s10;
	s9 =	sadd.s32 $0x4000, s9;
	[sflag:s13] =	ssyncset.done @!p0 $0x0  }
0x13: {  	s11 =	smov.u32 s15;
	s10 =	smov.u32 s14;
	[sflag:s13] =	ssyncadd.s32 @!p0 $0xFFFFC000  }
.LBB1_1:
0x14: {  	p0 =	sge.u32 s11, s6  }
0x15: {  	s13 =	sxor.u32 @!p0 $0xFFFFFFFF, s11  }
0x16: {  	s31 =	sadd.s32 $0xFFFFFFFF, s11;
	s14 =	sshll.u32 @!p0 s10, $0x9;
	s13 =	sshll.u32 @!p0 s13, $0xE  }
0x17: {  	s15 =	simm.s32 @!p0 $0x0;
	s14 =	sadd.s32 @!p0 s2, s14;
	s13 =	sand.u32 @!p0 $0x4000, s13  }
0x18: {  	[tilespmem:s13], [sflag:$0x1] =	stream.linear.gather @!p0 [hbm4b:s14+s15], $0x4000, $0x38;
	[tilespmem:$0x10000] =	vst v63  }
0x19: {  	p0 =	sge.u32 s31, s6  }
.Ltmp2:
0x1a: {  	_ = 	snop;
	(pc) =	sbr.rel @p0 .LBB1_9-.Ltmp2, $1  }
0x1b: {  	_ =	sdelay $0x3  }
0x1c: {  	s14 =	sand.u32 $0x4000, s9  }
0x1d: {  	_ =	swait.ge [sflag:s5], $0x4000;
	s15 =	sshll.u32 s11, $0xE;
	s16 =	simm.s32 $0x0  }
0x1e: {  	s13 =	sor.u32 $0x40, s14;
	[sflag:s5] =	ssyncset.done $0x0;
	s15 =	sand.u32 $0x4000, s15  }
0x1f: {  	s14 =	sor.u32 $0x8040, s14;
	[sflag:s5] =	ssyncadd.s32 $0xFFFFC000;
	s15 =	sor.u32 $0x8000, s15  }
.LBB1_3:
0x20: {  	s17 =	smov.u32 s14;
	s18 =	smov.u32 s13;
	s19 =	simm.s32 $0x0  }
.LBB1_4:
0x21: {  	v0 =	vmov s17;
	v2 =	vld [tilespmem:s18+$0x30]  }
0x22: {  	v4 =	vld [tilespmem:s18+$0xFFFFFFD0]  }
0x23: {  	v6 =	vld [tilespmem:s18+$0xFFFFFFE0]  }
0x24: {  	v7 =	vld [tilespmem:s18+$0xFFFFFFF0]  }
0x25: {  	s20 =	simm.s32 $0x0;
	v1 =	vld [tilespmem:s18+$0x0]  }
0x26: {  	v3 =	vld [tilespmem:s18+$0x10];
	[tilespmem:v0+s20+$0x30 ss:$0x1] =	vst.idx.msk $0xffff, v2  }
0x27: {  	v5 =	vld [tilespmem:s18+$0x20];
	[tilespmem:v0+s20+$0xFFFFFFD0 ss:$0x1] =	vst.idx.msk $0xffff, v4  }
0x28: {  	s21 =	sadd.s32 $0x80, s18;
	v2 =	vld [tilespmem:s18+$0xFFFFFFC0];
	[tilespmem:v0+s20+$0xFFFFFFE0 ss:$0x1] =	vst.idx.msk $0xffff, v6  }
0x29: {  	s22 =	simm.s32 $0x800;
	s23 =	simm.s32 $0x1000;
	v4 =	vld [tilespmem:s21+$0x30];
	[tilespmem:v0+s20+$0xFFFFFFF0 ss:$0x1] =	vst.idx.msk $0xffff, v7  }
.LBB1_5:
0x2a: {  	p0 =	sne.s32 s23, $0x3800;
	v6 =	vld [tilespmem:s21+$0xFFFFFFD0];
	[tilespmem:v0+s20+$0x0 ss:$0x1] =	vst.idx.msk $0xffff, v1  }
0x2b: {  	v7 =	vld [tilespmem:s21+$0xFFFFFFE0];
	[tilespmem:v0+s20+$0x10 ss:$0x1] =	vst.idx.msk $0xffff, v3  }
0x2c: {  	v8 =	vld [tilespmem:s21+$0xFFFFFFF0];
	[tilespmem:v0+s20+$0x20 ss:$0x1] =	vst.idx.msk $0xffff, v5  }
.Ltmp3:
0x2d: {  	v1 =	vld [tilespmem:s21+$0x0];
	[tilespmem:v0+s20+$0xFFFFFFC0 ss:$0x1] =	vst.idx.msk $0xffff, v2;
	s20 =	sshra.s32 s22, $0x2;
	s22 =	smov.u32 s23;
	(pc) =	sbr.rel @p0 .LBB1_5-.Ltmp3, $4  }
0x2e: {  	v3 =	vld [tilespmem:s21+$0x10];
	[tilespmem:v0+s20+$0x30 ss:$0x1] =	vst.idx.msk $0xffff, v4  }
0x2f: {  	[tilespmem:v0+s20+$0xFFFFFFD0 ss:$0x1] =	vst.idx.msk $0xffff, v6;
	v5 =	vld [tilespmem:s21+$0x20]  }
0x30: {  	v2 =	vld [tilespmem:s21+$0xFFFFFFC0];
	[tilespmem:v0+s20+$0xFFFFFFE0 ss:$0x1] =	vst.idx.msk $0xffff, v7;
	s21 =	sadd.s32 $0x80, s21  }
0x31: {  	s23 =	sadd.s32 $0x800, s23;
	v4 =	vld [tilespmem:s21+$0x30];
	[tilespmem:v0+s20+$0xFFFFFFF0 ss:$0x1] =	vst.idx.msk $0xffff, v8  }
0x32: {  	_ =	sdelay $0x3  }
0x33: {  	v6 =	vld [tilespmem:s21+$0xFFFFFFD0];
	[tilespmem:v0+s20+$0x0 ss:$0x1] =	vst.idx.msk $0xffff, v1  }
0x34: {  	v58 =	vld [tilespmem:s21+$0xFFFFFFE0];
	[tilespmem:v0+s20+$0x10 ss:$0x1] =	vst.idx.msk $0xffff, v3  }
0x35: {  	v59 =	vld [tilespmem:s21+$0xFFFFFFF0];
	[tilespmem:v0+s20+$0x20 ss:$0x1] =	vst.idx.msk $0xffff, v5  }
0x36: {  	s22 =	sshra.s32 s22, $0x2;
	v60 =	vld [tilespmem:s21+$0x0];
	[tilespmem:v0+s20+$0xFFFFFFC0 ss:$0x1] =	vst.idx.msk $0xffff, v2  }
0x37: {  	v61 =	vld [tilespmem:s21+$0x10];
	[tilespmem:v0+s22+$0x30 ss:$0x1] =	vst.idx.msk $0xffff, v4  }
0x38: {  	v62 =	vld [tilespmem:s21+$0x20];
	s19 =	sadd.s32 $0x1, s19;
	[tilespmem:v0+s22+$0xFFFFFFD0 ss:$0x1] =	vst.idx.msk $0xffff, v6  }
0x39: {  	v63 =	vld [tilespmem:s21+$0xFFFFFFC0];
	p0 =	sne.s32 s19, $0x4;
	[tilespmem:v0+s22+$0xFFFFFFE0 ss:$0x1] =	vst.idx.msk $0xffff, v58  }
.Ltmp4:
0x3a: {  	[tilespmem:v0+s22+$0xFFFFFFF0 ss:$0x1] =	vst.idx.msk $0xffff, v59;
	(pc) =	sbr.rel @p0 .LBB1_4-.Ltmp4, $4  }
0x3b: {  	[tilespmem:v0+s22+$0x0 ss:$0x1] =	vst.idx.msk $0xffff, v60  }
0x3c: {  	[tilespmem:v0+s22+$0x10 ss:$0x1] =	vst.idx.msk $0xffff, v61  }
0x3d: {  	[tilespmem:v0+s22+$0x20 ss:$0x1] =	vst.idx.msk $0xffff, v62  }
0x3e: {  	s18 =	sadd.s32 $0x400, s18;
	s17 =	sadd.s32 $0x80, s17;
	[tilespmem:v0+s22+$0xFFFFFFC0 ss:$0x1] =	vst.idx.msk $0xffff, v63  }
0x3f: {  	s16 =	sadd.s32 $0x1, s16  }
0x40: {  	p0 =	sne.s32 s16, $0x4  }
.Ltmp5:
0x41: {  	_ = 	snop;
	(pc) =	sbr.rel @p0 .LBB1_3-.Ltmp5, $2  }
0x42: {  	_ =	sdelay $0x2  }
0x43: {  	s13 =	sadd.s32 $0x1000, s13;
	s14 =	sadd.s32 $0x1000, s14  }
.Ltmp6:
0x44: {  	(pc) =	sbr.rel .LBB1_9-.Ltmp6, $4  }
0x45: {  	_ = 	snop  }
0x46: {  	s12 =	sshll.u32 s12, $0x9  }
0x47: {  	s12 =	sadd.s32 s4, s12  }
0x48: {  	[hbm4b:s12+s8] =	stream.linear.scatter [tilespmem:s15], [sflag:$0x2], $0x4000, $0x38;
	[tilespmem:$0x10000] =	vst v63  }
.LBB1_10:
0x49: {  	_ =	sfence.sel $0x180000  }
0x4a: {  	s2 =	simm.s32 $0x1;
	[bflag:$0x0] =	sbarrier.arrive $0xFFFF  }
0x4b: {  	s31 =	simm.s32 $0x2;
	[sflag:s2] =	ssyncpa.u1 $0x1  }
0x4c: {  	[sflag:s31] =	ssyncpa.u1 $0x1  }
0x4d: {  	p0 =	sne.s32 s0, $0x0;
	_ =	strace $0x90000047  }
0x4e: {  	s0 =	sadd.s32 @!p0 $0x100000, s1;
	[bflag:$0x2] =	sbarrier.arrive $0xFFFF  }
0x4f: {  	[sflag:s0] =	ssyncadd.tile.s32 @!p0 $0x1;
	_ =	shalt  }
.Lfunc_end1:
_tile_overlayer_lowered:
.L_overlay_start_2:
0x50: {  	(tag) =	ssettag $0x2  }
0x51: {  	s0 =	rddreg [dreg:$0x0];
	s2 =	stileid.u32  }
0x52: {  	s1 =	rddreg [dreg:$0x1];
	p0 =	sne.s32 s2, $0x0  }
0x53: {  	s3 =	rddreg [dreg:$0x2];
	[bflag:$0x3] =	sbarrier.arrive $0xFFFF;
	s2 =	simm.s32 @!p0 $0x1C01  }
0x54: {  	[timem:s3], [sflag:s2] =	dma.local @!p0 [hbm:s0], s1  }
0x55: {  	s0 =	simm.s32 @!p0 $0x1  }
0x56: {  	_ =	swait.ge @!p0 [sflag:s0], s1  }
0x57: {  	s1 =	ssub.s32 @!p0 $0x0, s1;
	[sflag:s0] =	ssyncset.done @!p0 $0x0  }
0x58: {  	[sflag:s0] =	ssyncadd.s32 @!p0 s1  }
0x59: {  	[bflag:$0x3] =	sbarrier.arrive $0xFFFF  }
0x5a: {  	_ =	shalt  }

</sc_bundles>
